<compile_context>
chip_gen: v7x
topology: tpu7x:2x2x1
jax: 0.10.2.dev20260603
libtpu: 0.0.44.dev20260713+nightly
codegen_flags: <defaults>
</compile_context>

<pallas_src>
import dataclasses
import functools

import jax
import jax.numpy as jnp
from jax import lax
from jax.experimental import pallas as pl
from jax.experimental.pallas import tpu as pltpu
from jax.experimental.pallas import tpu_sc as plsc

N = 10000
E = 320000
F = 128
C = 128
ED = 16
L = 3
EPS = 1e-5
INV_SQRT_C = 1.0 / (C ** 0.5)

QTW = C + 2 * ED
KVW = 2 * C
AUXW = 2 * ED
NW = 32
PER_W = E // NW
EB = 80
NB = PER_W // EB
NPAD = 10240
NROWS_T = NPAD // 16

_HI = jax.lax.Precision.HIGHEST
_DEF = None


def _dense_a(h, Wcat, bcat, WeT):
    BR = 1000

    def body(h_ref, wc_ref, bc_ref, wet_ref, qt_ref, kv_ref, xr_ref):
        hw = lax.dot_general(h_ref[...], wc_ref[...], (((1,), (0,)), ((), ())),
                             precision=_DEF, preferred_element_type=jnp.float32)
        hw = hw + bc_ref[...]
        q = hw[:, :C]
        qe = lax.dot_general(q, wet_ref[...], (((1,), (0,)), ((), ())),
                             precision=_HI, preferred_element_type=jnp.float32)
        qt_ref[...] = jnp.concatenate(
            [q, qe, jnp.zeros((BR, QTW - C - ED), jnp.float32)], axis=1)
        kv_ref[...] = hw[:, C:3 * C]
        xr_ref[...] = hw[:, 3 * C:]

    return pl.pallas_call(
        body,
        grid=(N // BR,),
        in_specs=[
            pl.BlockSpec((BR, F), lambda i: (i, 0)),
            pl.BlockSpec((F, 4 * C), lambda i: (0, 0)),
            pl.BlockSpec((1, 4 * C), lambda i: (0, 0)),
            pl.BlockSpec((C, ED), lambda i: (0, 0)),
        ],
        out_specs=[
            pl.BlockSpec((BR, QTW), lambda i: (i, 0)),
            pl.BlockSpec((BR, KVW), lambda i: (i, 0)),
            pl.BlockSpec((BR, C), lambda i: (i, 0)),
        ],
        out_shape=[
            jax.ShapeDtypeStruct((N, QTW), jnp.float32),
            jax.ShapeDtypeStruct((N, KVW), jnp.float32),
            jax.ShapeDtypeStruct((N, C), jnp.float32),
        ],
    )(h, Wcat, bcat, WeT)


_SC_MESH = plsc.VectorSubcoreMesh(
    core_axis_name="c", subcore_axis_name="s", num_cores=2, num_subcores=16)

_SC_PARAMS = pltpu.CompilerParams()
if "needs_layout_passes" in pltpu.CompilerParams.__dataclass_fields__:
    _SC_PARAMS = dataclasses.replace(_SC_PARAMS, needs_layout_passes=False)
if "use_tc_tiling_on_sc" in pltpu.CompilerParams.__dataclass_fields__:
    _SC_PARAMS = dataclasses.replace(_SC_PARAMS, use_tc_tiling_on_sc=False)


@functools.partial(
    pl.kernel,
    out_type=(
        jax.ShapeDtypeStruct((2, NPAD, C), jnp.float32),
        jax.ShapeDtypeStruct((E, AUXW), jnp.float32),
    ),
    mesh=_SC_MESH,
    scratch_types=[
        pltpu.VMEM((EB,), jnp.int32),
        pltpu.VMEM((EB,), jnp.int32),
        pltpu.VMEM((EB, QTW), jnp.float32),
        pltpu.VMEM((EB, KVW), jnp.float32),
        pltpu.VMEM((EB, ED), jnp.float32),
        pltpu.VMEM((EB, C), jnp.float32),
        pltpu.VMEM((EB, AUXW), jnp.float32),
        pltpu.VMEM_SHARED((NPAD, C), jnp.float32),
        pltpu.SemaphoreType.DMA,
        pltpu.SemaphoreType.DMA,
    ],
    compiler_params=_SC_PARAMS,
)
def _edge_main(qt_h, kv_h, ea_h, src_h, dst_h, z_h, out_h, aux_h,
               srcb, dstb, qtb, kvb, eab, ctb, axb, acc, sem1, sem2):
    c = lax.axis_index("c")
    s = lax.axis_index("s")
    wid = c * 16 + s
    rows0 = s * NROWS_T

    pltpu.sync_copy(z_h, acc.at[pl.ds(rows0, NROWS_T)])
    plsc.subcore_barrier()

    denmask = jnp.where(lax.iota(jnp.int32, 16) < 1, 1.0, 0.0).astype(jnp.float32)
    base0 = wid * PER_W

    @pl.loop(0, NB)
    def _(j):
        base = base0 + j * EB
        pltpu.sync_copy(src_h.at[pl.ds(base, EB)], srcb)
        pltpu.sync_copy(dst_h.at[pl.ds(base, EB)], dstb)
        cp1 = pltpu.async_copy(qt_h.at[dstb], qtb, sem1)
        cp2 = pltpu.async_copy(kv_h.at[srcb], kvb, sem2)
        pltpu.sync_copy(ea_h.at[pl.ds(base, EB)], eab)
        cp1.wait()
        cp2.wait()

        @pl.loop(0, EB)
        def _(i):
            av = qtb[i, pl.ds(C, 16)] * eab[i, pl.ds(0, 16)]
            for c0 in range(0, C, 16):
                av = av + qtb[i, pl.ds(c0, 16)] * kvb[i, pl.ds(c0, 16)]
            alpha = jnp.sum(av) * INV_SQRT_C
            ex = jnp.exp(jnp.full((16,), alpha, jnp.float32))
            for c0 in range(0, C, 16):
                ctb[i, pl.ds(c0, 16)] = kvb[i, pl.ds(C + c0, 16)] * ex
            axb[i, pl.ds(0, 16)] = eab[i, pl.ds(0, 16)] * ex
            axb[i, pl.ds(16, 16)] = ex * denmask

        pltpu.sync_copy(ctb, acc.at[dstb], add=True)
        pltpu.sync_copy(axb, aux_h.at[pl.ds(base, EB)])

    plsc.subcore_barrier()
    pltpu.sync_copy(acc.at[pl.ds(rows0, NROWS_T)],
                    out_h.at[c, pl.ds(rows0, NROWS_T)])


EB2 = 80
NB2 = PER_W // EB2


@functools.partial(
    pl.kernel,
    out_type=jax.ShapeDtypeStruct((2, NPAD, AUXW), jnp.float32),
    mesh=_SC_MESH,
    scratch_types=[
        pltpu.VMEM((EB2,), jnp.int32),
        pltpu.VMEM((EB2, AUXW), jnp.float32),
        pltpu.VMEM_SHARED((NPAD, AUXW), jnp.float32),
    ],
    compiler_params=_SC_PARAMS,
)
def _edge_aux(aux_h, dst_h, z_h, out_h, dstb, axb, acc):
    c = lax.axis_index("c")
    s = lax.axis_index("s")
    wid = c * 16 + s
    rows0 = s * NROWS_T

    pltpu.sync_copy(z_h, acc.at[pl.ds(rows0, NROWS_T)])
    plsc.subcore_barrier()
    base0 = wid * PER_W

    @pl.loop(0, NB2)
    def _(j):
        base = base0 + j * EB2
        pltpu.sync_copy(dst_h.at[pl.ds(base, EB2)], dstb)
        pltpu.sync_copy(aux_h.at[pl.ds(base, EB2)], axb)
        pltpu.sync_copy(axb, acc.at[dstb], add=True)

    plsc.subcore_barrier()
    pltpu.sync_copy(acc.at[pl.ds(rows0, NROWS_T)],
                    out_h.at[c, pl.ds(rows0, NROWS_T)])


def _dense_c1(p1, p2, xr, We, wb, Wt, bt2):
    BR = 1000

    def body(p1_ref, p2_ref, xr_ref, we_ref, wb_ref, wt_ref, bt_ref,
             o_ref):
        num = p1_ref[0] + p1_ref[1]
        aux = p2_ref[0] + p2_ref[1]
        num2 = aux[:, :ED]
        den = aux[:, ED:ED + 1]
        out = (num + lax.dot_general(num2, we_ref[...], (((1,), (0,)), ((), ())),
                                     precision=_HI,
                                     preferred_element_type=jnp.float32)
               ) / (den + 1e-16)
        xr = xr_ref[...]
        cat = jnp.concatenate([out, xr, out - xr], axis=1)
        bl = lax.dot_general(cat, wb_ref[...], (((1,), (0,)), ((), ())),
                             precision=_DEF, preferred_element_type=jnp.float32)
        b = jax.nn.sigmoid(bl)
        h1 = b * xr + (1.0 - b) * out
        h2 = lax.dot_general(h1, wt_ref[...], (((1,), (0,)), ((), ())),
                             precision=_DEF, preferred_element_type=jnp.float32)
        o_ref[...] = jax.nn.relu(h2 + bt_ref[...])

    return pl.pallas_call(
        body,
        grid=(N // BR,),
        in_specs=[
            pl.BlockSpec((2, BR, C), lambda i: (0, i, 0)),
            pl.BlockSpec((2, BR, AUXW), lambda i: (0, i, 0)),
            pl.BlockSpec((BR, C), lambda i: (i, 0)),
            pl.BlockSpec((ED, C), lambda i: (0, 0)),
            pl.BlockSpec((3 * C, 1), lambda i: (0, 0)),
            pl.BlockSpec((C, C), lambda i: (0, 0)),
            pl.BlockSpec((1, C), lambda i: (0, 0)),
        ],
        out_specs=pl.BlockSpec((BR, C), lambda i: (i, 0)),
        out_shape=jax.ShapeDtypeStruct((N, C), jnp.float32),
    )(p1, p2, xr, We, wb, Wt, bt2)


def _dense_c2(h2, gamma2, bnb2, Wout, bout2, last):
    OC = 40 if last else C

    def body(h_ref, g_ref, bb_ref, wo_ref, bo_ref, o_ref):
        h2 = h_ref[...]
        mu = jnp.mean(h2, axis=0, keepdims=True)
        d = h2 - mu
        var = jnp.mean(d * d, axis=0, keepdims=True)
        hn = d * lax.rsqrt(var + EPS) * g_ref[...] + bb_ref[...]
        if last:
            o_ref[...] = lax.dot_general(
                hn, wo_ref[...], (((1,), (0,)), ((), ())),
                precision=_DEF, preferred_element_type=jnp.float32) + bo_ref[...]
        else:
            o_ref[...] = hn

    return pl.pallas_call(
        body,
        in_specs=[
            pl.BlockSpec((N, C), lambda: (0, 0)),
            pl.BlockSpec((1, C), lambda: (0, 0)),
            pl.BlockSpec((1, C), lambda: (0, 0)),
            pl.BlockSpec((C, 40), lambda: (0, 0)),
            pl.BlockSpec((1, 40), lambda: (0, 0)),
        ],
        out_specs=pl.BlockSpec((N, OC), lambda: (0, 0)),
        out_shape=jax.ShapeDtypeStruct((N, OC), jnp.float32),
    )(h2, gamma2, bnb2, Wout, bout2)


def kernel(x, edge_index, edge_attr, Wq, bq, Wk, bk, Wv, bv, We, Wskip, bskip,
           Wbeta, Wt, bt, gamma, bnb, Wout, bout):
    src = edge_index[0].astype(jnp.int32)
    dst = edge_index[1].astype(jnp.int32)
    z1 = jnp.zeros((NROWS_T, C), jnp.float32)
    z2 = jnp.zeros((NROWS_T, AUXW), jnp.float32)
    bout2 = bout.reshape(1, 40)

    h = x
    for i in range(L):
        Wcat = jnp.concatenate([Wq[i], Wk[i], Wv[i], Wskip[i]], axis=1)
        bcat = jnp.concatenate([bq[i], bk[i], bv[i], bskip[i]]).reshape(1, 4 * C)
        qt, kv, xr = _dense_a(h, Wcat, bcat, We[i].T)
        p1, aux = _edge_main(qt, kv, edge_attr, src, dst, z1)
        p2 = _edge_aux(aux, dst, z2)
        h2 = _dense_c1(p1[:, :N], p2[:, :N], xr, We[i], Wbeta[i].reshape(3 * C, 1),
                       Wt[i], bt[i].reshape(1, C))
        h = _dense_c2(h2, gamma[i].reshape(1, C), bnb[i].reshape(1, C),
                      Wout, bout2, last=(i == L - 1))
    return h

# --- scband reference (transcript-rebuilt; emitter-appended) ---
"""Pipeline reference for scband-gnnmodel-86131274154307 (READ-ONLY COPY).

The authoritative reference and input builder live on the scoring server;
editing this copy changes nothing except your own understanding.
"""

import jax, jax.numpy as jnp
import numpy as np

N = 10000
E = 320000
F = 128
H = 1
C = 128
HC = H * C
ED = 16
L = 3
NC = 40
EPS = 1e-5


def setup_inputs(seed: int = 0) -> dict:
    key = jax.random.key(seed)
    ks = jax.random.split(key, 16)
    s = 0.05
    inp = {}
    inp["x"] = jax.random.normal(ks[0], (N, F), jnp.float32)
    inp["edge_index"] = jax.random.randint(ks[1], (2, E), 0, N, dtype=jnp.int32).astype(jnp.int64)
    inp["edge_attr"] = jax.random.normal(ks[2], (E, ED), jnp.float32)
    inp["Wq"] = jax.random.normal(ks[3], (L, F, HC), jnp.float32) * s
    inp["bq"] = jnp.zeros((L, HC), jnp.float32)
    inp["Wk"] = jax.random.normal(ks[4], (L, F, HC), jnp.float32) * s
    inp["bk"] = jnp.zeros((L, HC), jnp.float32)
    inp["Wv"] = jax.random.normal(ks[5], (L, F, HC), jnp.float32) * s
    inp["bv"] = jnp.zeros((L, HC), jnp.float32)
    inp["We"] = jax.random.normal(ks[6], (L, ED, HC), jnp.float32) * s
    inp["Wskip"] = jax.random.normal(ks[7], (L, F, HC), jnp.float32) * s
    inp["bskip"] = jnp.zeros((L, HC), jnp.float32)
    inp["Wbeta"] = jax.random.normal(ks[8], (L, 3 * HC), jnp.float32) * s
    inp["Wt"] = jax.random.normal(ks[9], (L, HC, C), jnp.float32) * s
    inp["bt"] = jnp.zeros((L, C), jnp.float32)
    inp["gamma"] = jnp.ones((L, C), jnp.float32)
    inp["bnb"] = jnp.zeros((L, C), jnp.float32)
    inp["Wout"] = jax.random.normal(ks[10], (C, NC), jnp.float32) * s
    inp["bout"] = jnp.zeros((NC,), jnp.float32)
    return inp


def _transformer_conv(x, edge_index, edge_attr, Wq, bq, Wk, bk, Wv, bv, We, Wskip, bskip, Wbeta):
    # PyG TransformerConv with beta=True and edge_dim set.
    src = edge_index[0]
    dst = edge_index[1]
    q = (x @ Wq + bq).reshape(-1, H, C)
    k = (x @ Wk + bk).reshape(-1, H, C)
    v = (x @ Wv + bv).reshape(-1, H, C)
    e = (edge_attr @ We).reshape(-1, H, C)
    qi = q[dst]
    kj = k[src] + e
    vj = v[src] + e
    alpha = (qi * kj).sum(-1) / jnp.sqrt(float(C))  # [E, H]
    amax = jax.ops.segment_max(alpha, dst, num_segments=N)
    amax = jnp.where(jnp.isfinite(amax), amax, 0.0)
    amax = jax.lax.stop_gradient(amax)
    ex = jnp.exp(alpha - amax[dst])
    den = jax.ops.segment_sum(ex, dst, num_segments=N)
    a = ex / (den[dst] + 1e-16)
    out = jax.ops.segment_sum(a[:, :, None] * vj, dst, num_segments=N).reshape(-1, HC)
    x_r = x @ Wskip + bskip
    b = jax.nn.sigmoid(jnp.concatenate([out, x_r, out - x_r], axis=-1) @ Wbeta[:, None])
    return b * x_r + (1.0 - b) * out


def _bn(h, g, b):
    mu = h.mean(0)
    var = h.var(0)
    return (h - mu) / jnp.sqrt(var + EPS) * g + b


def reference(x, edge_index, edge_attr, Wq, bq, Wk, bk, Wv, bv, We, Wskip, bskip, Wbeta, Wt, bt, gamma, bnb, Wout, bout):
    h = x
    for i in range(L):
        h = _transformer_conv(h, edge_index, edge_attr, Wq[i], bq[i], Wk[i], bk[i], Wv[i], bv[i], We[i], Wskip[i], bskip[i], Wbeta[i])
        h = jax.nn.relu(h @ Wt[i] + bt[i])
        h = _bn(h, gamma[i], bnb[i])
    return h @ Wout + bout

if __name__ == "__main__":
    import jax
    _d = setup_inputs()
    print(jax.jit(kernel)(*tuple(_d.values())))

</pallas_src>

<mosaic_0001>
#map = affine_map<(d0, d1) -> (0, 0)>
#map1 = affine_map<(d0, d1) -> (0)>
#map2 = affine_map<(d0, d1) -> (0, 0, 0)>
module attributes {stable_mosaic.version = 14 : i64} {
  func.func @_edge_aux(%arg0: i32, %arg1: i32, %arg2: memref<320000x32xf32, #tpu.memory_space<hbm>>, %arg3: memref<320000xi32, #tpu.memory_space<hbm>>, %arg4: memref<640x32xf32, #tpu.memory_space<hbm>>, %arg5: memref<2x10240x32xf32, #tpu.memory_space<hbm>>, %arg6: memref<80xi32, #tpu.memory_space<vmem>>, %arg7: memref<80x32xf32, #tpu.memory_space<vmem>>, %arg8: memref<10240x32xf32, #tpu.memory_space<vmem_shared>>) attributes {dimension_semantics = [#tpu.dimension_semantics<core_parallel>, #tpu.dimension_semantics<subcore_parallel>], iteration_bounds = array<i64: 2, 16>, scalar_prefetch = 0 : i64, scratch_operands = 3 : i64, tpu.core_type = #tpu.core_type<sc_vector_subcore>, window_params = [{transform_indices = #map}, {transform_indices = #map1}, {transform_indices = #map}, {transform_indices = #map2}]} {
    %mul3A = arith.constant 16 : i32
    %mul3A_0 = arith.muli %arg0, %mul3A : i32
    %add3A = arith.addi %mul3A_0, %arg1 : i32
    %mul3A_1 = arith.constant 640 : i32
    %mul3A_2 = arith.muli %arg1, %mul3A_1 : i32
    "tpu.region"() ({
      %run_scoped3A = tpu.sem_alloc : memref<!tpu.dma_semaphore, #tpu.memory_space<semaphore_mem>>
      %dma_start3A = arith.constant 0 : i32
      %dma_start3A_10 = tpu.memref_slice %arg8[%mul3A_2, %dma_start3A] : memref<10240x32xf32, #tpu.memory_space<vmem_shared>> -> memref<640x32xf32, #tpu.memory_space<vmem_shared>>
      tpu.enqueue_dma source(%arg4 : memref<640x32xf32, #tpu.memory_space<hbm>>) target(%dma_start3A_10 : memref<640x32xf32, #tpu.memory_space<vmem_shared>>) target_semaphore(%run_scoped3A : memref<!tpu.dma_semaphore, #tpu.memory_space<semaphore_mem>>)
      %dma_wait3A = arith.constant 0 : i32
      %dma_wait3A_11 = tpu.memref_slice %arg8[%mul3A_2, %dma_wait3A] : memref<10240x32xf32, #tpu.memory_space<vmem_shared>> -> memref<640x32xf32, #tpu.memory_space<vmem_shared>>
      tpu.wait_dma2 semaphore(%run_scoped3A : memref<!tpu.dma_semaphore, #tpu.memory_space<semaphore_mem>>) src(%arg4 : memref<640x32xf32, #tpu.memory_space<hbm>>) dst(%dma_wait3A_11 : memref<640x32xf32, #tpu.memory_space<vmem_shared>>)
      tpu.yield
    }) : () -> ()
    %barrier3A = arith.constant 0 : index
    tpu.barrier barrier_id(%barrier3A)
    %mul3A_3 = arith.constant 10000 : i32
    %mul3A_4 = arith.muli %add3A, %mul3A_3 : i32
    %scan3A = arith.constant 0 : i32
    %scan3A_5 = arith.constant 125 : i32
    %scan3A_6 = arith.addi %scan3A, %scan3A_5 : i32
    %scan3A_7 = arith.constant 1 : i32
    scf.for %scan3A_10 = %scan3A to %scan3A_6 step %scan3A_7  : i32 {
      %mul3A_11 = arith.constant 1 : i32
      %mul3A_12 = arith.muli %scan3A_10, %mul3A_11 : i32
      %add3A_13 = arith.constant 0 : i32
      %add3A_14 = arith.addi %add3A_13, %mul3A_12 : i32
      %mul3A_15 = arith.constant 80 : i32
      %mul3A_16 = arith.muli %add3A_14, %mul3A_15 : i32
      %add3A_17 = arith.addi %mul3A_4, %mul3A_16 : i32
      "tpu.region"() ({
        %run_scoped3A = tpu.sem_alloc : memref<!tpu.dma_semaphore, #tpu.memory_space<semaphore_mem>>
        %dma_start3A = tpu.memref_slice %arg3[%add3A_17] : memref<320000xi32, #tpu.memory_space<hbm>> -> memref<80xi32, #tpu.memory_space<hbm>>
        %dma_start3A_18 = tpu.memref_slice %arg3[%add3A_17] : memref<320000xi32, #tpu.memory_space<hbm>> -> memref<80xi32, #tpu.memory_space<hbm>>
        tpu.enqueue_dma source(%dma_start3A_18 : memref<80xi32, #tpu.memory_space<hbm>>) target(%arg6 : memref<80xi32, #tpu.memory_space<vmem>>) target_semaphore(%run_scoped3A : memref<!tpu.dma_semaphore, #tpu.memory_space<semaphore_mem>>)
        %dma_wait3A = tpu.memref_slice %arg3[%add3A_17] : memref<320000xi32, #tpu.memory_space<hbm>> -> memref<80xi32, #tpu.memory_space<hbm>>
        %dma_wait3A_19 = tpu.memref_slice %arg3[%add3A_17] : memref<320000xi32, #tpu.memory_space<hbm>> -> memref<80xi32, #tpu.memory_space<hbm>>
        tpu.wait_dma2 semaphore(%run_scoped3A : memref<!tpu.dma_semaphore, #tpu.memory_space<semaphore_mem>>) src(%dma_wait3A_19 : memref<80xi32, #tpu.memory_space<hbm>>) dst(%arg6 : memref<80xi32, #tpu.memory_space<vmem>>)
        tpu.yield
      }) : () -> ()
      "tpu.region"() ({
        %run_scoped3A = tpu.sem_alloc : memref<!tpu.dma_semaphore, #tpu.memory_space<semaphore_mem>>
        %dma_start3A = arith.constant 0 : i32
        %dma_start3A_18 = tpu.memref_slice %arg2[%add3A_17, %dma_start3A] : memref<320000x32xf32, #tpu.memory_space<hbm>> -> memref<80x32xf32, #tpu.memory_space<hbm>>
        %dma_start3A_19 = arith.constant 0 : i32
        %dma_start3A_20 = tpu.memref_slice %arg2[%add3A_17, %dma_start3A_19] : memref<320000x32xf32, #tpu.memory_space<hbm>> -> memref<80x32xf32, #tpu.memory_space<hbm>>
        tpu.enqueue_dma source(%dma_start3A_20 : memref<80x32xf32, #tpu.memory_space<hbm>>) target(%arg7 : memref<80x32xf32, #tpu.memory_space<vmem>>) target_semaphore(%run_scoped3A : memref<!tpu.dma_semaphore, #tpu.memory_space<semaphore_mem>>)
        %dma_wait3A = arith.constant 0 : i32
        %dma_wait3A_21 = tpu.memref_slice %arg2[%add3A_17, %dma_wait3A] : memref<320000x32xf32, #tpu.memory_space<hbm>> -> memref<80x32xf32, #tpu.memory_space<hbm>>
        %dma_wait3A_22 = arith.constant 0 : i32
        %dma_wait3A_23 = tpu.memref_slice %arg2[%add3A_17, %dma_wait3A_22] : memref<320000x32xf32, #tpu.memory_space<hbm>> -> memref<80x32xf32, #tpu.memory_space<hbm>>
        tpu.wait_dma2 semaphore(%run_scoped3A : memref<!tpu.dma_semaphore, #tpu.memory_space<semaphore_mem>>) src(%dma_wait3A_23 : memref<80x32xf32, #tpu.memory_space<hbm>>) dst(%arg7 : memref<80x32xf32, #tpu.memory_space<vmem>>)
        tpu.yield
      }) : () -> ()
      "tpu.region"() ({
        %run_scoped3A = tpu.sem_alloc : memref<!tpu.dma_semaphore, #tpu.memory_space<semaphore_mem>>
        %dma_start3A = arith.constant 0 : i32
        %dma_start3A_18 = arith.constant 0 : i32
        %dma_start3A_19 = tpu.memref_slice %arg8[%dma_start3A, %dma_start3A_18] : memref<10240x32xf32, #tpu.memory_space<vmem_shared>> -> memref<10240x32xf32, #tpu.memory_space<vmem_shared>>
        tpu.enqueue_indirect_dma source(%arg7 : memref<80x32xf32, #tpu.memory_space<vmem>>) target(%dma_start3A_19 : memref<10240x32xf32, #tpu.memory_space<vmem_shared>>) offsets(%arg6 : memref<80xi32, #tpu.memory_space<vmem>>) semaphore(%run_scoped3A : memref<!tpu.dma_semaphore, #tpu.memory_space<semaphore_mem>>) {add = true}
        %dma_wait3A = arith.constant 0 : i32
        %dma_wait3A_20 = arith.constant 0 : i32
        %dma_wait3A_21 = tpu.memref_slice %arg8[%dma_wait3A, %dma_wait3A_20] : memref<10240x32xf32, #tpu.memory_space<vmem_shared>> -> memref<10240x32xf32, #tpu.memory_space<vmem_shared>>
        tpu.wait_indirect_dma semaphore(%run_scoped3A : memref<!tpu.dma_semaphore, #tpu.memory_space<semaphore_mem>>) src(%arg7 : memref<80x32xf32, #tpu.memory_space<vmem>>) dst(%dma_wait3A_21 : memref<10240x32xf32, #tpu.memory_space<vmem_shared>>)
        tpu.yield
      }) : () -> ()
    }
    %scan3A_8 = arith.constant 125 : i32
    %barrier3A_9 = arith.constant 0 : index
    tpu.barrier barrier_id(%barrier3A_9)
    "tpu.region"() ({
      %run_scoped3A = tpu.sem_alloc : memref<!tpu.dma_semaphore, #tpu.memory_space<semaphore_mem>>
      %dma_start3A = arith.constant 0 : i32
      %dma_start3A_10 = tpu.memref_slice %arg5[%arg0, %mul3A_2, %dma_start3A] : memref<2x10240x32xf32, #tpu.memory_space<hbm>> -> memref<1x640x32xf32, #tpu.memory_space<hbm>>
      %dma_start3A_11 = tpu.memref_squeeze %dma_start3A_10 : memref<1x640x32xf32, #tpu.memory_space<hbm>> -> memref<640x32xf32, #tpu.memory_space<hbm>>
      %dma_start3A_12 = arith.constant 0 : i32
      %dma_start3A_13 = tpu.memref_slice %arg8[%mul3A_2, %dma_start3A_12] : memref<10240x32xf32, #tpu.memory_space<vmem_shared>> -> memref<640x32xf32, #tpu.memory_space<vmem_shared>>
      tpu.enqueue_dma source(%dma_start3A_13 : memref<640x32xf32, #tpu.memory_space<vmem_shared>>) target(%dma_start3A_11 : memref<640x32xf32, #tpu.memory_space<hbm>>) target_semaphore(%run_scoped3A : memref<!tpu.dma_semaphore, #tpu.memory_space<semaphore_mem>>)
      %dma_wait3A = arith.constant 0 : i32
      %dma_wait3A_14 = tpu.memref_slice %arg5[%arg0, %mul3A_2, %dma_wait3A] : memref<2x10240x32xf32, #tpu.memory_space<hbm>> -> memref<1x640x32xf32, #tpu.memory_space<hbm>>
      %dma_wait3A_15 = tpu.memref_squeeze %dma_wait3A_14 : memref<1x640x32xf32, #tpu.memory_space<hbm>> -> memref<640x32xf32, #tpu.memory_space<hbm>>
      %dma_wait3A_16 = arith.constant 0 : i32
      %dma_wait3A_17 = tpu.memref_slice %arg8[%mul3A_2, %dma_wait3A_16] : memref<10240x32xf32, #tpu.memory_space<vmem_shared>> -> memref<640x32xf32, #tpu.memory_space<vmem_shared>>
      tpu.wait_dma2 semaphore(%run_scoped3A : memref<!tpu.dma_semaphore, #tpu.memory_space<semaphore_mem>>) src(%dma_wait3A_17 : memref<640x32xf32, #tpu.memory_space<vmem_shared>>) dst(%dma_wait3A_15 : memref<640x32xf32, #tpu.memory_space<hbm>>)
      tpu.yield
    }) : () -> ()
    return
  }
}

#map = affine_map<(d0, d1) -> (0, 0)>
#map1 = affine_map<(d0, d1) -> (0)>
#map2 = affine_map<(d0, d1) -> (0, 0, 0)>
module attributes {stable_mosaic.version = 14 : i64} {
  func.func @_edge_main(%arg0: i32, %arg1: i32, %arg2: memref<10000x160xf32, #tpu.memory_space<hbm>>, %arg3: memref<10000x256xf32, #tpu.memory_space<hbm>>, %arg4: memref<320000x16xf32, #tpu.memory_space<hbm>>, %arg5: memref<320000xi32, #tpu.memory_space<hbm>>, %arg6: memref<320000xi32, #tpu.memory_space<hbm>>, %arg7: memref<640x128xf32, #tpu.memory_space<hbm>>, %arg8: memref<2x10240x128xf32, #tpu.memory_space<hbm>>, %arg9: memref<320000x32xf32, #tpu.memory_space<hbm>>, %arg10: memref<80xi32, #tpu.memory_space<vmem>>, %arg11: memref<80xi32, #tpu.memory_space<vmem>>, %arg12: memref<80x160xf32, #tpu.memory_space<vmem>>, %arg13: memref<80x256xf32, #tpu.memory_space<vmem>>, %arg14: memref<80x16xf32, #tpu.memory_space<vmem>>, %arg15: memref<80x128xf32, #tpu.memory_space<vmem>>, %arg16: memref<80x32xf32, #tpu.memory_space<vmem>>, %arg17: memref<10240x128xf32, #tpu.memory_space<vmem_shared>>, %arg18: memref<!tpu.dma_semaphore, #tpu.memory_space<semaphore_mem>>, %arg19: memref<!tpu.dma_semaphore, #tpu.memory_space<semaphore_mem>>) attributes {dimension_semantics = [#tpu.dimension_semantics<core_parallel>, #tpu.dimension_semantics<subcore_parallel>], iteration_bounds = array<i64: 2, 16>, scalar_prefetch = 0 : i64, scratch_operands = 10 : i64, tpu.core_type = #tpu.core_type<sc_vector_subcore>, window_params = [{transform_indices = #map}, {transform_indices = #map}, {transform_indices = #map}, {transform_indices = #map1}, {transform_indices = #map1}, {transform_indices = #map}, {transform_indices = #map2}, {transform_indices = #map}]} {
    %mul3A = arith.constant 16 : i32
    %mul3A_0 = arith.muli %arg0, %mul3A : i32
    %add3A = arith.addi %mul3A_0, %arg1 : i32
    %mul3A_1 = arith.constant 640 : i32
    %mul3A_2 = arith.muli %arg1, %mul3A_1 : i32
    "tpu.region"() ({
      %run_scoped3A = tpu.sem_alloc : memref<!tpu.dma_semaphore, #tpu.memory_space<semaphore_mem>>
      %dma_start3A = arith.constant 0 : i32
      %dma_start3A_14 = tpu.memref_slice %arg17[%mul3A_2, %dma_start3A] : memref<10240x128xf32, #tpu.memory_space<vmem_shared>> -> memref<640x128xf32, #tpu.memory_space<vmem_shared>>
      tpu.enqueue_dma source(%arg7 : memref<640x128xf32, #tpu.memory_space<hbm>>) target(%dma_start3A_14 : memref<640x128xf32, #tpu.memory_space<vmem_shared>>) target_semaphore(%run_scoped3A : memref<!tpu.dma_semaphore, #tpu.memory_space<semaphore_mem>>)
      %dma_wait3A = arith.constant 0 : i32
      %dma_wait3A_15 = tpu.memref_slice %arg17[%mul3A_2, %dma_wait3A] : memref<10240x128xf32, #tpu.memory_space<vmem_shared>> -> memref<640x128xf32, #tpu.memory_space<vmem_shared>>
      tpu.wait_dma2 semaphore(%run_scoped3A : memref<!tpu.dma_semaphore, #tpu.memory_space<semaphore_mem>>) src(%arg7 : memref<640x128xf32, #tpu.memory_space<hbm>>) dst(%dma_wait3A_15 : memref<640x128xf32, #tpu.memory_space<vmem_shared>>)
      tpu.yield
    }) : () -> ()
    %barrier3A = arith.constant 0 : index
    tpu.barrier barrier_id(%barrier3A)
    %iota3A = tpu.iota {dimensions = array<i32: 0>} : vector<16xi32>
    %lt3A = arith.constant 1 : i32
    %lt3A_3 = vector.broadcast %lt3A : i32 to vector<16xi32>
    %lt3A_4 = arith.cmpi slt, %iota3A, %lt3A_3 : vector<16xi32>
    %jit3A = arith.constant 1.000000e+00 : f32
    %jit3A_5 = arith.constant 0.000000e+00 : f32
    %broadcast_in_dim3A = vector.broadcast %jit3A : f32 to vector<16xf32>
    %broadcast_in_dim3A_6 = vector.broadcast %jit3A_5 : f32 to vector<16xf32>
    %select_n3A = arith.select %lt3A_4, %broadcast_in_dim3A, %broadcast_in_dim3A_6 : vector<16xi1>, vector<16xf32>
    %mul3A_7 = arith.constant 10000 : i32
    %mul3A_8 = arith.muli %add3A, %mul3A_7 : i32
    %scan3A = arith.constant 0 : i32
    %scan3A_9 = arith.constant 125 : i32
    %scan3A_10 = arith.addi %scan3A, %scan3A_9 : i32
    %scan3A_11 = arith.constant 1 : i32
    scf.for %scan3A_14 = %scan3A to %scan3A_10 step %scan3A_11  : i32 {
      %mul3A_15 = arith.constant 1 : i32
      %mul3A_16 = arith.muli %scan3A_14, %mul3A_15 : i32
      %add3A_17 = arith.constant 0 : i32
      %add3A_18 = arith.addi %add3A_17, %mul3A_16 : i32
      %mul3A_19 = arith.constant 80 : i32
      %mul3A_20 = arith.muli %add3A_18, %mul3A_19 : i32
      %add3A_21 = arith.addi %mul3A_8, %mul3A_20 : i32
      "tpu.region"() ({
        %run_scoped3A = tpu.sem_alloc : memref<!tpu.dma_semaphore, #tpu.memory_space<semaphore_mem>>
        %dma_start3A_37 = tpu.memref_slice %arg5[%add3A_21] : memref<320000xi32, #tpu.memory_space<hbm>> -> memref<80xi32, #tpu.memory_space<hbm>>
        %dma_start3A_38 = tpu.memref_slice %arg5[%add3A_21] : memref<320000xi32, #tpu.memory_space<hbm>> -> memref<80xi32, #tpu.memory_space<hbm>>
        tpu.enqueue_dma source(%dma_start3A_38 : memref<80xi32, #tpu.memory_space<hbm>>) target(%arg10 : memref<80xi32, #tpu.memory_space<vmem>>) target_semaphore(%run_scoped3A : memref<!tpu.dma_semaphore, #tpu.memory_space<semaphore_mem>>)
        %dma_wait3A_39 = tpu.memref_slice %arg5[%add3A_21] : memref<320000xi32, #tpu.memory_space<hbm>> -> memref<80xi32, #tpu.memory_space<hbm>>
        %dma_wait3A_40 = tpu.memref_slice %arg5[%add3A_21] : memref<320000xi32, #tpu.memory_space<hbm>> -> memref<80xi32, #tpu.memory_space<hbm>>
        tpu.wait_dma2 semaphore(%run_scoped3A : memref<!tpu.dma_semaphore, #tpu.memory_space<semaphore_mem>>) src(%dma_wait3A_40 : memref<80xi32, #tpu.memory_space<hbm>>) dst(%arg10 : memref<80xi32, #tpu.memory_space<vmem>>)
        tpu.yield
      }) : () -> ()
      "tpu.region"() ({
        %run_scoped3A = tpu.sem_alloc : memref<!tpu.dma_semaphore, #tpu.memory_space<semaphore_mem>>
        %dma_start3A_37 = tpu.memref_slice %arg6[%add3A_21] : memref<320000xi32, #tpu.memory_space<hbm>> -> memref<80xi32, #tpu.memory_space<hbm>>
        %dma_start3A_38 = tpu.memref_slice %arg6[%add3A_21] : memref<320000xi32, #tpu.memory_space<hbm>> -> memref<80xi32, #tpu.memory_space<hbm>>
        tpu.enqueue_dma source(%dma_start3A_38 : memref<80xi32, #tpu.memory_space<hbm>>) target(%arg11 : memref<80xi32, #tpu.memory_space<vmem>>) target_semaphore(%run_scoped3A : memref<!tpu.dma_semaphore, #tpu.memory_space<semaphore_mem>>)
        %dma_wait3A_39 = tpu.memref_slice %arg6[%add3A_21] : memref<320000xi32, #tpu.memory_space<hbm>> -> memref<80xi32, #tpu.memory_space<hbm>>
        %dma_wait3A_40 = tpu.memref_slice %arg6[%add3A_21] : memref<320000xi32, #tpu.memory_space<hbm>> -> memref<80xi32, #tpu.memory_space<hbm>>
        tpu.wait_dma2 semaphore(%run_scoped3A : memref<!tpu.dma_semaphore, #tpu.memory_space<semaphore_mem>>) src(%dma_wait3A_40 : memref<80xi32, #tpu.memory_space<hbm>>) dst(%arg11 : memref<80xi32, #tpu.memory_space<vmem>>)
        tpu.yield
      }) : () -> ()
      %dma_start3A = arith.constant 0 : i32
      %dma_start3A_22 = arith.constant 0 : i32
      %dma_start3A_23 = tpu.memref_slice %arg2[%dma_start3A, %dma_start3A_22] : memref<10000x160xf32, #tpu.memory_space<hbm>> -> memref<10000x160xf32, #tpu.memory_space<hbm>>
      tpu.enqueue_indirect_dma source(%dma_start3A_23 : memref<10000x160xf32, #tpu.memory_space<hbm>>) target(%arg12 : memref<80x160xf32, #tpu.memory_space<vmem>>) offsets(%arg11 : memref<80xi32, #tpu.memory_space<vmem>>) semaphore(%arg18 : memref<!tpu.dma_semaphore, #tpu.memory_space<semaphore_mem>>)
      %dma_start3A_24 = arith.constant 0 : i32
      %dma_start3A_25 = arith.constant 0 : i32
      %dma_start3A_26 = tpu.memref_slice %arg3[%dma_start3A_24, %dma_start3A_25] : memref<10000x256xf32, #tpu.memory_space<hbm>> -> memref<10000x256xf32, #tpu.memory_space<hbm>>
      tpu.enqueue_indirect_dma source(%dma_start3A_26 : memref<10000x256xf32, #tpu.memory_space<hbm>>) target(%arg13 : memref<80x256xf32, #tpu.memory_space<vmem>>) offsets(%arg10 : memref<80xi32, #tpu.memory_space<vmem>>) semaphore(%arg19 : memref<!tpu.dma_semaphore, #tpu.memory_space<semaphore_mem>>)
      "tpu.region"() ({
        %run_scoped3A = tpu.sem_alloc : memref<!tpu.dma_semaphore, #tpu.memory_space<semaphore_mem>>
        %dma_start3A_37 = arith.constant 0 : i32
        %dma_start3A_38 = tpu.memref_slice %arg4[%add3A_21, %dma_start3A_37] : memref<320000x16xf32, #tpu.memory_space<hbm>> -> memref<80x16xf32, #tpu.memory_space<hbm>>
        %dma_start3A_39 = arith.constant 0 : i32
        %dma_start3A_40 = tpu.memref_slice %arg4[%add3A_21, %dma_start3A_39] : memref<320000x16xf32, #tpu.memory_space<hbm>> -> memref<80x16xf32, #tpu.memory_space<hbm>>
        tpu.enqueue_dma source(%dma_start3A_40 : memref<80x16xf32, #tpu.memory_space<hbm>>) target(%arg14 : memref<80x16xf32, #tpu.memory_space<vmem>>) target_semaphore(%run_scoped3A : memref<!tpu.dma_semaphore, #tpu.memory_space<semaphore_mem>>)
        %dma_wait3A_41 = arith.constant 0 : i32
        %dma_wait3A_42 = tpu.memref_slice %arg4[%add3A_21, %dma_wait3A_41] : memref<320000x16xf32, #tpu.memory_space<hbm>> -> memref<80x16xf32, #tpu.memory_space<hbm>>
        %dma_wait3A_43 = arith.constant 0 : i32
        %dma_wait3A_44 = tpu.memref_slice %arg4[%add3A_21, %dma_wait3A_43] : memref<320000x16xf32, #tpu.memory_space<hbm>> -> memref<80x16xf32, #tpu.memory_space<hbm>>
        tpu.wait_dma2 semaphore(%run_scoped3A : memref<!tpu.dma_semaphore, #tpu.memory_space<semaphore_mem>>) src(%dma_wait3A_44 : memref<80x16xf32, #tpu.memory_space<hbm>>) dst(%arg14 : memref<80x16xf32, #tpu.memory_space<vmem>>)
        tpu.yield
      }) : () -> ()
      %dma_wait3A = arith.constant 0 : i32
      %dma_wait3A_27 = arith.constant 0 : i32
      %dma_wait3A_28 = tpu.memref_slice %arg2[%dma_wait3A, %dma_wait3A_27] : memref<10000x160xf32, #tpu.memory_space<hbm>> -> memref<10000x160xf32, #tpu.memory_space<hbm>>
      tpu.wait_indirect_dma semaphore(%arg18 : memref<!tpu.dma_semaphore, #tpu.memory_space<semaphore_mem>>) src(%dma_wait3A_28 : memref<10000x160xf32, #tpu.memory_space<hbm>>) dst(%arg12 : memref<80x160xf32, #tpu.memory_space<vmem>>)
      %dma_wait3A_29 = arith.constant 0 : i32
      %dma_wait3A_30 = arith.constant 0 : i32
      %dma_wait3A_31 = tpu.memref_slice %arg3[%dma_wait3A_29, %dma_wait3A_30] : memref<10000x256xf32, #tpu.memory_space<hbm>> -> memref<10000x256xf32, #tpu.memory_space<hbm>>
      tpu.wait_indirect_dma semaphore(%arg19 : memref<!tpu.dma_semaphore, #tpu.memory_space<semaphore_mem>>) src(%dma_wait3A_31 : memref<10000x256xf32, #tpu.memory_space<hbm>>) dst(%arg13 : memref<80x256xf32, #tpu.memory_space<vmem>>)
      %scan3A_32 = arith.constant 0 : i32
      %scan3A_33 = arith.constant 80 : i32
      %scan3A_34 = arith.addi %scan3A_32, %scan3A_33 : i32
      %scan3A_35 = arith.constant 1 : i32
      scf.for %scan3A_37 = %scan3A_32 to %scan3A_34 step %scan3A_35  : i32 {
        %mul3A_38 = arith.constant 1 : i32
        %mul3A_39 = arith.muli %scan3A_37, %mul3A_38 : i32
        %add3A_40 = arith.constant 0 : i32
        %add3A_41 = arith.addi %add3A_40, %mul3A_39 : i32
        %get3A = arith.index_cast %add3A_41 : i32 to index
        %get3A_42 = arith.constant 128 : index
        %get3A_43 = tpu.vector_load %arg12[%get3A, %get3A_42] {strides = array<i32>} : memref<80x160xf32, #tpu.memory_space<vmem>>, vector<16xf32>,
        %get3A_44 = arith.index_cast %add3A_41 : i32 to index
        %get3A_45 = arith.constant 0 : index
        %get3A_46 = tpu.vector_load %arg14[%get3A_44, %get3A_45] {strides = array<i32>} : memref<80x16xf32, #tpu.memory_space<vmem>>, vector<16xf32>,
        %mul3A_47 = arith.mulf %get3A_43, %get3A_46 : vector<16xf32>
        %get3A_48 = arith.index_cast %add3A_41 : i32 to index
        %get3A_49 = arith.constant 0 : index
        %get3A_50 = tpu.vector_load %arg12[%get3A_48, %get3A_49] {strides = array<i32>} : memref<80x160xf32, #tpu.memory_space<vmem>>, vector<16xf32>,
        %get3A_51 = arith.index_cast %add3A_41 : i32 to index
        %get3A_52 = arith.constant 0 : index
        %get3A_53 = tpu.vector_load %arg13[%get3A_51, %get3A_52] {strides = array<i32>} : memref<80x256xf32, #tpu.memory_space<vmem>>, vector<16xf32>,
        %mul3A_54 = arith.mulf %get3A_50, %get3A_53 : vector<16xf32>
        %add3A_55 = arith.addf %mul3A_47, %mul3A_54 : vector<16xf32>
        %get3A_56 = arith.index_cast %add3A_41 : i32 to index
        %get3A_57 = arith.constant 16 : index
        %get3A_58 = tpu.vector_load %arg12[%get3A_56, %get3A_57] {strides = array<i32>} : memref<80x160xf32, #tpu.memory_space<vmem>>, vector<16xf32>,
        %get3A_59 = arith.index_cast %add3A_41 : i32 to index
        %get3A_60 = arith.constant 16 : index
        %get3A_61 = tpu.vector_load %arg13[%get3A_59, %get3A_60] {strides = array<i32>} : memref<80x256xf32, #tpu.memory_space<vmem>>, vector<16xf32>,
        %mul3A_62 = arith.mulf %get3A_58, %get3A_61 : vector<16xf32>
        %add3A_63 = arith.addf %add3A_55, %mul3A_62 : vector<16xf32>
        %get3A_64 = arith.index_cast %add3A_41 : i32 to index
        %get3A_65 = arith.constant 32 : index
        %get3A_66 = tpu.vector_load %arg12[%get3A_64, %get3A_65] {strides = array<i32>} : memref<80x160xf32, #tpu.memory_space<vmem>>, vector<16xf32>,
        %get3A_67 = arith.index_cast %add3A_41 : i32 to index
        %get3A_68 = arith.constant 32 : index
        %get3A_69 = tpu.vector_load %arg13[%get3A_67, %get3A_68] {strides = array<i32>} : memref<80x256xf32, #tpu.memory_space<vmem>>, vector<16xf32>,
        %mul3A_70 = arith.mulf %get3A_66, %get3A_69 : vector<16xf32>
        %add3A_71 = arith.addf %add3A_63, %mul3A_70 : vector<16xf32>
        %get3A_72 = arith.index_cast %add3A_41 : i32 to index
        %get3A_73 = arith.constant 48 : index
        %get3A_74 = tpu.vector_load %arg12[%get3A_72, %get3A_73] {strides = array<i32>} : memref<80x160xf32, #tpu.memory_space<vmem>>, vector<16xf32>,
        %get3A_75 = arith.index_cast %add3A_41 : i32 to index
        %get3A_76 = arith.constant 48 : index
        %get3A_77 = tpu.vector_load %arg13[%get3A_75, %get3A_76] {strides = array<i32>} : memref<80x256xf32, #tpu.memory_space<vmem>>, vector<16xf32>,
        %mul3A_78 = arith.mulf %get3A_74, %get3A_77 : vector<16xf32>
        %add3A_79 = arith.addf %add3A_71, %mul3A_78 : vector<16xf32>
        %get3A_80 = arith.index_cast %add3A_41 : i32 to index
        %get3A_81 = arith.constant 64 : index
        %get3A_82 = tpu.vector_load %arg12[%get3A_80, %get3A_81] {strides = array<i32>} : memref<80x160xf32, #tpu.memory_space<vmem>>, vector<16xf32>,
        %get3A_83 = arith.index_cast %add3A_41 : i32 to index
        %get3A_84 = arith.constant 64 : index
        %get3A_85 = tpu.vector_load %arg13[%get3A_83, %get3A_84] {strides = array<i32>} : memref<80x256xf32, #tpu.memory_space<vmem>>, vector<16xf32>,
        %mul3A_86 = arith.mulf %get3A_82, %get3A_85 : vector<16xf32>
        %add3A_87 = arith.addf %add3A_79, %mul3A_86 : vector<16xf32>
        %get3A_88 = arith.index_cast %add3A_41 : i32 to index
        %get3A_89 = arith.constant 80 : index
        %get3A_90 = tpu.vector_load %arg12[%get3A_88, %get3A_89] {strides = array<i32>} : memref<80x160xf32, #tpu.memory_space<vmem>>, vector<16xf32>,
        %get3A_91 = arith.index_cast %add3A_41 : i32 to index
        %get3A_92 = arith.constant 80 : index
        %get3A_93 = tpu.vector_load %arg13[%get3A_91, %get3A_92] {strides = array<i32>} : memref<80x256xf32, #tpu.memory_space<vmem>>, vector<16xf32>,
        %mul3A_94 = arith.mulf %get3A_90, %get3A_93 : vector<16xf32>
        %add3A_95 = arith.addf %add3A_87, %mul3A_94 : vector<16xf32>
        %get3A_96 = arith.index_cast %add3A_41 : i32 to index
        %get3A_97 = arith.constant 96 : index
        %get3A_98 = tpu.vector_load %arg12[%get3A_96, %get3A_97] {strides = array<i32>} : memref<80x160xf32, #tpu.memory_space<vmem>>, vector<16xf32>,
        %get3A_99 = arith.index_cast %add3A_41 : i32 to index
        %get3A_100 = arith.constant 96 : index
        %get3A_101 = tpu.vector_load %arg13[%get3A_99, %get3A_100] {strides = array<i32>} : memref<80x256xf32, #tpu.memory_space<vmem>>, vector<16xf32>,
        %mul3A_102 = arith.mulf %get3A_98, %get3A_101 : vector<16xf32>
        %add3A_103 = arith.addf %add3A_95, %mul3A_102 : vector<16xf32>
        %get3A_104 = arith.index_cast %add3A_41 : i32 to index
        %get3A_105 = arith.constant 112 : index
        %get3A_106 = tpu.vector_load %arg12[%get3A_104, %get3A_105] {strides = array<i32>} : memref<80x160xf32, #tpu.memory_space<vmem>>, vector<16xf32>,
        %get3A_107 = arith.index_cast %add3A_41 : i32 to index
        %get3A_108 = arith.constant 112 : index
        %get3A_109 = tpu.vector_load %arg13[%get3A_107, %get3A_108] {strides = array<i32>} : memref<80x256xf32, #tpu.memory_space<vmem>>, vector<16xf32>,
        %mul3A_110 = arith.mulf %get3A_106, %get3A_109 : vector<16xf32>
        %add3A_111 = arith.addf %add3A_103, %mul3A_110 : vector<16xf32>
        %reduce_sum3A = arith.constant true
        %reduce_sum3A_112 = vector.broadcast %reduce_sum3A : i1 to vector<16xi1>
        %reduce_sum3A_113 = tpu.scan <sum>, %add3A_111 masked %reduce_sum3A_112 : vector<16xf32>, vector<16xi1> -> vector<16xf32>
        %reduce_sum3A_114 = vector.extract %reduce_sum3A_113[15] : f32 from vector<16xf32>
        %mul3A_115 = arith.constant 0.0883883461 : f32
        %mul3A_116 = arith.mulf %reduce_sum3A_114, %mul3A_115 : f32
        %broadcast_in_dim3A_117 = vector.broadcast %mul3A_116 : f32 to vector<16xf32>
        %exp3A = math.exp %broadcast_in_dim3A_117 : vector<16xf32>
        %get3A_118 = arith.index_cast %add3A_41 : i32 to index
        %get3A_119 = arith.constant 128 : index
        %get3A_120 = tpu.vector_load %arg13[%get3A_118, %get3A_119] {strides = array<i32>} : memref<80x256xf32, #tpu.memory_space<vmem>>, vector<16xf32>,
        %mul3A_121 = arith.mulf %get3A_120, %exp3A : vector<16xf32>
        %swap3A = arith.index_cast %add3A_41 : i32 to index
        %swap3A_122 = arith.constant 0 : index
        %swap3A_123 = tpu.vector_load %arg15[%swap3A, %swap3A_122] {strides = array<i32>} : memref<80x128xf32, #tpu.memory_space<vmem>>, vector<16xf32>,
        tpu.vector_store %arg15[%swap3A, %swap3A_122], %mul3A_121 {strides = array<i32>} : memref<80x128xf32, #tpu.memory_space<vmem>>, vector<16xf32>,
        %get3A_124 = arith.index_cast %add3A_41 : i32 to index
        %get3A_125 = arith.constant 144 : index
        %get3A_126 = tpu.vector_load %arg13[%get3A_124, %get3A_125] {strides = array<i32>} : memref<80x256xf32, #tpu.memory_space<vmem>>, vector<16xf32>,
        %mul3A_127 = arith.mulf %get3A_126, %exp3A : vector<16xf32>
        %swap3A_128 = arith.index_cast %add3A_41 : i32 to index
        %swap3A_129 = arith.constant 16 : index
        %swap3A_130 = tpu.vector_load %arg15[%swap3A_128, %swap3A_129] {strides = array<i32>} : memref<80x128xf32, #tpu.memory_space<vmem>>, vector<16xf32>,
        tpu.vector_store %arg15[%swap3A_128, %swap3A_129], %mul3A_127 {strides = array<i32>} : memref<80x128xf32, #tpu.memory_space<vmem>>, vector<16xf32>,
        %get3A_131 = arith.index_cast %add3A_41 : i32 to index
        %get3A_132 = arith.constant 160 : index
        %get3A_133 = tpu.vector_load %arg13[%get3A_131, %get3A_132] {strides = array<i32>} : memref<80x256xf32, #tpu.memory_space<vmem>>, vector<16xf32>,
        %mul3A_134 = arith.mulf %get3A_133, %exp3A : vector<16xf32>
        %swap3A_135 = arith.index_cast %add3A_41 : i32 to index
        %swap3A_136 = arith.constant 32 : index
        %swap3A_137 = tpu.vector_load %arg15[%swap3A_135, %swap3A_136] {strides = array<i32>} : memref<80x128xf32, #tpu.memory_space<vmem>>, vector<16xf32>,
        tpu.vector_store %arg15[%swap3A_135, %swap3A_136], %mul3A_134 {strides = array<i32>} : memref<80x128xf32, #tpu.memory_space<vmem>>, vector<16xf32>,
        %get3A_138 = arith.index_cast %add3A_41 : i32 to index
        %get3A_139 = arith.constant 176 : index
        %get3A_140 = tpu.vector_load %arg13[%get3A_138, %get3A_139] {strides = array<i32>} : memref<80x256xf32, #tpu.memory_space<vmem>>, vector<16xf32>,
        %mul3A_141 = arith.mulf %get3A_140, %exp3A : vector<16xf32>
        %swap3A_142 = arith.index_cast %add3A_41 : i32 to index
        %swap3A_143 = arith.constant 48 : index
        %swap3A_144 = tpu.vector_load %arg15[%swap3A_142, %swap3A_143] {strides = array<i32>} : memref<80x128xf32, #tpu.memory_space<vmem>>, vector<16xf32>,
        tpu.vector_store %arg15[%swap3A_142, %swap3A_143], %mul3A_141 {strides = array<i32>} : memref<80x128xf32, #tpu.memory_space<vmem>>, vector<16xf32>,
        %get3A_145 = arith.index_cast %add3A_41 : i32 to index
        %get3A_146 = arith.constant 192 : index
        %get3A_147 = tpu.vector_load %arg13[%get3A_145, %get3A_146] {strides = array<i32>} : memref<80x256xf32, #tpu.memory_space<vmem>>, vector<16xf32>,
        %mul3A_148 = arith.mulf %get3A_147, %exp3A : vector<16xf32>
        %swap3A_149 = arith.index_cast %add3A_41 : i32 to index
        %swap3A_150 = arith.constant 64 : index
        %swap3A_151 = tpu.vector_load %arg15[%swap3A_149, %swap3A_150] {strides = array<i32>} : memref<80x128xf32, #tpu.memory_space<vmem>>, vector<16xf32>,
        tpu.vector_store %arg15[%swap3A_149, %swap3A_150], %mul3A_148 {strides = array<i32>} : memref<80x128xf32, #tpu.memory_space<vmem>>, vector<16xf32>,
        %get3A_152 = arith.index_cast %add3A_41 : i32 to index
        %get3A_153 = arith.constant 208 : index
        %get3A_154 = tpu.vector_load %arg13[%get3A_152, %get3A_153] {strides = array<i32>} : memref<80x256xf32, #tpu.memory_space<vmem>>, vector<16xf32>,
        %mul3A_155 = arith.mulf %get3A_154, %exp3A : vector<16xf32>
        %swap3A_156 = arith.index_cast %add3A_41 : i32 to index
        %swap3A_157 = arith.constant 80 : index
        %swap3A_158 = tpu.vector_load %arg15[%swap3A_156, %swap3A_157] {strides = array<i32>} : memref<80x128xf32, #tpu.memory_space<vmem>>, vector<16xf32>,
        tpu.vector_store %arg15[%swap3A_156, %swap3A_157], %mul3A_155 {strides = array<i32>} : memref<80x128xf32, #tpu.memory_space<vmem>>, vector<16xf32>,
        %get3A_159 = arith.index_cast %add3A_41 : i32 to index
        %get3A_160 = arith.constant 224 : index
        %get3A_161 = tpu.vector_load %arg13[%get3A_159, %get3A_160] {strides = array<i32>} : memref<80x256xf32, #tpu.memory_space<vmem>>, vector<16xf32>,
        %mul3A_162 = arith.mulf %get3A_161, %exp3A : vector<16xf32>
        %swap3A_163 = arith.index_cast %add3A_41 : i32 to index
        %swap3A_164 = arith.constant 96 : index
        %swap3A_165 = tpu.vector_load %arg15[%swap3A_163, %swap3A_164] {strides = array<i32>} : memref<80x128xf32, #tpu.memory_space<vmem>>, vector<16xf32>,
        tpu.vector_store %arg15[%swap3A_163, %swap3A_164], %mul3A_162 {strides = array<i32>} : memref<80x128xf32, #tpu.memory_space<vmem>>, vector<16xf32>,
        %get3A_166 = arith.index_cast %add3A_41 : i32 to index
        %get3A_167 = arith.constant 240 : index
        %get3A_168 = tpu.vector_load %arg13[%get3A_166, %get3A_167] {strides = array<i32>} : memref<80x256xf32, #tpu.memory_space<vmem>>, vector<16xf32>,
        %mul3A_169 = arith.mulf %get3A_168, %exp3A : vector<16xf32>
        %swap3A_170 = arith.index_cast %add3A_41 : i32 to index
        %swap3A_171 = arith.constant 112 : index
        %swap3A_172 = tpu.vector_load %arg15[%swap3A_170, %swap3A_171] {strides = array<i32>} : memref<80x128xf32, #tpu.memory_space<vmem>>, vector<16xf32>,
        tpu.vector_store %arg15[%swap3A_170, %swap3A_171], %mul3A_169 {strides = array<i32>} : memref<80x128xf32, #tpu.memory_space<vmem>>, vector<16xf32>,
        %get3A_173 = arith.index_cast %add3A_41 : i32 to index
        %get3A_174 = arith.constant 0 : index
        %get3A_175 = tpu.vector_load %arg14[%get3A_173, %get3A_174] {strides = array<i32>} : memref<80x16xf32, #tpu.memory_space<vmem>>, vector<16xf32>,
        %mul3A_176 = arith.mulf %get3A_175, %exp3A : vector<16xf32>
        %swap3A_177 = arith.index_cast %add3A_41 : i32 to index
        %swap3A_178 = arith.constant 0 : index
        %swap3A_179 = tpu.vector_load %arg16[%swap3A_177, %swap3A_178] {strides = array<i32>} : memref<80x32xf32, #tpu.memory_space<vmem>>, vector<16xf32>,
        tpu.vector_store %arg16[%swap3A_177, %swap3A_178], %mul3A_176 {strides = array<i32>} : memref<80x32xf32, #tpu.memory_space<vmem>>, vector<16xf32>,
        %mul3A_180 = arith.mulf %exp3A, %select_n3A : vector<16xf32>
        %swap3A_181 = arith.index_cast %add3A_41 : i32 to index
        %swap3A_182 = arith.constant 16 : index
        %swap3A_183 = tpu.vector_load %arg16[%swap3A_181, %swap3A_182] {strides = array<i32>} : memref<80x32xf32, #tpu.memory_space<vmem>>, vector<16xf32>,
        tpu.vector_store %arg16[%swap3A_181, %swap3A_182], %mul3A_180 {strides = array<i32>} : memref<80x32xf32, #tpu.memory_space<vmem>>, vector<16xf32>,
      }
      %scan3A_36 = arith.constant 80 : i32
      "tpu.region"() ({
        %run_scoped3A = tpu.sem_alloc : memref<!tpu.dma_semaphore, #tpu.memory_space<semaphore_mem>>
        %dma_start3A_37 = arith.constant 0 : i32
        %dma_start3A_38 = arith.constant 0 : i32
        %dma_start3A_39 = tpu.memref_slice %arg17[%dma_start3A_37, %dma_start3A_38] : memref<10240x128xf32, #tpu.memory_space<vmem_shared>> -> memref<10240x128xf32, #tpu.memory_space<vmem_shared>>
        tpu.enqueue_indirect_dma source(%arg15 : memref<80x128xf32, #tpu.memory_space<vmem>>) target(%dma_start3A_39 : memref<10240x128xf32, #tpu.memory_space<vmem_shared>>) offsets(%arg11 : memref<80xi32, #tpu.memory_space<vmem>>) semaphore(%run_scoped3A : memref<!tpu.dma_semaphore, #tpu.memory_space<semaphore_mem>>) {add = true}
        %dma_wait3A_40 = arith.constant 0 : i32
        %dma_wait3A_41 = arith.constant 0 : i32
        %dma_wait3A_42 = tpu.memref_slice %arg17[%dma_wait3A_40, %dma_wait3A_41] : memref<10240x128xf32, #tpu.memory_space<vmem_shared>> -> memref<10240x128xf32, #tpu.memory_space<vmem_shared>>
        tpu.wait_indirect_dma semaphore(%run_scoped3A : memref<!tpu.dma_semaphore, #tpu.memory_space<semaphore_mem>>) src(%arg15 : memref<80x128xf32, #tpu.memory_space<vmem>>) dst(%dma_wait3A_42 : memref<10240x128xf32, #tpu.memory_space<vmem_shared>>)
        tpu.yield
      }) : () -> ()
      "tpu.region"() ({
        %run_scoped3A = tpu.sem_alloc : memref<!tpu.dma_semaphore, #tpu.memory_space<semaphore_mem>>
        %dma_start3A_37 = arith.constant 0 : i32
        %dma_start3A_38 = tpu.memref_slice %arg9[%add3A_21, %dma_start3A_37] : memref<320000x32xf32, #tpu.memory_space<hbm>> -> memref<80x32xf32, #tpu.memory_space<hbm>>
        %dma_start3A_39 = arith.constant 0 : i32
        %dma_start3A_40 = tpu.memref_slice %arg9[%add3A_21, %dma_start3A_39] : memref<320000x32xf32, #tpu.memory_space<hbm>> -> memref<80x32xf32, #tpu.memory_space<hbm>>
        tpu.enqueue_dma source(%arg16 : memref<80x32xf32, #tpu.memory_space<vmem>>) target(%dma_start3A_40 : memref<80x32xf32, #tpu.memory_space<hbm>>) target_semaphore(%run_scoped3A : memref<!tpu.dma_semaphore, #tpu.memory_space<semaphore_mem>>)
        %dma_wait3A_41 = arith.constant 0 : i32
        %dma_wait3A_42 = tpu.memref_slice %arg9[%add3A_21, %dma_wait3A_41] : memref<320000x32xf32, #tpu.memory_space<hbm>> -> memref<80x32xf32, #tpu.memory_space<hbm>>
        %dma_wait3A_43 = arith.constant 0 : i32
        %dma_wait3A_44 = tpu.memref_slice %arg9[%add3A_21, %dma_wait3A_43] : memref<320000x32xf32, #tpu.memory_space<hbm>> -> memref<80x32xf32, #tpu.memory_space<hbm>>
        tpu.wait_dma2 semaphore(%run_scoped3A : memref<!tpu.dma_semaphore, #tpu.memory_space<semaphore_mem>>) src(%arg16 : memref<80x32xf32, #tpu.memory_space<vmem>>) dst(%dma_wait3A_44 : memref<80x32xf32, #tpu.memory_space<hbm>>)
        tpu.yield
      }) : () -> ()
    }
    %scan3A_12 = arith.constant 125 : i32
    %barrier3A_13 = arith.constant 0 : index
    tpu.barrier barrier_id(%barrier3A_13)
    "tpu.region"() ({
      %run_scoped3A = tpu.sem_alloc : memref<!tpu.dma_semaphore, #tpu.memory_space<semaphore_mem>>
      %dma_start3A = arith.constant 0 : i32
      %dma_start3A_14 = tpu.memref_slice %arg8[%arg0, %mul3A_2, %dma_start3A] : memref<2x10240x128xf32, #tpu.memory_space<hbm>> -> memref<1x640x128xf32, #tpu.memory_space<hbm>>
      %dma_start3A_15 = tpu.memref_squeeze %dma_start3A_14 : memref<1x640x128xf32, #tpu.memory_space<hbm>> -> memref<640x128xf32, #tpu.memory_space<hbm>>
      %dma_start3A_16 = arith.constant 0 : i32
      %dma_start3A_17 = tpu.memref_slice %arg17[%mul3A_2, %dma_start3A_16] : memref<10240x128xf32, #tpu.memory_space<vmem_shared>> -> memref<640x128xf32, #tpu.memory_space<vmem_shared>>
      tpu.enqueue_dma source(%dma_start3A_17 : memref<640x128xf32, #tpu.memory_space<vmem_shared>>) target(%dma_start3A_15 : memref<640x128xf32, #tpu.memory_space<hbm>>) target_semaphore(%run_scoped3A : memref<!tpu.dma_semaphore, #tpu.memory_space<semaphore_mem>>)
      %dma_wait3A = arith.constant 0 : i32
      %dma_wait3A_18 = tpu.memref_slice %arg8[%arg0, %mul3A_2, %dma_wait3A] : memref<2x10240x128xf32, #tpu.memory_space<hbm>> -> memref<1x640x128xf32, #tpu.memory_space<hbm>>
      %dma_wait3A_19 = tpu.memref_squeeze %dma_wait3A_18 : memref<1x640x128xf32, #tpu.memory_space<hbm>> -> memref<640x128xf32, #tpu.memory_space<hbm>>
      %dma_wait3A_20 = arith.constant 0 : i32
      %dma_wait3A_21 = tpu.memref_slice %arg17[%mul3A_2, %dma_wait3A_20] : memref<10240x128xf32, #tpu.memory_space<vmem_shared>> -> memref<640x128xf32, #tpu.memory_space<vmem_shared>>
      tpu.wait_dma2 semaphore(%run_scoped3A : memref<!tpu.dma_semaphore, #tpu.memory_space<semaphore_mem>>) src(%dma_wait3A_21 : memref<640x128xf32, #tpu.memory_space<vmem_shared>>) dst(%dma_wait3A_19 : memref<640x128xf32, #tpu.memory_space<hbm>>)
      tpu.yield
    }) : () -> ()
    return
  }
}

#map = affine_map<(d0, d1) -> (0, 0)>
#map1 = affine_map<(d0, d1) -> (0)>
#map2 = affine_map<(d0, d1) -> (0, 0, 0)>
module attributes {stable_mosaic.version = 14 : i64} {
  func.func @_edge_main(%arg0: i32, %arg1: i32, %arg2: memref<10000x160xf32, #tpu.memory_space<hbm>>, %arg3: memref<10000x256xf32, #tpu.memory_space<hbm>>, %arg4: memref<320000x16xf32, #tpu.memory_space<hbm>>, %arg5: memref<320000xi32, #tpu.memory_space<hbm>>, %arg6: memref<320000xi32, #tpu.memory_space<hbm>>, %arg7: memref<640x128xf32, #tpu.memory_space<hbm>>, %arg8: memref<2x10240x128xf32, #tpu.memory_space<hbm>>, %arg9: memref<320000x32xf32, #tpu.memory_space<hbm>>, %arg10: memref<80xi32, #tpu.memory_space<vmem>>, %arg11: memref<80xi32, #tpu.memory_space<vmem>>, %arg12: memref<80x160xf32, #tpu.memory_space<vmem>>, %arg13: memref<80x256xf32, #tpu.memory_space<vmem>>, %arg14: memref<80x16xf32, #tpu.memory_space<vmem>>, %arg15: memref<80x128xf32, #tpu.memory_space<vmem>>, %arg16: memref<80x32xf32, #tpu.memory_space<vmem>>, %arg17: memref<10240x128xf32, #tpu.memory_space<vmem_shared>>, %arg18: memref<!tpu.dma_semaphore, #tpu.memory_space<semaphore_mem>>, %arg19: memref<!tpu.dma_semaphore, #tpu.memory_space<semaphore_mem>>) attributes {dimension_semantics = [#tpu.dimension_semantics<core_parallel>, #tpu.dimension_semantics<subcore_parallel>], iteration_bounds = array<i64: 2, 16>, scalar_prefetch = 0 : i64, scratch_operands = 10 : i64, tpu.core_type = #tpu.core_type<sc_vector_subcore>, window_params = [{transform_indices = #map}, {transform_indices = #map}, {transform_indices = #map}, {transform_indices = #map1}, {transform_indices = #map1}, {transform_indices = #map}, {transform_indices = #map2}, {transform_indices = #map}]} {
    %mul3A = arith.constant 16 : i32
    %mul3A_0 = arith.muli %arg0, %mul3A : i32
    %add3A = arith.addi %mul3A_0, %arg1 : i32
    %mul3A_1 = arith.constant 640 : i32
    %mul3A_2 = arith.muli %arg1, %mul3A_1 : i32
    "tpu.region"() ({
      %run_scoped3A = tpu.sem_alloc : memref<!tpu.dma_semaphore, #tpu.memory_space<semaphore_mem>>
      %dma_start3A = arith.constant 0 : i32
      %dma_start3A_14 = tpu.memref_slice %arg17[%mul3A_2, %dma_start3A] : memref<10240x128xf32, #tpu.memory_space<vmem_shared>> -> memref<640x128xf32, #tpu.memory_space<vmem_shared>>
      tpu.enqueue_dma source(%arg7 : memref<640x128xf32, #tpu.memory_space<hbm>>) target(%dma_start3A_14 : memref<640x128xf32, #tpu.memory_space<vmem_shared>>) target_semaphore(%run_scoped3A : memref<!tpu.dma_semaphore, #tpu.memory_space<semaphore_mem>>)
      %dma_wait3A = arith.constant 0 : i32
      %dma_wait3A_15 = tpu.memref_slice %arg17[%mul3A_2, %dma_wait3A] : memref<10240x128xf32, #tpu.memory_space<vmem_shared>> -> memref<640x128xf32, #tpu.memory_space<vmem_shared>>
      tpu.wait_dma2 semaphore(%run_scoped3A : memref<!tpu.dma_semaphore, #tpu.memory_space<semaphore_mem>>) src(%arg7 : memref<640x128xf32, #tpu.memory_space<hbm>>) dst(%dma_wait3A_15 : memref<640x128xf32, #tpu.memory_space<vmem_shared>>)
      tpu.yield
    }) : () -> ()
    %barrier3A = arith.constant 0 : index
    tpu.barrier barrier_id(%barrier3A)
    %iota3A = tpu.iota {dimensions = array<i32: 0>} : vector<16xi32>
    %lt3A = arith.constant 1 : i32
    %lt3A_3 = vector.broadcast %lt3A : i32 to vector<16xi32>
    %lt3A_4 = arith.cmpi slt, %iota3A, %lt3A_3 : vector<16xi32>
    %jit3A = arith.constant 1.000000e+00 : f32
    %jit3A_5 = arith.constant 0.000000e+00 : f32
    %broadcast_in_dim3A = vector.broadcast %jit3A : f32 to vector<16xf32>
    %broadcast_in_dim3A_6 = vector.broadcast %jit3A_5 : f32 to vector<16xf32>
    %select_n3A = arith.select %lt3A_4, %broadcast_in_dim3A, %broadcast_in_dim3A_6 : vector<16xi1>, vector<16xf32>
    %mul3A_7 = arith.constant 10000 : i32
    %mul3A_8 = arith.muli %add3A, %mul3A_7 : i32
    %scan3A = arith.constant 0 : i32
    %scan3A_9 = arith.constant 125 : i32
    %scan3A_10 = arith.addi %scan3A, %scan3A_9 : i32
    %scan3A_11 = arith.constant 1 : i32
    scf.for %scan3A_14 = %scan3A to %scan3A_10 step %scan3A_11  : i32 {
      %mul3A_15 = arith.constant 1 : i32
      %mul3A_16 = arith.muli %scan3A_14, %mul3A_15 : i32
      %add3A_17 = arith.constant 0 : i32
      %add3A_18 = arith.addi %add3A_17, %mul3A_16 : i32
      %mul3A_19 = arith.constant 80 : i32
      %mul3A_20 = arith.muli %add3A_18, %mul3A_19 : i32
      %add3A_21 = arith.addi %mul3A_8, %mul3A_20 : i32
      "tpu.region"() ({
        %run_scoped3A = tpu.sem_alloc : memref<!tpu.dma_semaphore, #tpu.memory_space<semaphore_mem>>
        %dma_start3A_37 = tpu.memref_slice %arg5[%add3A_21] : memref<320000xi32, #tpu.memory_space<hbm>> -> memref<80xi32, #tpu.memory_space<hbm>>
        %dma_start3A_38 = tpu.memref_slice %arg5[%add3A_21] : memref<320000xi32, #tpu.memory_space<hbm>> -> memref<80xi32, #tpu.memory_space<hbm>>
        tpu.enqueue_dma source(%dma_start3A_38 : memref<80xi32, #tpu.memory_space<hbm>>) target(%arg10 : memref<80xi32, #tpu.memory_space<vmem>>) target_semaphore(%run_scoped3A : memref<!tpu.dma_semaphore, #tpu.memory_space<semaphore_mem>>)
        %dma_wait3A_39 = tpu.memref_slice %arg5[%add3A_21] : memref<320000xi32, #tpu.memory_space<hbm>> -> memref<80xi32, #tpu.memory_space<hbm>>
        %dma_wait3A_40 = tpu.memref_slice %arg5[%add3A_21] : memref<320000xi32, #tpu.memory_space<hbm>> -> memref<80xi32, #tpu.memory_space<hbm>>
        tpu.wait_dma2 semaphore(%run_scoped3A : memref<!tpu.dma_semaphore, #tpu.memory_space<semaphore_mem>>) src(%dma_wait3A_40 : memref<80xi32, #tpu.memory_space<hbm>>) dst(%arg10 : memref<80xi32, #tpu.memory_space<vmem>>)
        tpu.yield
      }) : () -> ()
      "tpu.region"() ({
        %run_scoped3A = tpu.sem_alloc : memref<!tpu.dma_semaphore, #tpu.memory_space<semaphore_mem>>
        %dma_start3A_37 = tpu.memref_slice %arg6[%add3A_21] : memref<320000xi32, #tpu.memory_space<hbm>> -> memref<80xi32, #tpu.memory_space<hbm>>
        %dma_start3A_38 = tpu.memref_slice %arg6[%add3A_21] : memref<320000xi32, #tpu.memory_space<hbm>> -> memref<80xi32, #tpu.memory_space<hbm>>
        tpu.enqueue_dma source(%dma_start3A_38 : memref<80xi32, #tpu.memory_space<hbm>>) target(%arg11 : memref<80xi32, #tpu.memory_space<vmem>>) target_semaphore(%run_scoped3A : memref<!tpu.dma_semaphore, #tpu.memory_space<semaphore_mem>>)
        %dma_wait3A_39 = tpu.memref_slice %arg6[%add3A_21] : memref<320000xi32, #tpu.memory_space<hbm>> -> memref<80xi32, #tpu.memory_space<hbm>>
        %dma_wait3A_40 = tpu.memref_slice %arg6[%add3A_21] : memref<320000xi32, #tpu.memory_space<hbm>> -> memref<80xi32, #tpu.memory_space<hbm>>
        tpu.wait_dma2 semaphore(%run_scoped3A : memref<!tpu.dma_semaphore, #tpu.memory_space<semaphore_mem>>) src(%dma_wait3A_40 : memref<80xi32, #tpu.memory_space<hbm>>) dst(%arg11 : memref<80xi32, #tpu.memory_space<vmem>>)
        tpu.yield
      }) : () -> ()
      %dma_start3A = arith.constant 0 : i32
      %dma_start3A_22 = arith.constant 0 : i32
      %dma_start3A_23 = tpu.memref_slice %arg2[%dma_start3A, %dma_start3A_22] : memref<10000x160xf32, #tpu.memory_space<hbm>> -> memref<10000x160xf32, #tpu.memory_space<hbm>>
      tpu.enqueue_indirect_dma source(%dma_start3A_23 : memref<10000x160xf32, #tpu.memory_space<hbm>>) target(%arg12 : memref<80x160xf32, #tpu.memory_space<vmem>>) offsets(%arg11 : memref<80xi32, #tpu.memory_space<vmem>>) semaphore(%arg18 : memref<!tpu.dma_semaphore, #tpu.memory_space<semaphore_mem>>)
      %dma_start3A_24 = arith.constant 0 : i32
      %dma_start3A_25 = arith.constant 0 : i32
      %dma_start3A_26 = tpu.memref_slice %arg3[%dma_start3A_24, %dma_start3A_25] : memref<10000x256xf32, #tpu.memory_space<hbm>> -> memref<10000x256xf32, #tpu.memory_space<hbm>>
      tpu.enqueue_indirect_dma source(%dma_start3A_26 : memref<10000x256xf32, #tpu.memory_space<hbm>>) target(%arg13 : memref<80x256xf32, #tpu.memory_space<vmem>>) offsets(%arg10 : memref<80xi32, #tpu.memory_space<vmem>>) semaphore(%arg19 : memref<!tpu.dma_semaphore, #tpu.memory_space<semaphore_mem>>)
      "tpu.region"() ({
        %run_scoped3A = tpu.sem_alloc : memref<!tpu.dma_semaphore, #tpu.memory_space<semaphore_mem>>
        %dma_start3A_37 = arith.constant 0 : i32
        %dma_start3A_38 = tpu.memref_slice %arg4[%add3A_21, %dma_start3A_37] : memref<320000x16xf32, #tpu.memory_space<hbm>> -> memref<80x16xf32, #tpu.memory_space<hbm>>
        %dma_start3A_39 = arith.constant 0 : i32
        %dma_start3A_40 = tpu.memref_slice %arg4[%add3A_21, %dma_start3A_39] : memref<320000x16xf32, #tpu.memory_space<hbm>> -> memref<80x16xf32, #tpu.memory_space<hbm>>
        tpu.enqueue_dma source(%dma_start3A_40 : memref<80x16xf32, #tpu.memory_space<hbm>>) target(%arg14 : memref<80x16xf32, #tpu.memory_space<vmem>>) target_semaphore(%run_scoped3A : memref<!tpu.dma_semaphore, #tpu.memory_space<semaphore_mem>>)
        %dma_wait3A_41 = arith.constant 0 : i32
        %dma_wait3A_42 = tpu.memref_slice %arg4[%add3A_21, %dma_wait3A_41] : memref<320000x16xf32, #tpu.memory_space<hbm>> -> memref<80x16xf32, #tpu.memory_space<hbm>>
        %dma_wait3A_43 = arith.constant 0 : i32
        %dma_wait3A_44 = tpu.memref_slice %arg4[%add3A_21, %dma_wait3A_43] : memref<320000x16xf32, #tpu.memory_space<hbm>> -> memref<80x16xf32, #tpu.memory_space<hbm>>
        tpu.wait_dma2 semaphore(%run_scoped3A : memref<!tpu.dma_semaphore, #tpu.memory_space<semaphore_mem>>) src(%dma_wait3A_44 : memref<80x16xf32, #tpu.memory_space<hbm>>) dst(%arg14 : memref<80x16xf32, #tpu.memory_space<vmem>>)
        tpu.yield
      }) : () -> ()
      %dma_wait3A = arith.constant 0 : i32
      %dma_wait3A_27 = arith.constant 0 : i32
      %dma_wait3A_28 = tpu.memref_slice %arg2[%dma_wait3A, %dma_wait3A_27] : memref<10000x160xf32, #tpu.memory_space<hbm>> -> memref<10000x160xf32, #tpu.memory_space<hbm>>
      tpu.wait_indirect_dma semaphore(%arg18 : memref<!tpu.dma_semaphore, #tpu.memory_space<semaphore_mem>>) src(%dma_wait3A_28 : memref<10000x160xf32, #tpu.memory_space<hbm>>) dst(%arg12 : memref<80x160xf32, #tpu.memory_space<vmem>>)
      %dma_wait3A_29 = arith.constant 0 : i32
      %dma_wait3A_30 = arith.constant 0 : i32
      %dma_wait3A_31 = tpu.memref_slice %arg3[%dma_wait3A_29, %dma_wait3A_30] : memref<10000x256xf32, #tpu.memory_space<hbm>> -> memref<10000x256xf32, #tpu.memory_space<hbm>>
      tpu.wait_indirect_dma semaphore(%arg19 : memref<!tpu.dma_semaphore, #tpu.memory_space<semaphore_mem>>) src(%dma_wait3A_31 : memref<10000x256xf32, #tpu.memory_space<hbm>>) dst(%arg13 : memref<80x256xf32, #tpu.memory_space<vmem>>)
      %scan3A_32 = arith.constant 0 : i32
      %scan3A_33 = arith.constant 80 : i32
      %scan3A_34 = arith.addi %scan3A_32, %scan3A_33 : i32
      %scan3A_35 = arith.constant 1 : i32
      scf.for %scan3A_37 = %scan3A_32 to %scan3A_34 step %scan3A_35  : i32 {
        %mul3A_38 = arith.constant 1 : i32
        %mul3A_39 = arith.muli %scan3A_37, %mul3A_38 : i32
        %add3A_40 = arith.constant 0 : i32
        %add3A_41 = arith.addi %add3A_40, %mul3A_39 : i32
        %get3A = arith.index_cast %add3A_41 : i32 to index
        %get3A_42 = arith.constant 128 : index
        %get3A_43 = tpu.vector_load %arg12[%get3A, %get3A_42] {strides = array<i32>} : memref<80x160xf32, #tpu.memory_space<vmem>>, vector<16xf32>,
        %get3A_44 = arith.index_cast %add3A_41 : i32 to index
        %get3A_45 = arith.constant 0 : index
        %get3A_46 = tpu.vector_load %arg14[%get3A_44, %get3A_45] {strides = array<i32>} : memref<80x16xf32, #tpu.memory_space<vmem>>, vector<16xf32>,
        %mul3A_47 = arith.mulf %get3A_43, %get3A_46 : vector<16xf32>
        %get3A_48 = arith.index_cast %add3A_41 : i32 to index
        %get3A_49 = arith.constant 0 : index
        %get3A_50 = tpu.vector_load %arg12[%get3A_48, %get3A_49] {strides = array<i32>} : memref<80x160xf32, #tpu.memory_space<vmem>>, vector<16xf32>,
        %get3A_51 = arith.index_cast %add3A_41 : i32 to index
        %get3A_52 = arith.constant 0 : index
        %get3A_53 = tpu.vector_load %arg13[%get3A_51, %get3A_52] {strides = array<i32>} : memref<80x256xf32, #tpu.memory_space<vmem>>, vector<16xf32>,
        %mul3A_54 = arith.mulf %get3A_50, %get3A_53 : vector<16xf32>
        %add3A_55 = arith.addf %mul3A_47, %mul3A_54 : vector<16xf32>
        %get3A_56 = arith.index_cast %add3A_41 : i32 to index
        %get3A_57 = arith.constant 16 : index
        %get3A_58 = tpu.vector_load %arg12[%get3A_56, %get3A_57] {strides = array<i32>} : memref<80x160xf32, #tpu.memory_space<vmem>>, vector<16xf32>,
        %get3A_59 = arith.index_cast %add3A_41 : i32 to index
        %get3A_60 = arith.constant 16 : index
        %get3A_61 = tpu.vector_load %arg13[%get3A_59, %get3A_60] {strides = array<i32>} : memref<80x256xf32, #tpu.memory_space<vmem>>, vector<16xf32>,
        %mul3A_62 = arith.mulf %get3A_58, %get3A_61 : vector<16xf32>
        %add3A_63 = arith.addf %add3A_55, %mul3A_62 : vector<16xf32>
        %get3A_64 = arith.index_cast %add3A_41 : i32 to index
        %get3A_65 = arith.constant 32 : index
        %get3A_66 = tpu.vector_load %arg12[%get3A_64, %get3A_65] {strides = array<i32>} : memref<80x160xf32, #tpu.memory_space<vmem>>, vector<16xf32>,
        %get3A_67 = arith.index_cast %add3A_41 : i32 to index
        %get3A_68 = arith.constant 32 : index
        %get3A_69 = tpu.vector_load %arg13[%get3A_67, %get3A_68] {strides = array<i32>} : memref<80x256xf32, #tpu.memory_space<vmem>>, vector<16xf32>,
        %mul3A_70 = arith.mulf %get3A_66, %get3A_69 : vector<16xf32>
        %add3A_71 = arith.addf %add3A_63, %mul3A_70 : vector<16xf32>
        %get3A_72 = arith.index_cast %add3A_41 : i32 to index
        %get3A_73 = arith.constant 48 : index
        %get3A_74 = tpu.vector_load %arg12[%get3A_72, %get3A_73] {strides = array<i32>} : memref<80x160xf32, #tpu.memory_space<vmem>>, vector<16xf32>,
        %get3A_75 = arith.index_cast %add3A_41 : i32 to index
        %get3A_76 = arith.constant 48 : index
        %get3A_77 = tpu.vector_load %arg13[%get3A_75, %get3A_76] {strides = array<i32>} : memref<80x256xf32, #tpu.memory_space<vmem>>, vector<16xf32>,
        %mul3A_78 = arith.mulf %get3A_74, %get3A_77 : vector<16xf32>
        %add3A_79 = arith.addf %add3A_71, %mul3A_78 : vector<16xf32>
        %get3A_80 = arith.index_cast %add3A_41 : i32 to index
        %get3A_81 = arith.constant 64 : index
        %get3A_82 = tpu.vector_load %arg12[%get3A_80, %get3A_81] {strides = array<i32>} : memref<80x160xf32, #tpu.memory_space<vmem>>, vector<16xf32>,
        %get3A_83 = arith.index_cast %add3A_41 : i32 to index
        %get3A_84 = arith.constant 64 : index
        %get3A_85 = tpu.vector_load %arg13[%get3A_83, %get3A_84] {strides = array<i32>} : memref<80x256xf32, #tpu.memory_space<vmem>>, vector<16xf32>,
        %mul3A_86 = arith.mulf %get3A_82, %get3A_85 : vector<16xf32>
        %add3A_87 = arith.addf %add3A_79, %mul3A_86 : vector<16xf32>
        %get3A_88 = arith.index_cast %add3A_41 : i32 to index
        %get3A_89 = arith.constant 80 : index
        %get3A_90 = tpu.vector_load %arg12[%get3A_88, %get3A_89] {strides = array<i32>} : memref<80x160xf32, #tpu.memory_space<vmem>>, vector<16xf32>,
        %get3A_91 = arith.index_cast %add3A_41 : i32 to index
        %get3A_92 = arith.constant 80 : index
        %get3A_93 = tpu.vector_load %arg13[%get3A_91, %get3A_92] {strides = array<i32>} : memref<80x256xf32, #tpu.memory_space<vmem>>, vector<16xf32>,
        %mul3A_94 = arith.mulf %get3A_90, %get3A_93 : vector<16xf32>
        %add3A_95 = arith.addf %add3A_87, %mul3A_94 : vector<16xf32>
        %get3A_96 = arith.index_cast %add3A_41 : i32 to index
        %get3A_97 = arith.constant 96 : index
        %get3A_98 = tpu.vector_load %arg12[%get3A_96, %get3A_97] {strides = array<i32>} : memref<80x160xf32, #tpu.memory_space<vmem>>, vector<16xf32>,
        %get3A_99 = arith.index_cast %add3A_41 : i32 to index
        %get3A_100 = arith.constant 96 : index
        %get3A_101 = tpu.vector_load %arg13[%get3A_99, %get3A_100] {strides = array<i32>} : memref<80x256xf32, #tpu.memory_space<vmem>>, vector<16xf32>,
        %mul3A_102 = arith.mulf %get3A_98, %get3A_101 : vector<16xf32>
        %add3A_103 = arith.addf %add3A_95, %mul3A_102 : vector<16xf32>
        %get3A_104 = arith.index_cast %add3A_41 : i32 to index
        %get3A_105 = arith.constant 112 : index
        %get3A_106 = tpu.vector_load %arg12[%get3A_104, %get3A_105] {strides = array<i32>} : memref<80x160xf32, #tpu.memory_space<vmem>>, vector<16xf32>,
        %get3A_107 = arith.index_cast %add3A_41 : i32 to index
        %get3A_108 = arith.constant 112 : index
        %get3A_109 = tpu.vector_load %arg13[%get3A_107, %get3A_108] {strides = array<i32>} : memref<80x256xf32, #tpu.memory_space<vmem>>, vector<16xf32>,
        %mul3A_110 = arith.mulf %get3A_106, %get3A_109 : vector<16xf32>
        %add3A_111 = arith.addf %add3A_103, %mul3A_110 : vector<16xf32>
        %reduce_sum3A = arith.constant true
        %reduce_sum3A_112 = vector.broadcast %reduce_sum3A : i1 to vector<16xi1>
        %reduce_sum3A_113 = tpu.scan <sum>, %add3A_111 masked %reduce_sum3A_112 : vector<16xf32>, vector<16xi1> -> vector<16xf32>
        %reduce_sum3A_114 = vector.extract %reduce_sum3A_113[15] : f32 from vector<16xf32>
        %mul3A_115 = arith.constant 0.0883883461 : f32
        %mul3A_116 = arith.mulf %reduce_sum3A_114, %mul3A_115 : f32
        %broadcast_in_dim3A_117 = vector.broadcast %mul3A_116 : f32 to vector<16xf32>
        %exp3A = math.exp %broadcast_in_dim3A_117 : vector<16xf32>
        %get3A_118 = arith.index_cast %add3A_41 : i32 to index
        %get3A_119 = arith.constant 128 : index
        %get3A_120 = tpu.vector_load %arg13[%get3A_118, %get3A_119] {strides = array<i32>} : memref<80x256xf32, #tpu.memory_space<vmem>>, vector<16xf32>,
        %mul3A_121 = arith.mulf %get3A_120, %exp3A : vector<16xf32>
        %swap3A = arith.index_cast %add3A_41 : i32 to index
        %swap3A_122 = arith.constant 0 : index
        %swap3A_123 = tpu.vector_load %arg15[%swap3A, %swap3A_122] {strides = array<i32>} : memref<80x128xf32, #tpu.memory_space<vmem>>, vector<16xf32>,
        tpu.vector_store %arg15[%swap3A, %swap3A_122], %mul3A_121 {strides = array<i32>} : memref<80x128xf32, #tpu.memory_space<vmem>>, vector<16xf32>,
        %get3A_124 = arith.index_cast %add3A_41 : i32 to index
        %get3A_125 = arith.constant 144 : index
        %get3A_126 = tpu.vector_load %arg13[%get3A_124, %get3A_125] {strides = array<i32>} : memref<80x256xf32, #tpu.memory_space<vmem>>, vector<16xf32>,
        %mul3A_127 = arith.mulf %get3A_126, %exp3A : vector<16xf32>
        %swap3A_128 = arith.index_cast %add3A_41 : i32 to index
        %swap3A_129 = arith.constant 16 : index
        %swap3A_130 = tpu.vector_load %arg15[%swap3A_128, %swap3A_129] {strides = array<i32>} : memref<80x128xf32, #tpu.memory_space<vmem>>, vector<16xf32>,
        tpu.vector_store %arg15[%swap3A_128, %swap3A_129], %mul3A_127 {strides = array<i32>} : memref<80x128xf32, #tpu.memory_space<vmem>>, vector<16xf32>,
        %get3A_131 = arith.index_cast %add3A_41 : i32 to index
        %get3A_132 = arith.constant 160 : index
        %get3A_133 = tpu.vector_load %arg13[%get3A_131, %get3A_132] {strides = array<i32>} : memref<80x256xf32, #tpu.memory_space<vmem>>, vector<16xf32>,
        %mul3A_134 = arith.mulf %get3A_133, %exp3A : vector<16xf32>
        %swap3A_135 = arith.index_cast %add3A_41 : i32 to index
        %swap3A_136 = arith.constant 32 : index
        %swap3A_137 = tpu.vector_load %arg15[%swap3A_135, %swap3A_136] {strides = array<i32>} : memref<80x128xf32, #tpu.memory_space<vmem>>, vector<16xf32>,
        tpu.vector_store %arg15[%swap3A_135, %swap3A_136], %mul3A_134 {strides = array<i32>} : memref<80x128xf32, #tpu.memory_space<vmem>>, vector<16xf32>,
        %get3A_138 = arith.index_cast %add3A_41 : i32 to index
        %get3A_139 = arith.constant 176 : index
        %get3A_140 = tpu.vector_load %arg13[%get3A_138, %get3A_139] {strides = array<i32>} : memref<80x256xf32, #tpu.memory_space<vmem>>, vector<16xf32>,
        %mul3A_141 = arith.mulf %get3A_140, %exp3A : vector<16xf32>
        %swap3A_142 = arith.index_cast %add3A_41 : i32 to index
        %swap3A_143 = arith.constant 48 : index
        %swap3A_144 = tpu.vector_load %arg15[%swap3A_142, %swap3A_143] {strides = array<i32>} : memref<80x128xf32, #tpu.memory_space<vmem>>, vector<16xf32>,
        tpu.vector_store %arg15[%swap3A_142, %swap3A_143], %mul3A_141 {strides = array<i32>} : memref<80x128xf32, #tpu.memory_space<vmem>>, vector<16xf32>,
        %get3A_145 = arith.index_cast %add3A_41 : i32 to index
        %get3A_146 = arith.constant 192 : index
        %get3A_147 = tpu.vector_load %arg13[%get3A_145, %get3A_146] {strides = array<i32>} : memref<80x256xf32, #tpu.memory_space<vmem>>, vector<16xf32>,
        %mul3A_148 = arith.mulf %get3A_147, %exp3A : vector<16xf32>
        %swap3A_149 = arith.index_cast %add3A_41 : i32 to index
        %swap3A_150 = arith.constant 64 : index
        %swap3A_151 = tpu.vector_load %arg15[%swap3A_149, %swap3A_150] {strides = array<i32>} : memref<80x128xf32, #tpu.memory_space<vmem>>, vector<16xf32>,
        tpu.vector_store %arg15[%swap3A_149, %swap3A_150], %mul3A_148 {strides = array<i32>} : memref<80x128xf32, #tpu.memory_space<vmem>>, vector<16xf32>,
        %get3A_152 = arith.index_cast %add3A_41 : i32 to index
        %get3A_153 = arith.constant 208 : index
        %get3A_154 = tpu.vector_load %arg13[%get3A_152, %get3A_153] {strides = array<i32>} : memref<80x256xf32, #tpu.memory_space<vmem>>, vector<16xf32>,
        %mul3A_155 = arith.mulf %get3A_154, %exp3A : vector<16xf32>
        %swap3A_156 = arith.index_cast %add3A_41 : i32 to index
        %swap3A_157 = arith.constant 80 : index
        %swap3A_158 = tpu.vector_load %arg15[%swap3A_156, %swap3A_157] {strides = array<i32>} : memref<80x128xf32, #tpu.memory_space<vmem>>, vector<16xf32>,
        tpu.vector_store %arg15[%swap3A_156, %swap3A_157], %mul3A_155 {strides = array<i32>} : memref<80x128xf32, #tpu.memory_space<vmem>>, vector<16xf32>,
        %get3A_159 = arith.index_cast %add3A_41 : i32 to index
        %get3A_160 = arith.constant 224 : index
        %get3A_161 = tpu.vector_load %arg13[%get3A_159, %get3A_160] {strides = array<i32>} : memref<80x256xf32, #tpu.memory_space<vmem>>, vector<16xf32>,
        %mul3A_162 = arith.mulf %get3A_161, %exp3A : vector<16xf32>
        %swap3A_163 = arith.index_cast %add3A_41 : i32 to index
        %swap3A_164 = arith.constant 96 : index
        %swap3A_165 = tpu.vector_load %arg15[%swap3A_163, %swap3A_164] {strides = array<i32>} : memref<80x128xf32, #tpu.memory_space<vmem>>, vector<16xf32>,
        tpu.vector_store %arg15[%swap3A_163, %swap3A_164], %mul3A_162 {strides = array<i32>} : memref<80x128xf32, #tpu.memory_space<vmem>>, vector<16xf32>,
        %get3A_166 = arith.index_cast %add3A_41 : i32 to index
        %get3A_167 = arith.constant 240 : index
        %get3A_168 = tpu.vector_load %arg13[%get3A_166, %get3A_167] {strides = array<i32>} : memref<80x256xf32, #tpu.memory_space<vmem>>, vector<16xf32>,
        %mul3A_169 = arith.mulf %get3A_168, %exp3A : vector<16xf32>
        %swap3A_170 = arith.index_cast %add3A_41 : i32 to index
        %swap3A_171 = arith.constant 112 : index
        %swap3A_172 = tpu.vector_load %arg15[%swap3A_170, %swap3A_171] {strides = array<i32>} : memref<80x128xf32, #tpu.memory_space<vmem>>, vector<16xf32>,
        tpu.vector_store %arg15[%swap3A_170, %swap3A_171], %mul3A_169 {strides = array<i32>} : memref<80x128xf32, #tpu.memory_space<vmem>>, vector<16xf32>,
        %get3A_173 = arith.index_cast %add3A_41 : i32 to index
        %get3A_174 = arith.constant 0 : index
        %get3A_175 = tpu.vector_load %arg14[%get3A_173, %get3A_174] {strides = array<i32>} : memref<80x16xf32, #tpu.memory_space<vmem>>, vector<16xf32>,
        %mul3A_176 = arith.mulf %get3A_175, %exp3A : vector<16xf32>
        %swap3A_177 = arith.index_cast %add3A_41 : i32 to index
        %swap3A_178 = arith.constant 0 : index
        %swap3A_179 = tpu.vector_load %arg16[%swap3A_177, %swap3A_178] {strides = array<i32>} : memref<80x32xf32, #tpu.memory_space<vmem>>, vector<16xf32>,
        tpu.vector_store %arg16[%swap3A_177, %swap3A_178], %mul3A_176 {strides = array<i32>} : memref<80x32xf32, #tpu.memory_space<vmem>>, vector<16xf32>,
        %mul3A_180 = arith.mulf %exp3A, %select_n3A : vector<16xf32>
        %swap3A_181 = arith.index_cast %add3A_41 : i32 to index
        %swap3A_182 = arith.constant 16 : index
        %swap3A_183 = tpu.vector_load %arg16[%swap3A_181, %swap3A_182] {strides = array<i32>} : memref<80x32xf32, #tpu.memory_space<vmem>>, vector<16xf32>,
        tpu.vector_store %arg16[%swap3A_181, %swap3A_182], %mul3A_180 {strides = array<i32>} : memref<80x32xf32, #tpu.memory_space<vmem>>, vector<16xf32>,
      }
      %scan3A_36 = arith.constant 80 : i32
      "tpu.region"() ({
        %run_scoped3A = tpu.sem_alloc : memref<!tpu.dma_semaphore, #tpu.memory_space<semaphore_mem>>
        %dma_start3A_37 = arith.constant 0 : i32
        %dma_start3A_38 = arith.constant 0 : i32
        %dma_start3A_39 = tpu.memref_slice %arg17[%dma_start3A_37, %dma_start3A_38] : memref<10240x128xf32, #tpu.memory_space<vmem_shared>> -> memref<10240x128xf32, #tpu.memory_space<vmem_shared>>
        tpu.enqueue_indirect_dma source(%arg15 : memref<80x128xf32, #tpu.memory_space<vmem>>) target(%dma_start3A_39 : memref<10240x128xf32, #tpu.memory_space<vmem_shared>>) offsets(%arg11 : memref<80xi32, #tpu.memory_space<vmem>>) semaphore(%run_scoped3A : memref<!tpu.dma_semaphore, #tpu.memory_space<semaphore_mem>>) {add = true}
        %dma_wait3A_40 = arith.constant 0 : i32
        %dma_wait3A_41 = arith.constant 0 : i32
        %dma_wait3A_42 = tpu.memref_slice %arg17[%dma_wait3A_40, %dma_wait3A_41] : memref<10240x128xf32, #tpu.memory_space<vmem_shared>> -> memref<10240x128xf32, #tpu.memory_space<vmem_shared>>
        tpu.wait_indirect_dma semaphore(%run_scoped3A : memref<!tpu.dma_semaphore, #tpu.memory_space<semaphore_mem>>) src(%arg15 : memref<80x128xf32, #tpu.memory_space<vmem>>) dst(%dma_wait3A_42 : memref<10240x128xf32, #tpu.memory_space<vmem_shared>>)
        tpu.yield
      }) : () -> ()
      "tpu.region"() ({
        %run_scoped3A = tpu.sem_alloc : memref<!tpu.dma_semaphore, #tpu.memory_space<semaphore_mem>>
        %dma_start3A_37 = arith.constant 0 : i32
        %dma_start3A_38 = tpu.memref_slice %arg9[%add3A_21, %dma_start3A_37] : memref<320000x32xf32, #tpu.memory_space<hbm>> -> memref<80x32xf32, #tpu.memory_space<hbm>>
        %dma_start3A_39 = arith.constant 0 : i32
        %dma_start3A_40 = tpu.memref_slice %arg9[%add3A_21, %dma_start3A_39] : memref<320000x32xf32, #tpu.memory_space<hbm>> -> memref<80x32xf32, #tpu.memory_space<hbm>>
        tpu.enqueue_dma source(%arg16 : memref<80x32xf32, #tpu.memory_space<vmem>>) target(%dma_start3A_40 : memref<80x32xf32, #tpu.memory_space<hbm>>) target_semaphore(%run_scoped3A : memref<!tpu.dma_semaphore, #tpu.memory_space<semaphore_mem>>)
        %dma_wait3A_41 = arith.constant 0 : i32
        %dma_wait3A_42 = tpu.memref_slice %arg9[%add3A_21, %dma_wait3A_41] : memref<320000x32xf32, #tpu.memory_space<hbm>> -> memref<80x32xf32, #tpu.memory_space<hbm>>
        %dma_wait3A_43 = arith.constant 0 : i32
        %dma_wait3A_44 = tpu.memref_slice %arg9[%add3A_21, %dma_wait3A_43] : memref<320000x32xf32, #tpu.memory_space<hbm>> -> memref<80x32xf32, #tpu.memory_space<hbm>>
        tpu.wait_dma2 semaphore(%run_scoped3A : memref<!tpu.dma_semaphore, #tpu.memory_space<semaphore_mem>>) src(%arg16 : memref<80x32xf32, #tpu.memory_space<vmem>>) dst(%dma_wait3A_44 : memref<80x32xf32, #tpu.memory_space<hbm>>)
        tpu.yield
      }) : () -> ()
    }
    %scan3A_12 = arith.constant 125 : i32
    %barrier3A_13 = arith.constant 0 : index
    tpu.barrier barrier_id(%barrier3A_13)
    "tpu.region"() ({
      %run_scoped3A = tpu.sem_alloc : memref<!tpu.dma_semaphore, #tpu.memory_space<semaphore_mem>>
      %dma_start3A = arith.constant 0 : i32
      %dma_start3A_14 = tpu.memref_slice %arg8[%arg0, %mul3A_2, %dma_start3A] : memref<2x10240x128xf32, #tpu.memory_space<hbm>> -> memref<1x640x128xf32, #tpu.memory_space<hbm>>
      %dma_start3A_15 = tpu.memref_squeeze %dma_start3A_14 : memref<1x640x128xf32, #tpu.memory_space<hbm>> -> memref<640x128xf32, #tpu.memory_space<hbm>>
      %dma_start3A_16 = arith.constant 0 : i32
      %dma_start3A_17 = tpu.memref_slice %arg17[%mul3A_2, %dma_start3A_16] : memref<10240x128xf32, #tpu.memory_space<vmem_shared>> -> memref<640x128xf32, #tpu.memory_space<vmem_shared>>
      tpu.enqueue_dma source(%dma_start3A_17 : memref<640x128xf32, #tpu.memory_space<vmem_shared>>) target(%dma_start3A_15 : memref<640x128xf32, #tpu.memory_space<hbm>>) target_semaphore(%run_scoped3A : memref<!tpu.dma_semaphore, #tpu.memory_space<semaphore_mem>>)
      %dma_wait3A = arith.constant 0 : i32
      %dma_wait3A_18 = tpu.memref_slice %arg8[%arg0, %mul3A_2, %dma_wait3A] : memref<2x10240x128xf32, #tpu.memory_space<hbm>> -> memref<1x640x128xf32, #tpu.memory_space<hbm>>
      %dma_wait3A_19 = tpu.memref_squeeze %dma_wait3A_18 : memref<1x640x128xf32, #tpu.memory_space<hbm>> -> memref<640x128xf32, #tpu.memory_space<hbm>>
      %dma_wait3A_20 = arith.constant 0 : i32
      %dma_wait3A_21 = tpu.memref_slice %arg17[%mul3A_2, %dma_wait3A_20] : memref<10240x128xf32, #tpu.memory_space<vmem_shared>> -> memref<640x128xf32, #tpu.memory_space<vmem_shared>>
      tpu.wait_dma2 semaphore(%run_scoped3A : memref<!tpu.dma_semaphore, #tpu.memory_space<semaphore_mem>>) src(%dma_wait3A_21 : memref<640x128xf32, #tpu.memory_space<vmem_shared>>) dst(%dma_wait3A_19 : memref<640x128xf32, #tpu.memory_space<hbm>>)
      tpu.yield
    }) : () -> ()
    return
  }
}

#map = affine_map<(d0, d1) -> (0, 0)>
#map1 = affine_map<(d0, d1) -> (0)>
#map2 = affine_map<(d0, d1) -> (0, 0, 0)>
module attributes {stable_mosaic.version = 14 : i64} {
  func.func @_edge_aux(%arg0: i32, %arg1: i32, %arg2: memref<320000x32xf32, #tpu.memory_space<hbm>>, %arg3: memref<320000xi32, #tpu.memory_space<hbm>>, %arg4: memref<640x32xf32, #tpu.memory_space<hbm>>, %arg5: memref<2x10240x32xf32, #tpu.memory_space<hbm>>, %arg6: memref<80xi32, #tpu.memory_space<vmem>>, %arg7: memref<80x32xf32, #tpu.memory_space<vmem>>, %arg8: memref<10240x32xf32, #tpu.memory_space<vmem_shared>>) attributes {dimension_semantics = [#tpu.dimension_semantics<core_parallel>, #tpu.dimension_semantics<subcore_parallel>], iteration_bounds = array<i64: 2, 16>, scalar_prefetch = 0 : i64, scratch_operands = 3 : i64, tpu.core_type = #tpu.core_type<sc_vector_subcore>, window_params = [{transform_indices = #map}, {transform_indices = #map1}, {transform_indices = #map}, {transform_indices = #map2}]} {
    %mul3A = arith.constant 16 : i32
    %mul3A_0 = arith.muli %arg0, %mul3A : i32
    %add3A = arith.addi %mul3A_0, %arg1 : i32
    %mul3A_1 = arith.constant 640 : i32
    %mul3A_2 = arith.muli %arg1, %mul3A_1 : i32
    "tpu.region"() ({
      %run_scoped3A = tpu.sem_alloc : memref<!tpu.dma_semaphore, #tpu.memory_space<semaphore_mem>>
      %dma_start3A = arith.constant 0 : i32
      %dma_start3A_10 = tpu.memref_slice %arg8[%mul3A_2, %dma_start3A] : memref<10240x32xf32, #tpu.memory_space<vmem_shared>> -> memref<640x32xf32, #tpu.memory_space<vmem_shared>>
      tpu.enqueue_dma source(%arg4 : memref<640x32xf32, #tpu.memory_space<hbm>>) target(%dma_start3A_10 : memref<640x32xf32, #tpu.memory_space<vmem_shared>>) target_semaphore(%run_scoped3A : memref<!tpu.dma_semaphore, #tpu.memory_space<semaphore_mem>>)
      %dma_wait3A = arith.constant 0 : i32
      %dma_wait3A_11 = tpu.memref_slice %arg8[%mul3A_2, %dma_wait3A] : memref<10240x32xf32, #tpu.memory_space<vmem_shared>> -> memref<640x32xf32, #tpu.memory_space<vmem_shared>>
      tpu.wait_dma2 semaphore(%run_scoped3A : memref<!tpu.dma_semaphore, #tpu.memory_space<semaphore_mem>>) src(%arg4 : memref<640x32xf32, #tpu.memory_space<hbm>>) dst(%dma_wait3A_11 : memref<640x32xf32, #tpu.memory_space<vmem_shared>>)
      tpu.yield
    }) : () -> ()
    %barrier3A = arith.constant 0 : index
    tpu.barrier barrier_id(%barrier3A)
    %mul3A_3 = arith.constant 10000 : i32
    %mul3A_4 = arith.muli %add3A, %mul3A_3 : i32
    %scan3A = arith.constant 0 : i32
    %scan3A_5 = arith.constant 125 : i32
    %scan3A_6 = arith.addi %scan3A, %scan3A_5 : i32
    %scan3A_7 = arith.constant 1 : i32
    scf.for %scan3A_10 = %scan3A to %scan3A_6 step %scan3A_7  : i32 {
      %mul3A_11 = arith.constant 1 : i32
      %mul3A_12 = arith.muli %scan3A_10, %mul3A_11 : i32
      %add3A_13 = arith.constant 0 : i32
      %add3A_14 = arith.addi %add3A_13, %mul3A_12 : i32
      %mul3A_15 = arith.constant 80 : i32
      %mul3A_16 = arith.muli %add3A_14, %mul3A_15 : i32
      %add3A_17 = arith.addi %mul3A_4, %mul3A_16 : i32
      "tpu.region"() ({
        %run_scoped3A = tpu.sem_alloc : memref<!tpu.dma_semaphore, #tpu.memory_space<semaphore_mem>>
        %dma_start3A = tpu.memref_slice %arg3[%add3A_17] : memref<320000xi32, #tpu.memory_space<hbm>> -> memref<80xi32, #tpu.memory_space<hbm>>
        %dma_start3A_18 = tpu.memref_slice %arg3[%add3A_17] : memref<320000xi32, #tpu.memory_space<hbm>> -> memref<80xi32, #tpu.memory_space<hbm>>
        tpu.enqueue_dma source(%dma_start3A_18 : memref<80xi32, #tpu.memory_space<hbm>>) target(%arg6 : memref<80xi32, #tpu.memory_space<vmem>>) target_semaphore(%run_scoped3A : memref<!tpu.dma_semaphore, #tpu.memory_space<semaphore_mem>>)
        %dma_wait3A = tpu.memref_slice %arg3[%add3A_17] : memref<320000xi32, #tpu.memory_space<hbm>> -> memref<80xi32, #tpu.memory_space<hbm>>
        %dma_wait3A_19 = tpu.memref_slice %arg3[%add3A_17] : memref<320000xi32, #tpu.memory_space<hbm>> -> memref<80xi32, #tpu.memory_space<hbm>>
        tpu.wait_dma2 semaphore(%run_scoped3A : memref<!tpu.dma_semaphore, #tpu.memory_space<semaphore_mem>>) src(%dma_wait3A_19 : memref<80xi32, #tpu.memory_space<hbm>>) dst(%arg6 : memref<80xi32, #tpu.memory_space<vmem>>)
        tpu.yield
      }) : () -> ()
      "tpu.region"() ({
        %run_scoped3A = tpu.sem_alloc : memref<!tpu.dma_semaphore, #tpu.memory_space<semaphore_mem>>
        %dma_start3A = arith.constant 0 : i32
        %dma_start3A_18 = tpu.memref_slice %arg2[%add3A_17, %dma_start3A] : memref<320000x32xf32, #tpu.memory_space<hbm>> -> memref<80x32xf32, #tpu.memory_space<hbm>>
        %dma_start3A_19 = arith.constant 0 : i32
        %dma_start3A_20 = tpu.memref_slice %arg2[%add3A_17, %dma_start3A_19] : memref<320000x32xf32, #tpu.memory_space<hbm>> -> memref<80x32xf32, #tpu.memory_space<hbm>>
        tpu.enqueue_dma source(%dma_start3A_20 : memref<80x32xf32, #tpu.memory_space<hbm>>) target(%arg7 : memref<80x32xf32, #tpu.memory_space<vmem>>) target_semaphore(%run_scoped3A : memref<!tpu.dma_semaphore, #tpu.memory_space<semaphore_mem>>)
        %dma_wait3A = arith.constant 0 : i32
        %dma_wait3A_21 = tpu.memref_slice %arg2[%add3A_17, %dma_wait3A] : memref<320000x32xf32, #tpu.memory_space<hbm>> -> memref<80x32xf32, #tpu.memory_space<hbm>>
        %dma_wait3A_22 = arith.constant 0 : i32
        %dma_wait3A_23 = tpu.memref_slice %arg2[%add3A_17, %dma_wait3A_22] : memref<320000x32xf32, #tpu.memory_space<hbm>> -> memref<80x32xf32, #tpu.memory_space<hbm>>
        tpu.wait_dma2 semaphore(%run_scoped3A : memref<!tpu.dma_semaphore, #tpu.memory_space<semaphore_mem>>) src(%dma_wait3A_23 : memref<80x32xf32, #tpu.memory_space<hbm>>) dst(%arg7 : memref<80x32xf32, #tpu.memory_space<vmem>>)
        tpu.yield
      }) : () -> ()
      "tpu.region"() ({
        %run_scoped3A = tpu.sem_alloc : memref<!tpu.dma_semaphore, #tpu.memory_space<semaphore_mem>>
        %dma_start3A = arith.constant 0 : i32
        %dma_start3A_18 = arith.constant 0 : i32
        %dma_start3A_19 = tpu.memref_slice %arg8[%dma_start3A, %dma_start3A_18] : memref<10240x32xf32, #tpu.memory_space<vmem_shared>> -> memref<10240x32xf32, #tpu.memory_space<vmem_shared>>
        tpu.enqueue_indirect_dma source(%arg7 : memref<80x32xf32, #tpu.memory_space<vmem>>) target(%dma_start3A_19 : memref<10240x32xf32, #tpu.memory_space<vmem_shared>>) offsets(%arg6 : memref<80xi32, #tpu.memory_space<vmem>>) semaphore(%run_scoped3A : memref<!tpu.dma_semaphore, #tpu.memory_space<semaphore_mem>>) {add = true}
        %dma_wait3A = arith.constant 0 : i32
        %dma_wait3A_20 = arith.constant 0 : i32
        %dma_wait3A_21 = tpu.memref_slice %arg8[%dma_wait3A, %dma_wait3A_20] : memref<10240x32xf32, #tpu.memory_space<vmem_shared>> -> memref<10240x32xf32, #tpu.memory_space<vmem_shared>>
        tpu.wait_indirect_dma semaphore(%run_scoped3A : memref<!tpu.dma_semaphore, #tpu.memory_space<semaphore_mem>>) src(%arg7 : memref<80x32xf32, #tpu.memory_space<vmem>>) dst(%dma_wait3A_21 : memref<10240x32xf32, #tpu.memory_space<vmem_shared>>)
        tpu.yield
      }) : () -> ()
    }
    %scan3A_8 = arith.constant 125 : i32
    %barrier3A_9 = arith.constant 0 : index
    tpu.barrier barrier_id(%barrier3A_9)
    "tpu.region"() ({
      %run_scoped3A = tpu.sem_alloc : memref<!tpu.dma_semaphore, #tpu.memory_space<semaphore_mem>>
      %dma_start3A = arith.constant 0 : i32
      %dma_start3A_10 = tpu.memref_slice %arg5[%arg0, %mul3A_2, %dma_start3A] : memref<2x10240x32xf32, #tpu.memory_space<hbm>> -> memref<1x640x32xf32, #tpu.memory_space<hbm>>
      %dma_start3A_11 = tpu.memref_squeeze %dma_start3A_10 : memref<1x640x32xf32, #tpu.memory_space<hbm>> -> memref<640x32xf32, #tpu.memory_space<hbm>>
      %dma_start3A_12 = arith.constant 0 : i32
      %dma_start3A_13 = tpu.memref_slice %arg8[%mul3A_2, %dma_start3A_12] : memref<10240x32xf32, #tpu.memory_space<vmem_shared>> -> memref<640x32xf32, #tpu.memory_space<vmem_shared>>
      tpu.enqueue_dma source(%dma_start3A_13 : memref<640x32xf32, #tpu.memory_space<vmem_shared>>) target(%dma_start3A_11 : memref<640x32xf32, #tpu.memory_space<hbm>>) target_semaphore(%run_scoped3A : memref<!tpu.dma_semaphore, #tpu.memory_space<semaphore_mem>>)
      %dma_wait3A = arith.constant 0 : i32
      %dma_wait3A_14 = tpu.memref_slice %arg5[%arg0, %mul3A_2, %dma_wait3A] : memref<2x10240x32xf32, #tpu.memory_space<hbm>> -> memref<1x640x32xf32, #tpu.memory_space<hbm>>
      %dma_wait3A_15 = tpu.memref_squeeze %dma_wait3A_14 : memref<1x640x32xf32, #tpu.memory_space<hbm>> -> memref<640x32xf32, #tpu.memory_space<hbm>>
      %dma_wait3A_16 = arith.constant 0 : i32
      %dma_wait3A_17 = tpu.memref_slice %arg8[%mul3A_2, %dma_wait3A_16] : memref<10240x32xf32, #tpu.memory_space<vmem_shared>> -> memref<640x32xf32, #tpu.memory_space<vmem_shared>>
      tpu.wait_dma2 semaphore(%run_scoped3A : memref<!tpu.dma_semaphore, #tpu.memory_space<semaphore_mem>>) src(%dma_wait3A_17 : memref<640x32xf32, #tpu.memory_space<vmem_shared>>) dst(%dma_wait3A_15 : memref<640x32xf32, #tpu.memory_space<hbm>>)
      tpu.yield
    }) : () -> ()
    return
  }
}

#map = affine_map<(d0, d1) -> (0, 0)>
#map1 = affine_map<(d0, d1) -> (0)>
#map2 = affine_map<(d0, d1) -> (0, 0, 0)>
module attributes {stable_mosaic.version = 14 : i64} {
  func.func @_edge_main(%arg0: i32, %arg1: i32, %arg2: memref<10000x160xf32, #tpu.memory_space<hbm>>, %arg3: memref<10000x256xf32, #tpu.memory_space<hbm>>, %arg4: memref<320000x16xf32, #tpu.memory_space<hbm>>, %arg5: memref<320000xi32, #tpu.memory_space<hbm>>, %arg6: memref<320000xi32, #tpu.memory_space<hbm>>, %arg7: memref<640x128xf32, #tpu.memory_space<hbm>>, %arg8: memref<2x10240x128xf32, #tpu.memory_space<hbm>>, %arg9: memref<320000x32xf32, #tpu.memory_space<hbm>>, %arg10: memref<80xi32, #tpu.memory_space<vmem>>, %arg11: memref<80xi32, #tpu.memory_space<vmem>>, %arg12: memref<80x160xf32, #tpu.memory_space<vmem>>, %arg13: memref<80x256xf32, #tpu.memory_space<vmem>>, %arg14: memref<80x16xf32, #tpu.memory_space<vmem>>, %arg15: memref<80x128xf32, #tpu.memory_space<vmem>>, %arg16: memref<80x32xf32, #tpu.memory_space<vmem>>, %arg17: memref<10240x128xf32, #tpu.memory_space<vmem_shared>>, %arg18: memref<!tpu.dma_semaphore, #tpu.memory_space<semaphore_mem>>, %arg19: memref<!tpu.dma_semaphore, #tpu.memory_space<semaphore_mem>>) attributes {dimension_semantics = [#tpu.dimension_semantics<core_parallel>, #tpu.dimension_semantics<subcore_parallel>], iteration_bounds = array<i64: 2, 16>, scalar_prefetch = 0 : i64, scratch_operands = 10 : i64, tpu.core_type = #tpu.core_type<sc_vector_subcore>, window_params = [{transform_indices = #map}, {transform_indices = #map}, {transform_indices = #map}, {transform_indices = #map1}, {transform_indices = #map1}, {transform_indices = #map}, {transform_indices = #map2}, {transform_indices = #map}]} {
    %mul3A = arith.constant 16 : i32
    %mul3A_0 = arith.muli %arg0, %mul3A : i32
    %add3A = arith.addi %mul3A_0, %arg1 : i32
    %mul3A_1 = arith.constant 640 : i32
    %mul3A_2 = arith.muli %arg1, %mul3A_1 : i32
    "tpu.region"() ({
      %run_scoped3A = tpu.sem_alloc : memref<!tpu.dma_semaphore, #tpu.memory_space<semaphore_mem>>
      %dma_start3A = arith.constant 0 : i32
      %dma_start3A_14 = tpu.memref_slice %arg17[%mul3A_2, %dma_start3A] : memref<10240x128xf32, #tpu.memory_space<vmem_shared>> -> memref<640x128xf32, #tpu.memory_space<vmem_shared>>
      tpu.enqueue_dma source(%arg7 : memref<640x128xf32, #tpu.memory_space<hbm>>) target(%dma_start3A_14 : memref<640x128xf32, #tpu.memory_space<vmem_shared>>) target_semaphore(%run_scoped3A : memref<!tpu.dma_semaphore, #tpu.memory_space<semaphore_mem>>)
      %dma_wait3A = arith.constant 0 : i32
      %dma_wait3A_15 = tpu.memref_slice %arg17[%mul3A_2, %dma_wait3A] : memref<10240x128xf32, #tpu.memory_space<vmem_shared>> -> memref<640x128xf32, #tpu.memory_space<vmem_shared>>
      tpu.wait_dma2 semaphore(%run_scoped3A : memref<!tpu.dma_semaphore, #tpu.memory_space<semaphore_mem>>) src(%arg7 : memref<640x128xf32, #tpu.memory_space<hbm>>) dst(%dma_wait3A_15 : memref<640x128xf32, #tpu.memory_space<vmem_shared>>)
      tpu.yield
    }) : () -> ()
    %barrier3A = arith.constant 0 : index
    tpu.barrier barrier_id(%barrier3A)
    %iota3A = tpu.iota {dimensions = array<i32: 0>} : vector<16xi32>
    %lt3A = arith.constant 1 : i32
    %lt3A_3 = vector.broadcast %lt3A : i32 to vector<16xi32>
    %lt3A_4 = arith.cmpi slt, %iota3A, %lt3A_3 : vector<16xi32>
    %jit3A = arith.constant 1.000000e+00 : f32
    %jit3A_5 = arith.constant 0.000000e+00 : f32
    %broadcast_in_dim3A = vector.broadcast %jit3A : f32 to vector<16xf32>
    %broadcast_in_dim3A_6 = vector.broadcast %jit3A_5 : f32 to vector<16xf32>
    %select_n3A = arith.select %lt3A_4, %broadcast_in_dim3A, %broadcast_in_dim3A_6 : vector<16xi1>, vector<16xf32>
    %mul3A_7 = arith.constant 10000 : i32
    %mul3A_8 = arith.muli %add3A, %mul3A_7 : i32
    %scan3A = arith.constant 0 : i32
    %scan3A_9 = arith.constant 125 : i32
    %scan3A_10 = arith.addi %scan3A, %scan3A_9 : i32
    %scan3A_11 = arith.constant 1 : i32
    scf.for %scan3A_14 = %scan3A to %scan3A_10 step %scan3A_11  : i32 {
      %mul3A_15 = arith.constant 1 : i32
      %mul3A_16 = arith.muli %scan3A_14, %mul3A_15 : i32
      %add3A_17 = arith.constant 0 : i32
      %add3A_18 = arith.addi %add3A_17, %mul3A_16 : i32
      %mul3A_19 = arith.constant 80 : i32
      %mul3A_20 = arith.muli %add3A_18, %mul3A_19 : i32
      %add3A_21 = arith.addi %mul3A_8, %mul3A_20 : i32
      "tpu.region"() ({
        %run_scoped3A = tpu.sem_alloc : memref<!tpu.dma_semaphore, #tpu.memory_space<semaphore_mem>>
        %dma_start3A_37 = tpu.memref_slice %arg5[%add3A_21] : memref<320000xi32, #tpu.memory_space<hbm>> -> memref<80xi32, #tpu.memory_space<hbm>>
        %dma_start3A_38 = tpu.memref_slice %arg5[%add3A_21] : memref<320000xi32, #tpu.memory_space<hbm>> -> memref<80xi32, #tpu.memory_space<hbm>>
        tpu.enqueue_dma source(%dma_start3A_38 : memref<80xi32, #tpu.memory_space<hbm>>) target(%arg10 : memref<80xi32, #tpu.memory_space<vmem>>) target_semaphore(%run_scoped3A : memref<!tpu.dma_semaphore, #tpu.memory_space<semaphore_mem>>)
        %dma_wait3A_39 = tpu.memref_slice %arg5[%add3A_21] : memref<320000xi32, #tpu.memory_space<hbm>> -> memref<80xi32, #tpu.memory_space<hbm>>
        %dma_wait3A_40 = tpu.memref_slice %arg5[%add3A_21] : memref<320000xi32, #tpu.memory_space<hbm>> -> memref<80xi32, #tpu.memory_space<hbm>>
        tpu.wait_dma2 semaphore(%run_scoped3A : memref<!tpu.dma_semaphore, #tpu.memory_space<semaphore_mem>>) src(%dma_wait3A_40 : memref<80xi32, #tpu.memory_space<hbm>>) dst(%arg10 : memref<80xi32, #tpu.memory_space<vmem>>)
        tpu.yield
      }) : () -> ()
      "tpu.region"() ({
        %run_scoped3A = tpu.sem_alloc : memref<!tpu.dma_semaphore, #tpu.memory_space<semaphore_mem>>
        %dma_start3A_37 = tpu.memref_slice %arg6[%add3A_21] : memref<320000xi32, #tpu.memory_space<hbm>> -> memref<80xi32, #tpu.memory_space<hbm>>
        %dma_start3A_38 = tpu.memref_slice %arg6[%add3A_21] : memref<320000xi32, #tpu.memory_space<hbm>> -> memref<80xi32, #tpu.memory_space<hbm>>
        tpu.enqueue_dma source(%dma_start3A_38 : memref<80xi32, #tpu.memory_space<hbm>>) target(%arg11 : memref<80xi32, #tpu.memory_space<vmem>>) target_semaphore(%run_scoped3A : memref<!tpu.dma_semaphore, #tpu.memory_space<semaphore_mem>>)
        %dma_wait3A_39 = tpu.memref_slice %arg6[%add3A_21] : memref<320000xi32, #tpu.memory_space<hbm>> -> memref<80xi32, #tpu.memory_space<hbm>>
        %dma_wait3A_40 = tpu.memref_slice %arg6[%add3A_21] : memref<320000xi32, #tpu.memory_space<hbm>> -> memref<80xi32, #tpu.memory_space<hbm>>
        tpu.wait_dma2 semaphore(%run_scoped3A : memref<!tpu.dma_semaphore, #tpu.memory_space<semaphore_mem>>) src(%dma_wait3A_40 : memref<80xi32, #tpu.memory_space<hbm>>) dst(%arg11 : memref<80xi32, #tpu.memory_space<vmem>>)
        tpu.yield
      }) : () -> ()
      %dma_start3A = arith.constant 0 : i32
      %dma_start3A_22 = arith.constant 0 : i32
      %dma_start3A_23 = tpu.memref_slice %arg2[%dma_start3A, %dma_start3A_22] : memref<10000x160xf32, #tpu.memory_space<hbm>> -> memref<10000x160xf32, #tpu.memory_space<hbm>>
      tpu.enqueue_indirect_dma source(%dma_start3A_23 : memref<10000x160xf32, #tpu.memory_space<hbm>>) target(%arg12 : memref<80x160xf32, #tpu.memory_space<vmem>>) offsets(%arg11 : memref<80xi32, #tpu.memory_space<vmem>>) semaphore(%arg18 : memref<!tpu.dma_semaphore, #tpu.memory_space<semaphore_mem>>)
      %dma_start3A_24 = arith.constant 0 : i32
      %dma_start3A_25 = arith.constant 0 : i32
      %dma_start3A_26 = tpu.memref_slice %arg3[%dma_start3A_24, %dma_start3A_25] : memref<10000x256xf32, #tpu.memory_space<hbm>> -> memref<10000x256xf32, #tpu.memory_space<hbm>>
      tpu.enqueue_indirect_dma source(%dma_start3A_26 : memref<10000x256xf32, #tpu.memory_space<hbm>>) target(%arg13 : memref<80x256xf32, #tpu.memory_space<vmem>>) offsets(%arg10 : memref<80xi32, #tpu.memory_space<vmem>>) semaphore(%arg19 : memref<!tpu.dma_semaphore, #tpu.memory_space<semaphore_mem>>)
      "tpu.region"() ({
        %run_scoped3A = tpu.sem_alloc : memref<!tpu.dma_semaphore, #tpu.memory_space<semaphore_mem>>
        %dma_start3A_37 = arith.constant 0 : i32
        %dma_start3A_38 = tpu.memref_slice %arg4[%add3A_21, %dma_start3A_37] : memref<320000x16xf32, #tpu.memory_space<hbm>> -> memref<80x16xf32, #tpu.memory_space<hbm>>
        %dma_start3A_39 = arith.constant 0 : i32
        %dma_start3A_40 = tpu.memref_slice %arg4[%add3A_21, %dma_start3A_39] : memref<320000x16xf32, #tpu.memory_space<hbm>> -> memref<80x16xf32, #tpu.memory_space<hbm>>
        tpu.enqueue_dma source(%dma_start3A_40 : memref<80x16xf32, #tpu.memory_space<hbm>>) target(%arg14 : memref<80x16xf32, #tpu.memory_space<vmem>>) target_semaphore(%run_scoped3A : memref<!tpu.dma_semaphore, #tpu.memory_space<semaphore_mem>>)
        %dma_wait3A_41 = arith.constant 0 : i32
        %dma_wait3A_42 = tpu.memref_slice %arg4[%add3A_21, %dma_wait3A_41] : memref<320000x16xf32, #tpu.memory_space<hbm>> -> memref<80x16xf32, #tpu.memory_space<hbm>>
        %dma_wait3A_43 = arith.constant 0 : i32
        %dma_wait3A_44 = tpu.memref_slice %arg4[%add3A_21, %dma_wait3A_43] : memref<320000x16xf32, #tpu.memory_space<hbm>> -> memref<80x16xf32, #tpu.memory_space<hbm>>
        tpu.wait_dma2 semaphore(%run_scoped3A : memref<!tpu.dma_semaphore, #tpu.memory_space<semaphore_mem>>) src(%dma_wait3A_44 : memref<80x16xf32, #tpu.memory_space<hbm>>) dst(%arg14 : memref<80x16xf32, #tpu.memory_space<vmem>>)
        tpu.yield
      }) : () -> ()
      %dma_wait3A = arith.constant 0 : i32
      %dma_wait3A_27 = arith.constant 0 : i32
      %dma_wait3A_28 = tpu.memref_slice %arg2[%dma_wait3A, %dma_wait3A_27] : memref<10000x160xf32, #tpu.memory_space<hbm>> -> memref<10000x160xf32, #tpu.memory_space<hbm>>
      tpu.wait_indirect_dma semaphore(%arg18 : memref<!tpu.dma_semaphore, #tpu.memory_space<semaphore_mem>>) src(%dma_wait3A_28 : memref<10000x160xf32, #tpu.memory_space<hbm>>) dst(%arg12 : memref<80x160xf32, #tpu.memory_space<vmem>>)
      %dma_wait3A_29 = arith.constant 0 : i32
      %dma_wait3A_30 = arith.constant 0 : i32
      %dma_wait3A_31 = tpu.memref_slice %arg3[%dma_wait3A_29, %dma_wait3A_30] : memref<10000x256xf32, #tpu.memory_space<hbm>> -> memref<10000x256xf32, #tpu.memory_space<hbm>>
      tpu.wait_indirect_dma semaphore(%arg19 : memref<!tpu.dma_semaphore, #tpu.memory_space<semaphore_mem>>) src(%dma_wait3A_31 : memref<10000x256xf32, #tpu.memory_space<hbm>>) dst(%arg13 : memref<80x256xf32, #tpu.memory_space<vmem>>)
      %scan3A_32 = arith.constant 0 : i32
      %scan3A_33 = arith.constant 80 : i32
      %scan3A_34 = arith.addi %scan3A_32, %scan3A_33 : i32
      %scan3A_35 = arith.constant 1 : i32
      scf.for %scan3A_37 = %scan3A_32 to %scan3A_34 step %scan3A_35  : i32 {
        %mul3A_38 = arith.constant 1 : i32
        %mul3A_39 = arith.muli %scan3A_37, %mul3A_38 : i32
        %add3A_40 = arith.constant 0 : i32
        %add3A_41 = arith.addi %add3A_40, %mul3A_39 : i32
        %get3A = arith.index_cast %add3A_41 : i32 to index
        %get3A_42 = arith.constant 128 : index
        %get3A_43 = tpu.vector_load %arg12[%get3A, %get3A_42] {strides = array<i32>} : memref<80x160xf32, #tpu.memory_space<vmem>>, vector<16xf32>,
        %get3A_44 = arith.index_cast %add3A_41 : i32 to index
        %get3A_45 = arith.constant 0 : index
        %get3A_46 = tpu.vector_load %arg14[%get3A_44, %get3A_45] {strides = array<i32>} : memref<80x16xf32, #tpu.memory_space<vmem>>, vector<16xf32>,
        %mul3A_47 = arith.mulf %get3A_43, %get3A_46 : vector<16xf32>
        %get3A_48 = arith.index_cast %add3A_41 : i32 to index
        %get3A_49 = arith.constant 0 : index
        %get3A_50 = tpu.vector_load %arg12[%get3A_48, %get3A_49] {strides = array<i32>} : memref<80x160xf32, #tpu.memory_space<vmem>>, vector<16xf32>,
        %get3A_51 = arith.index_cast %add3A_41 : i32 to index
        %get3A_52 = arith.constant 0 : index
        %get3A_53 = tpu.vector_load %arg13[%get3A_51, %get3A_52] {strides = array<i32>} : memref<80x256xf32, #tpu.memory_space<vmem>>, vector<16xf32>,
        %mul3A_54 = arith.mulf %get3A_50, %get3A_53 : vector<16xf32>
        %add3A_55 = arith.addf %mul3A_47, %mul3A_54 : vector<16xf32>
        %get3A_56 = arith.index_cast %add3A_41 : i32 to index
        %get3A_57 = arith.constant 16 : index
        %get3A_58 = tpu.vector_load %arg12[%get3A_56, %get3A_57] {strides = array<i32>} : memref<80x160xf32, #tpu.memory_space<vmem>>, vector<16xf32>,
        %get3A_59 = arith.index_cast %add3A_41 : i32 to index
        %get3A_60 = arith.constant 16 : index
        %get3A_61 = tpu.vector_load %arg13[%get3A_59, %get3A_60] {strides = array<i32>} : memref<80x256xf32, #tpu.memory_space<vmem>>, vector<16xf32>,
        %mul3A_62 = arith.mulf %get3A_58, %get3A_61 : vector<16xf32>
        %add3A_63 = arith.addf %add3A_55, %mul3A_62 : vector<16xf32>
        %get3A_64 = arith.index_cast %add3A_41 : i32 to index
        %get3A_65 = arith.constant 32 : index
        %get3A_66 = tpu.vector_load %arg12[%get3A_64, %get3A_65] {strides = array<i32>} : memref<80x160xf32, #tpu.memory_space<vmem>>, vector<16xf32>,
        %get3A_67 = arith.index_cast %add3A_41 : i32 to index
        %get3A_68 = arith.constant 32 : index
        %get3A_69 = tpu.vector_load %arg13[%get3A_67, %get3A_68] {strides = array<i32>} : memref<80x256xf32, #tpu.memory_space<vmem>>, vector<16xf32>,
        %mul3A_70 = arith.mulf %get3A_66, %get3A_69 : vector<16xf32>
        %add3A_71 = arith.addf %add3A_63, %mul3A_70 : vector<16xf32>
        %get3A_72 = arith.index_cast %add3A_41 : i32 to index
        %get3A_73 = arith.constant 48 : index
        %get3A_74 = tpu.vector_load %arg12[%get3A_72, %get3A_73] {strides = array<i32>} : memref<80x160xf32, #tpu.memory_space<vmem>>, vector<16xf32>,
        %get3A_75 = arith.index_cast %add3A_41 : i32 to index
        %get3A_76 = arith.constant 48 : index
        %get3A_77 = tpu.vector_load %arg13[%get3A_75, %get3A_76] {strides = array<i32>} : memref<80x256xf32, #tpu.memory_space<vmem>>, vector<16xf32>,
        %mul3A_78 = arith.mulf %get3A_74, %get3A_77 : vector<16xf32>
        %add3A_79 = arith.addf %add3A_71, %mul3A_78 : vector<16xf32>
        %get3A_80 = arith.index_cast %add3A_41 : i32 to index
        %get3A_81 = arith.constant 64 : index
        %get3A_82 = tpu.vector_load %arg12[%get3A_80, %get3A_81] {strides = array<i32>} : memref<80x160xf32, #tpu.memory_space<vmem>>, vector<16xf32>,
        %get3A_83 = arith.index_cast %add3A_41 : i32 to index
        %get3A_84 = arith.constant 64 : index
        %get3A_85 = tpu.vector_load %arg13[%get3A_83, %get3A_84] {strides = array<i32>} : memref<80x256xf32, #tpu.memory_space<vmem>>, vector<16xf32>,
        %mul3A_86 = arith.mulf %get3A_82, %get3A_85 : vector<16xf32>
        %add3A_87 = arith.addf %add3A_79, %mul3A_86 : vector<16xf32>
        %get3A_88 = arith.index_cast %add3A_41 : i32 to index
        %get3A_89 = arith.constant 80 : index
        %get3A_90 = tpu.vector_load %arg12[%get3A_88, %get3A_89] {strides = array<i32>} : memref<80x160xf32, #tpu.memory_space<vmem>>, vector<16xf32>,
        %get3A_91 = arith.index_cast %add3A_41 : i32 to index
        %get3A_92 = arith.constant 80 : index
        %get3A_93 = tpu.vector_load %arg13[%get3A_91, %get3A_92] {strides = array<i32>} : memref<80x256xf32, #tpu.memory_space<vmem>>, vector<16xf32>,
        %mul3A_94 = arith.mulf %get3A_90, %get3A_93 : vector<16xf32>
        %add3A_95 = arith.addf %add3A_87, %mul3A_94 : vector<16xf32>
        %get3A_96 = arith.index_cast %add3A_41 : i32 to index
        %get3A_97 = arith.constant 96 : index
        %get3A_98 = tpu.vector_load %arg12[%get3A_96, %get3A_97] {strides = array<i32>} : memref<80x160xf32, #tpu.memory_space<vmem>>, vector<16xf32>,
        %get3A_99 = arith.index_cast %add3A_41 : i32 to index
        %get3A_100 = arith.constant 96 : index
        %get3A_101 = tpu.vector_load %arg13[%get3A_99, %get3A_100] {strides = array<i32>} : memref<80x256xf32, #tpu.memory_space<vmem>>, vector<16xf32>,
        %mul3A_102 = arith.mulf %get3A_98, %get3A_101 : vector<16xf32>
        %add3A_103 = arith.addf %add3A_95, %mul3A_102 : vector<16xf32>
        %get3A_104 = arith.index_cast %add3A_41 : i32 to index
        %get3A_105 = arith.constant 112 : index
        %get3A_106 = tpu.vector_load %arg12[%get3A_104, %get3A_105] {strides = array<i32>} : memref<80x160xf32, #tpu.memory_space<vmem>>, vector<16xf32>,
        %get3A_107 = arith.index_cast %add3A_41 : i32 to index
        %get3A_108 = arith.constant 112 : index
        %get3A_109 = tpu.vector_load %arg13[%get3A_107, %get3A_108] {strides = array<i32>} : memref<80x256xf32, #tpu.memory_space<vmem>>, vector<16xf32>,
        %mul3A_110 = arith.mulf %get3A_106, %get3A_109 : vector<16xf32>
        %add3A_111 = arith.addf %add3A_103, %mul3A_110 : vector<16xf32>
        %reduce_sum3A = arith.constant true
        %reduce_sum3A_112 = vector.broadcast %reduce_sum3A : i1 to vector<16xi1>
        %reduce_sum3A_113 = tpu.scan <sum>, %add3A_111 masked %reduce_sum3A_112 : vector<16xf32>, vector<16xi1> -> vector<16xf32>
        %reduce_sum3A_114 = vector.extract %reduce_sum3A_113[15] : f32 from vector<16xf32>
        %mul3A_115 = arith.constant 0.0883883461 : f32
        %mul3A_116 = arith.mulf %reduce_sum3A_114, %mul3A_115 : f32
        %broadcast_in_dim3A_117 = vector.broadcast %mul3A_116 : f32 to vector<16xf32>
        %exp3A = math.exp %broadcast_in_dim3A_117 : vector<16xf32>
        %get3A_118 = arith.index_cast %add3A_41 : i32 to index
        %get3A_119 = arith.constant 128 : index
        %get3A_120 = tpu.vector_load %arg13[%get3A_118, %get3A_119] {strides = array<i32>} : memref<80x256xf32, #tpu.memory_space<vmem>>, vector<16xf32>,
        %mul3A_121 = arith.mulf %get3A_120, %exp3A : vector<16xf32>
        %swap3A = arith.index_cast %add3A_41 : i32 to index
        %swap3A_122 = arith.constant 0 : index
        %swap3A_123 = tpu.vector_load %arg15[%swap3A, %swap3A_122] {strides = array<i32>} : memref<80x128xf32, #tpu.memory_space<vmem>>, vector<16xf32>,
        tpu.vector_store %arg15[%swap3A, %swap3A_122], %mul3A_121 {strides = array<i32>} : memref<80x128xf32, #tpu.memory_space<vmem>>, vector<16xf32>,
        %get3A_124 = arith.index_cast %add3A_41 : i32 to index
        %get3A_125 = arith.constant 144 : index
        %get3A_126 = tpu.vector_load %arg13[%get3A_124, %get3A_125] {strides = array<i32>} : memref<80x256xf32, #tpu.memory_space<vmem>>, vector<16xf32>,
        %mul3A_127 = arith.mulf %get3A_126, %exp3A : vector<16xf32>
        %swap3A_128 = arith.index_cast %add3A_41 : i32 to index
        %swap3A_129 = arith.constant 16 : index
        %swap3A_130 = tpu.vector_load %arg15[%swap3A_128, %swap3A_129] {strides = array<i32>} : memref<80x128xf32, #tpu.memory_space<vmem>>, vector<16xf32>,
        tpu.vector_store %arg15[%swap3A_128, %swap3A_129], %mul3A_127 {strides = array<i32>} : memref<80x128xf32, #tpu.memory_space<vmem>>, vector<16xf32>,
        %get3A_131 = arith.index_cast %add3A_41 : i32 to index
        %get3A_132 = arith.constant 160 : index
        %get3A_133 = tpu.vector_load %arg13[%get3A_131, %get3A_132] {strides = array<i32>} : memref<80x256xf32, #tpu.memory_space<vmem>>, vector<16xf32>,
        %mul3A_134 = arith.mulf %get3A_133, %exp3A : vector<16xf32>
        %swap3A_135 = arith.index_cast %add3A_41 : i32 to index
        %swap3A_136 = arith.constant 32 : index
        %swap3A_137 = tpu.vector_load %arg15[%swap3A_135, %swap3A_136] {strides = array<i32>} : memref<80x128xf32, #tpu.memory_space<vmem>>, vector<16xf32>,
        tpu.vector_store %arg15[%swap3A_135, %swap3A_136], %mul3A_134 {strides = array<i32>} : memref<80x128xf32, #tpu.memory_space<vmem>>, vector<16xf32>,
        %get3A_138 = arith.index_cast %add3A_41 : i32 to index
        %get3A_139 = arith.constant 176 : index
        %get3A_140 = tpu.vector_load %arg13[%get3A_138, %get3A_139] {strides = array<i32>} : memref<80x256xf32, #tpu.memory_space<vmem>>, vector<16xf32>,
        %mul3A_141 = arith.mulf %get3A_140, %exp3A : vector<16xf32>
        %swap3A_142 = arith.index_cast %add3A_41 : i32 to index
        %swap3A_143 = arith.constant 48 : index
        %swap3A_144 = tpu.vector_load %arg15[%swap3A_142, %swap3A_143] {strides = array<i32>} : memref<80x128xf32, #tpu.memory_space<vmem>>, vector<16xf32>,
        tpu.vector_store %arg15[%swap3A_142, %swap3A_143], %mul3A_141 {strides = array<i32>} : memref<80x128xf32, #tpu.memory_space<vmem>>, vector<16xf32>,
        %get3A_145 = arith.index_cast %add3A_41 : i32 to index
        %get3A_146 = arith.constant 192 : index
        %get3A_147 = tpu.vector_load %arg13[%get3A_145, %get3A_146] {strides = array<i32>} : memref<80x256xf32, #tpu.memory_space<vmem>>, vector<16xf32>,
        %mul3A_148 = arith.mulf %get3A_147, %exp3A : vector<16xf32>
        %swap3A_149 = arith.index_cast %add3A_41 : i32 to index
        %swap3A_150 = arith.constant 64 : index
        %swap3A_151 = tpu.vector_load %arg15[%swap3A_149, %swap3A_150] {strides = array<i32>} : memref<80x128xf32, #tpu.memory_space<vmem>>, vector<16xf32>,
        tpu.vector_store %arg15[%swap3A_149, %swap3A_150], %mul3A_148 {strides = array<i32>} : memref<80x128xf32, #tpu.memory_space<vmem>>, vector<16xf32>,
        %get3A_152 = arith.index_cast %add3A_41 : i32 to index
        %get3A_153 = arith.constant 208 : index
        %get3A_154 = tpu.vector_load %arg13[%get3A_152, %get3A_153] {strides = array<i32>} : memref<80x256xf32, #tpu.memory_space<vmem>>, vector<16xf32>,
        %mul3A_155 = arith.mulf %get3A_154, %exp3A : vector<16xf32>
        %swap3A_156 = arith.index_cast %add3A_41 : i32 to index
        %swap3A_157 = arith.constant 80 : index
        %swap3A_158 = tpu.vector_load %arg15[%swap3A_156, %swap3A_157] {strides = array<i32>} : memref<80x128xf32, #tpu.memory_space<vmem>>, vector<16xf32>,
        tpu.vector_store %arg15[%swap3A_156, %swap3A_157], %mul3A_155 {strides = array<i32>} : memref<80x128xf32, #tpu.memory_space<vmem>>, vector<16xf32>,
        %get3A_159 = arith.index_cast %add3A_41 : i32 to index
        %get3A_160 = arith.constant 224 : index
        %get3A_161 = tpu.vector_load %arg13[%get3A_159, %get3A_160] {strides = array<i32>} : memref<80x256xf32, #tpu.memory_space<vmem>>, vector<16xf32>,
        %mul3A_162 = arith.mulf %get3A_161, %exp3A : vector<16xf32>
        %swap3A_163 = arith.index_cast %add3A_41 : i32 to index
        %swap3A_164 = arith.constant 96 : index
        %swap3A_165 = tpu.vector_load %arg15[%swap3A_163, %swap3A_164] {strides = array<i32>} : memref<80x128xf32, #tpu.memory_space<vmem>>, vector<16xf32>,
        tpu.vector_store %arg15[%swap3A_163, %swap3A_164], %mul3A_162 {strides = array<i32>} : memref<80x128xf32, #tpu.memory_space<vmem>>, vector<16xf32>,
        %get3A_166 = arith.index_cast %add3A_41 : i32 to index
        %get3A_167 = arith.constant 240 : index
        %get3A_168 = tpu.vector_load %arg13[%get3A_166, %get3A_167] {strides = array<i32>} : memref<80x256xf32, #tpu.memory_space<vmem>>, vector<16xf32>,
        %mul3A_169 = arith.mulf %get3A_168, %exp3A : vector<16xf32>
        %swap3A_170 = arith.index_cast %add3A_41 : i32 to index
        %swap3A_171 = arith.constant 112 : index
        %swap3A_172 = tpu.vector_load %arg15[%swap3A_170, %swap3A_171] {strides = array<i32>} : memref<80x128xf32, #tpu.memory_space<vmem>>, vector<16xf32>,
        tpu.vector_store %arg15[%swap3A_170, %swap3A_171], %mul3A_169 {strides = array<i32>} : memref<80x128xf32, #tpu.memory_space<vmem>>, vector<16xf32>,
        %get3A_173 = arith.index_cast %add3A_41 : i32 to index
        %get3A_174 = arith.constant 0 : index
        %get3A_175 = tpu.vector_load %arg14[%get3A_173, %get3A_174] {strides = array<i32>} : memref<80x16xf32, #tpu.memory_space<vmem>>, vector<16xf32>,
        %mul3A_176 = arith.mulf %get3A_175, %exp3A : vector<16xf32>
        %swap3A_177 = arith.index_cast %add3A_41 : i32 to index
        %swap3A_178 = arith.constant 0 : index
        %swap3A_179 = tpu.vector_load %arg16[%swap3A_177, %swap3A_178] {strides = array<i32>} : memref<80x32xf32, #tpu.memory_space<vmem>>, vector<16xf32>,
        tpu.vector_store %arg16[%swap3A_177, %swap3A_178], %mul3A_176 {strides = array<i32>} : memref<80x32xf32, #tpu.memory_space<vmem>>, vector<16xf32>,
        %mul3A_180 = arith.mulf %exp3A, %select_n3A : vector<16xf32>
        %swap3A_181 = arith.index_cast %add3A_41 : i32 to index
        %swap3A_182 = arith.constant 16 : index
        %swap3A_183 = tpu.vector_load %arg16[%swap3A_181, %swap3A_182] {strides = array<i32>} : memref<80x32xf32, #tpu.memory_space<vmem>>, vector<16xf32>,
        tpu.vector_store %arg16[%swap3A_181, %swap3A_182], %mul3A_180 {strides = array<i32>} : memref<80x32xf32, #tpu.memory_space<vmem>>, vector<16xf32>,
      }
      %scan3A_36 = arith.constant 80 : i32
      "tpu.region"() ({
        %run_scoped3A = tpu.sem_alloc : memref<!tpu.dma_semaphore, #tpu.memory_space<semaphore_mem>>
        %dma_start3A_37 = arith.constant 0 : i32
        %dma_start3A_38 = arith.constant 0 : i32
        %dma_start3A_39 = tpu.memref_slice %arg17[%dma_start3A_37, %dma_start3A_38] : memref<10240x128xf32, #tpu.memory_space<vmem_shared>> -> memref<10240x128xf32, #tpu.memory_space<vmem_shared>>
        tpu.enqueue_indirect_dma source(%arg15 : memref<80x128xf32, #tpu.memory_space<vmem>>) target(%dma_start3A_39 : memref<10240x128xf32, #tpu.memory_space<vmem_shared>>) offsets(%arg11 : memref<80xi32, #tpu.memory_space<vmem>>) semaphore(%run_scoped3A : memref<!tpu.dma_semaphore, #tpu.memory_space<semaphore_mem>>) {add = true}
        %dma_wait3A_40 = arith.constant 0 : i32
        %dma_wait3A_41 = arith.constant 0 : i32
        %dma_wait3A_42 = tpu.memref_slice %arg17[%dma_wait3A_40, %dma_wait3A_41] : memref<10240x128xf32, #tpu.memory_space<vmem_shared>> -> memref<10240x128xf32, #tpu.memory_space<vmem_shared>>
        tpu.wait_indirect_dma semaphore(%run_scoped3A : memref<!tpu.dma_semaphore, #tpu.memory_space<semaphore_mem>>) src(%arg15 : memref<80x128xf32, #tpu.memory_space<vmem>>) dst(%dma_wait3A_42 : memref<10240x128xf32, #tpu.memory_space<vmem_shared>>)
        tpu.yield
      }) : () -> ()
      "tpu.region"() ({
        %run_scoped3A = tpu.sem_alloc : memref<!tpu.dma_semaphore, #tpu.memory_space<semaphore_mem>>
        %dma_start3A_37 = arith.constant 0 : i32
        %dma_start3A_38 = tpu.memref_slice %arg9[%add3A_21, %dma_start3A_37] : memref<320000x32xf32, #tpu.memory_space<hbm>> -> memref<80x32xf32, #tpu.memory_space<hbm>>
        %dma_start3A_39 = arith.constant 0 : i32
        %dma_start3A_40 = tpu.memref_slice %arg9[%add3A_21, %dma_start3A_39] : memref<320000x32xf32, #tpu.memory_space<hbm>> -> memref<80x32xf32, #tpu.memory_space<hbm>>
        tpu.enqueue_dma source(%arg16 : memref<80x32xf32, #tpu.memory_space<vmem>>) target(%dma_start3A_40 : memref<80x32xf32, #tpu.memory_space<hbm>>) target_semaphore(%run_scoped3A : memref<!tpu.dma_semaphore, #tpu.memory_space<semaphore_mem>>)
        %dma_wait3A_41 = arith.constant 0 : i32
        %dma_wait3A_42 = tpu.memref_slice %arg9[%add3A_21, %dma_wait3A_41] : memref<320000x32xf32, #tpu.memory_space<hbm>> -> memref<80x32xf32, #tpu.memory_space<hbm>>
        %dma_wait3A_43 = arith.constant 0 : i32
        %dma_wait3A_44 = tpu.memref_slice %arg9[%add3A_21, %dma_wait3A_43] : memref<320000x32xf32, #tpu.memory_space<hbm>> -> memref<80x32xf32, #tpu.memory_space<hbm>>
        tpu.wait_dma2 semaphore(%run_scoped3A : memref<!tpu.dma_semaphore, #tpu.memory_space<semaphore_mem>>) src(%arg16 : memref<80x32xf32, #tpu.memory_space<vmem>>) dst(%dma_wait3A_44 : memref<80x32xf32, #tpu.memory_space<hbm>>)
        tpu.yield
      }) : () -> ()
    }
    %scan3A_12 = arith.constant 125 : i32
    %barrier3A_13 = arith.constant 0 : index
    tpu.barrier barrier_id(%barrier3A_13)
    "tpu.region"() ({
      %run_scoped3A = tpu.sem_alloc : memref<!tpu.dma_semaphore, #tpu.memory_space<semaphore_mem>>
      %dma_start3A = arith.constant 0 : i32
      %dma_start3A_14 = tpu.memref_slice %arg8[%arg0, %mul3A_2, %dma_start3A] : memref<2x10240x128xf32, #tpu.memory_space<hbm>> -> memref<1x640x128xf32, #tpu.memory_space<hbm>>
      %dma_start3A_15 = tpu.memref_squeeze %dma_start3A_14 : memref<1x640x128xf32, #tpu.memory_space<hbm>> -> memref<640x128xf32, #tpu.memory_space<hbm>>
      %dma_start3A_16 = arith.constant 0 : i32
      %dma_start3A_17 = tpu.memref_slice %arg17[%mul3A_2, %dma_start3A_16] : memref<10240x128xf32, #tpu.memory_space<vmem_shared>> -> memref<640x128xf32, #tpu.memory_space<vmem_shared>>
      tpu.enqueue_dma source(%dma_start3A_17 : memref<640x128xf32, #tpu.memory_space<vmem_shared>>) target(%dma_start3A_15 : memref<640x128xf32, #tpu.memory_space<hbm>>) target_semaphore(%run_scoped3A : memref<!tpu.dma_semaphore, #tpu.memory_space<semaphore_mem>>)
      %dma_wait3A = arith.constant 0 : i32
      %dma_wait3A_18 = tpu.memref_slice %arg8[%arg0, %mul3A_2, %dma_wait3A] : memref<2x10240x128xf32, #tpu.memory_space<hbm>> -> memref<1x640x128xf32, #tpu.memory_space<hbm>>
      %dma_wait3A_19 = tpu.memref_squeeze %dma_wait3A_18 : memref<1x640x128xf32, #tpu.memory_space<hbm>> -> memref<640x128xf32, #tpu.memory_space<hbm>>
      %dma_wait3A_20 = arith.constant 0 : i32
      %dma_wait3A_21 = tpu.memref_slice %arg17[%mul3A_2, %dma_wait3A_20] : memref<10240x128xf32, #tpu.memory_space<vmem_shared>> -> memref<640x128xf32, #tpu.memory_space<vmem_shared>>
      tpu.wait_dma2 semaphore(%run_scoped3A : memref<!tpu.dma_semaphore, #tpu.memory_space<semaphore_mem>>) src(%dma_wait3A_21 : memref<640x128xf32, #tpu.memory_space<vmem_shared>>) dst(%dma_wait3A_19 : memref<640x128xf32, #tpu.memory_space<hbm>>)
      tpu.yield
    }) : () -> ()
    return
  }
}

#map = affine_map<(d0, d1) -> (0, 0)>
#map1 = affine_map<(d0, d1) -> (0)>
#map2 = affine_map<(d0, d1) -> (0, 0, 0)>
module attributes {stable_mosaic.version = 14 : i64} {
  func.func @_edge_aux(%arg0: i32, %arg1: i32, %arg2: memref<320000x32xf32, #tpu.memory_space<hbm>>, %arg3: memref<320000xi32, #tpu.memory_space<hbm>>, %arg4: memref<640x32xf32, #tpu.memory_space<hbm>>, %arg5: memref<2x10240x32xf32, #tpu.memory_space<hbm>>, %arg6: memref<80xi32, #tpu.memory_space<vmem>>, %arg7: memref<80x32xf32, #tpu.memory_space<vmem>>, %arg8: memref<10240x32xf32, #tpu.memory_space<vmem_shared>>) attributes {dimension_semantics = [#tpu.dimension_semantics<core_parallel>, #tpu.dimension_semantics<subcore_parallel>], iteration_bounds = array<i64: 2, 16>, scalar_prefetch = 0 : i64, scratch_operands = 3 : i64, tpu.core_type = #tpu.core_type<sc_vector_subcore>, window_params = [{transform_indices = #map}, {transform_indices = #map1}, {transform_indices = #map}, {transform_indices = #map2}]} {
    %mul3A = arith.constant 16 : i32
    %mul3A_0 = arith.muli %arg0, %mul3A : i32
    %add3A = arith.addi %mul3A_0, %arg1 : i32
    %mul3A_1 = arith.constant 640 : i32
    %mul3A_2 = arith.muli %arg1, %mul3A_1 : i32
    "tpu.region"() ({
      %run_scoped3A = tpu.sem_alloc : memref<!tpu.dma_semaphore, #tpu.memory_space<semaphore_mem>>
      %dma_start3A = arith.constant 0 : i32
      %dma_start3A_10 = tpu.memref_slice %arg8[%mul3A_2, %dma_start3A] : memref<10240x32xf32, #tpu.memory_space<vmem_shared>> -> memref<640x32xf32, #tpu.memory_space<vmem_shared>>
      tpu.enqueue_dma source(%arg4 : memref<640x32xf32, #tpu.memory_space<hbm>>) target(%dma_start3A_10 : memref<640x32xf32, #tpu.memory_space<vmem_shared>>) target_semaphore(%run_scoped3A : memref<!tpu.dma_semaphore, #tpu.memory_space<semaphore_mem>>)
      %dma_wait3A = arith.constant 0 : i32
      %dma_wait3A_11 = tpu.memref_slice %arg8[%mul3A_2, %dma_wait3A] : memref<10240x32xf32, #tpu.memory_space<vmem_shared>> -> memref<640x32xf32, #tpu.memory_space<vmem_shared>>
      tpu.wait_dma2 semaphore(%run_scoped3A : memref<!tpu.dma_semaphore, #tpu.memory_space<semaphore_mem>>) src(%arg4 : memref<640x32xf32, #tpu.memory_space<hbm>>) dst(%dma_wait3A_11 : memref<640x32xf32, #tpu.memory_space<vmem_shared>>)
      tpu.yield
    }) : () -> ()
    %barrier3A = arith.constant 0 : index
    tpu.barrier barrier_id(%barrier3A)
    %mul3A_3 = arith.constant 10000 : i32
    %mul3A_4 = arith.muli %add3A, %mul3A_3 : i32
    %scan3A = arith.constant 0 : i32
    %scan3A_5 = arith.constant 125 : i32
    %scan3A_6 = arith.addi %scan3A, %scan3A_5 : i32
    %scan3A_7 = arith.constant 1 : i32
    scf.for %scan3A_10 = %scan3A to %scan3A_6 step %scan3A_7  : i32 {
      %mul3A_11 = arith.constant 1 : i32
      %mul3A_12 = arith.muli %scan3A_10, %mul3A_11 : i32
      %add3A_13 = arith.constant 0 : i32
      %add3A_14 = arith.addi %add3A_13, %mul3A_12 : i32
      %mul3A_15 = arith.constant 80 : i32
      %mul3A_16 = arith.muli %add3A_14, %mul3A_15 : i32
      %add3A_17 = arith.addi %mul3A_4, %mul3A_16 : i32
      "tpu.region"() ({
        %run_scoped3A = tpu.sem_alloc : memref<!tpu.dma_semaphore, #tpu.memory_space<semaphore_mem>>
        %dma_start3A = tpu.memref_slice %arg3[%add3A_17] : memref<320000xi32, #tpu.memory_space<hbm>> -> memref<80xi32, #tpu.memory_space<hbm>>
        %dma_start3A_18 = tpu.memref_slice %arg3[%add3A_17] : memref<320000xi32, #tpu.memory_space<hbm>> -> memref<80xi32, #tpu.memory_space<hbm>>
        tpu.enqueue_dma source(%dma_start3A_18 : memref<80xi32, #tpu.memory_space<hbm>>) target(%arg6 : memref<80xi32, #tpu.memory_space<vmem>>) target_semaphore(%run_scoped3A : memref<!tpu.dma_semaphore, #tpu.memory_space<semaphore_mem>>)
        %dma_wait3A = tpu.memref_slice %arg3[%add3A_17] : memref<320000xi32, #tpu.memory_space<hbm>> -> memref<80xi32, #tpu.memory_space<hbm>>
        %dma_wait3A_19 = tpu.memref_slice %arg3[%add3A_17] : memref<320000xi32, #tpu.memory_space<hbm>> -> memref<80xi32, #tpu.memory_space<hbm>>
        tpu.wait_dma2 semaphore(%run_scoped3A : memref<!tpu.dma_semaphore, #tpu.memory_space<semaphore_mem>>) src(%dma_wait3A_19 : memref<80xi32, #tpu.memory_space<hbm>>) dst(%arg6 : memref<80xi32, #tpu.memory_space<vmem>>)
        tpu.yield
      }) : () -> ()
      "tpu.region"() ({
        %run_scoped3A = tpu.sem_alloc : memref<!tpu.dma_semaphore, #tpu.memory_space<semaphore_mem>>
        %dma_start3A = arith.constant 0 : i32
        %dma_start3A_18 = tpu.memref_slice %arg2[%add3A_17, %dma_start3A] : memref<320000x32xf32, #tpu.memory_space<hbm>> -> memref<80x32xf32, #tpu.memory_space<hbm>>
        %dma_start3A_19 = arith.constant 0 : i32
        %dma_start3A_20 = tpu.memref_slice %arg2[%add3A_17, %dma_start3A_19] : memref<320000x32xf32, #tpu.memory_space<hbm>> -> memref<80x32xf32, #tpu.memory_space<hbm>>
        tpu.enqueue_dma source(%dma_start3A_20 : memref<80x32xf32, #tpu.memory_space<hbm>>) target(%arg7 : memref<80x32xf32, #tpu.memory_space<vmem>>) target_semaphore(%run_scoped3A : memref<!tpu.dma_semaphore, #tpu.memory_space<semaphore_mem>>)
        %dma_wait3A = arith.constant 0 : i32
        %dma_wait3A_21 = tpu.memref_slice %arg2[%add3A_17, %dma_wait3A] : memref<320000x32xf32, #tpu.memory_space<hbm>> -> memref<80x32xf32, #tpu.memory_space<hbm>>
        %dma_wait3A_22 = arith.constant 0 : i32
        %dma_wait3A_23 = tpu.memref_slice %arg2[%add3A_17, %dma_wait3A_22] : memref<320000x32xf32, #tpu.memory_space<hbm>> -> memref<80x32xf32, #tpu.memory_space<hbm>>
        tpu.wait_dma2 semaphore(%run_scoped3A : memref<!tpu.dma_semaphore, #tpu.memory_space<semaphore_mem>>) src(%dma_wait3A_23 : memref<80x32xf32, #tpu.memory_space<hbm>>) dst(%arg7 : memref<80x32xf32, #tpu.memory_space<vmem>>)
        tpu.yield
      }) : () -> ()
      "tpu.region"() ({
        %run_scoped3A = tpu.sem_alloc : memref<!tpu.dma_semaphore, #tpu.memory_space<semaphore_mem>>
        %dma_start3A = arith.constant 0 : i32
        %dma_start3A_18 = arith.constant 0 : i32
        %dma_start3A_19 = tpu.memref_slice %arg8[%dma_start3A, %dma_start3A_18] : memref<10240x32xf32, #tpu.memory_space<vmem_shared>> -> memref<10240x32xf32, #tpu.memory_space<vmem_shared>>
        tpu.enqueue_indirect_dma source(%arg7 : memref<80x32xf32, #tpu.memory_space<vmem>>) target(%dma_start3A_19 : memref<10240x32xf32, #tpu.memory_space<vmem_shared>>) offsets(%arg6 : memref<80xi32, #tpu.memory_space<vmem>>) semaphore(%run_scoped3A : memref<!tpu.dma_semaphore, #tpu.memory_space<semaphore_mem>>) {add = true}
        %dma_wait3A = arith.constant 0 : i32
        %dma_wait3A_20 = arith.constant 0 : i32
        %dma_wait3A_21 = tpu.memref_slice %arg8[%dma_wait3A, %dma_wait3A_20] : memref<10240x32xf32, #tpu.memory_space<vmem_shared>> -> memref<10240x32xf32, #tpu.memory_space<vmem_shared>>
        tpu.wait_indirect_dma semaphore(%run_scoped3A : memref<!tpu.dma_semaphore, #tpu.memory_space<semaphore_mem>>) src(%arg7 : memref<80x32xf32, #tpu.memory_space<vmem>>) dst(%dma_wait3A_21 : memref<10240x32xf32, #tpu.memory_space<vmem_shared>>)
        tpu.yield
      }) : () -> ()
    }
    %scan3A_8 = arith.constant 125 : i32
    %barrier3A_9 = arith.constant 0 : index
    tpu.barrier barrier_id(%barrier3A_9)
    "tpu.region"() ({
      %run_scoped3A = tpu.sem_alloc : memref<!tpu.dma_semaphore, #tpu.memory_space<semaphore_mem>>
      %dma_start3A = arith.constant 0 : i32
      %dma_start3A_10 = tpu.memref_slice %arg5[%arg0, %mul3A_2, %dma_start3A] : memref<2x10240x32xf32, #tpu.memory_space<hbm>> -> memref<1x640x32xf32, #tpu.memory_space<hbm>>
      %dma_start3A_11 = tpu.memref_squeeze %dma_start3A_10 : memref<1x640x32xf32, #tpu.memory_space<hbm>> -> memref<640x32xf32, #tpu.memory_space<hbm>>
      %dma_start3A_12 = arith.constant 0 : i32
      %dma_start3A_13 = tpu.memref_slice %arg8[%mul3A_2, %dma_start3A_12] : memref<10240x32xf32, #tpu.memory_space<vmem_shared>> -> memref<640x32xf32, #tpu.memory_space<vmem_shared>>
      tpu.enqueue_dma source(%dma_start3A_13 : memref<640x32xf32, #tpu.memory_space<vmem_shared>>) target(%dma_start3A_11 : memref<640x32xf32, #tpu.memory_space<hbm>>) target_semaphore(%run_scoped3A : memref<!tpu.dma_semaphore, #tpu.memory_space<semaphore_mem>>)
      %dma_wait3A = arith.constant 0 : i32
      %dma_wait3A_14 = tpu.memref_slice %arg5[%arg0, %mul3A_2, %dma_wait3A] : memref<2x10240x32xf32, #tpu.memory_space<hbm>> -> memref<1x640x32xf32, #tpu.memory_space<hbm>>
      %dma_wait3A_15 = tpu.memref_squeeze %dma_wait3A_14 : memref<1x640x32xf32, #tpu.memory_space<hbm>> -> memref<640x32xf32, #tpu.memory_space<hbm>>
      %dma_wait3A_16 = arith.constant 0 : i32
      %dma_wait3A_17 = tpu.memref_slice %arg8[%mul3A_2, %dma_wait3A_16] : memref<10240x32xf32, #tpu.memory_space<vmem_shared>> -> memref<640x32xf32, #tpu.memory_space<vmem_shared>>
      tpu.wait_dma2 semaphore(%run_scoped3A : memref<!tpu.dma_semaphore, #tpu.memory_space<semaphore_mem>>) src(%dma_wait3A_17 : memref<640x32xf32, #tpu.memory_space<vmem_shared>>) dst(%dma_wait3A_15 : memref<640x32xf32, #tpu.memory_space<hbm>>)
      tpu.yield
    }) : () -> ()
    return
  }
}

module attributes {stable_mosaic.version = 14 : i64} {
  func.func @body(%arg0: i32, %arg1: memref<1000x128xf32, #tpu.memory_space<vmem>>, %arg2: memref<128x512xf32, #tpu.memory_space<vmem>>, %arg3: memref<1x512xf32, #tpu.memory_space<vmem>>, %arg4: memref<128x16xf32, #tpu.memory_space<vmem>>, %arg5: memref<1000x160xf32, #tpu.memory_space<vmem>>, %arg6: memref<1000x256xf32, #tpu.memory_space<vmem>>, %arg7: memref<1000x128xf32, #tpu.memory_space<vmem>>) attributes {dimension_semantics = [#tpu.dimension_semantics<arbitrary>], iteration_bounds = array<i64: 10>, scalar_prefetch = 0 : i64, scratch_operands = 0 : i64, tpu.core_type = #tpu.core_type<tc>, window_params = [{transform_indices = @transform_0, window_bounds = array<i64: 1000, 128>}, {pipeline_mode = #tpu.pipeline_mode<synchronous>, transform_indices = @transform_1, window_bounds = array<i64: 128, 512>}, {pipeline_mode = #tpu.pipeline_mode<synchronous>, transform_indices = @transform_2, window_bounds = array<i64: 1, 512>}, {pipeline_mode = #tpu.pipeline_mode<synchronous>, transform_indices = @transform_3, window_bounds = array<i64: 128, 16>}, {transform_indices = @transform_4, window_bounds = array<i64: 1000, 160>}, {transform_indices = @transform_5, window_bounds = array<i64: 1000, 256>}, {transform_indices = @transform_6, window_bounds = array<i64: 1000, 128>}]} {
    %get3A = arith.constant 0 : index
    %get3A_0 = arith.constant 0 : index
    %get3A_1 = vector.load %arg1[%get3A, %get3A_0] : memref<1000x128xf32, #tpu.memory_space<vmem>>, vector<1000x128xf32>
    %get3A_2 = arith.constant 0 : index
    %get3A_3 = arith.constant 0 : index
    %get3A_4 = vector.load %arg2[%get3A_2, %get3A_3] : memref<128x512xf32, #tpu.memory_space<vmem>>, vector<128x512xf32>
    %dot_general3A = arith.constant dense<0.000000e+00> : vector<1000x512xf32>
    %dot_general3A_5 = tpu.matmul %get3A_1, %get3A_4, %dot_general3A {dimension_numbers = #tpu.dot_dimension_numbers<[1], [0], [0], [1], [0, 0, 1, 1], [], []>, transpose_lhs_hint = false} : vector<1000x128xf32>, vector<128x512xf32>, vector<1000x512xf32> -> vector<1000x512xf32>
    %get3A_6 = arith.constant 0 : index
    %get3A_7 = arith.constant 0 : index
    %get3A_8 = vector.load %arg3[%get3A_6, %get3A_7] : memref<1x512xf32, #tpu.memory_space<vmem>>, vector<1x512xf32>
    %add3A = vector.broadcast %get3A_8 : vector<1x512xf32> to vector<1000x512xf32>
    %add3A_9 = arith.addf %dot_general3A_5, %add3A : vector<1000x512xf32>
    %slice3A = vector.extract_strided_slice %add3A_9 {offsets = [0, 0], sizes = [1000, 128], strides = [1, 1]} : vector<1000x512xf32> to vector<1000x128xf32>
    %get3A_10 = arith.constant 0 : index
    %get3A_11 = arith.constant 0 : index
    %get3A_12 = vector.load %arg4[%get3A_10, %get3A_11] : memref<128x16xf32, #tpu.memory_space<vmem>>, vector<128x16xf32>
    %dot_general3A_13 = arith.constant dense<0.000000e+00> : vector<1000x16xf32>
    %dot_general3A_14 = tpu.matmul %slice3A, %get3A_12, %dot_general3A_13 {dimension_numbers = #tpu.dot_dimension_numbers<[1], [0], [0], [1], [0, 0, 1, 1], [], []>, precision = #tpu.contract_precision<fp32>, transpose_lhs_hint = false} : vector<1000x128xf32>, vector<128x16xf32>, vector<1000x16xf32> -> vector<1000x16xf32>
    %broadcast_in_dim3A = arith.constant 0.000000e+00 : f32
    %broadcast_in_dim3A_15 = vector.broadcast %broadcast_in_dim3A : f32 to vector<1000x16xf32>
    %concatenate3A = tpu.concatenate %slice3A, %dot_general3A_14, %broadcast_in_dim3A_15 in 1 : vector<1000x128xf32>, vector<1000x16xf32>, vector<1000x16xf32> -> vector<1000x160xf32>
    %swap3A = arith.constant 0 : index
    %swap3A_16 = arith.constant 0 : index
    %swap3A_17 = vector.load %arg5[%swap3A, %swap3A_16] : memref<1000x160xf32, #tpu.memory_space<vmem>>, vector<1000x160xf32>
    tpu.vector_store %arg5[%swap3A, %swap3A_16], %concatenate3A {strides = array<i32>} : memref<1000x160xf32, #tpu.memory_space<vmem>>, vector<1000x160xf32>,
    %slice3A_18 = vector.extract_strided_slice %add3A_9 {offsets = [0, 128], sizes = [1000, 256], strides = [1, 1]} : vector<1000x512xf32> to vector<1000x256xf32>
    %swap3A_19 = arith.constant 0 : index
    %swap3A_20 = arith.constant 0 : index
    %swap3A_21 = vector.load %arg6[%swap3A_19, %swap3A_20] : memref<1000x256xf32, #tpu.memory_space<vmem>>, vector<1000x256xf32>
    tpu.vector_store %arg6[%swap3A_19, %swap3A_20], %slice3A_18 {strides = array<i32>} : memref<1000x256xf32, #tpu.memory_space<vmem>>, vector<1000x256xf32>,
    %slice3A_22 = vector.extract_strided_slice %add3A_9 {offsets = [0, 384], sizes = [1000, 128], strides = [1, 1]} : vector<1000x512xf32> to vector<1000x128xf32>
    %swap3A_23 = arith.constant 0 : index
    %swap3A_24 = arith.constant 0 : index
    %swap3A_25 = vector.load %arg7[%swap3A_23, %swap3A_24] : memref<1000x128xf32, #tpu.memory_space<vmem>>, vector<1000x128xf32>
    tpu.vector_store %arg7[%swap3A_23, %swap3A_24], %slice3A_22 {strides = array<i32>} : memref<1000x128xf32, #tpu.memory_space<vmem>>, vector<1000x128xf32>,
    return
  }
  func.func @transform_0(%arg0: i32) -> (i32, i32) {
    %c0_i32 = arith.constant 0 : i32
    %c0_i32_0 = arith.constant 0 : i32
    return %arg0, %c0_i32 : i32, i32
  }
  func.func @transform_1(%arg0: i32) -> (i32, i32) {
    %c0_i32 = arith.constant 0 : i32
    %c0_i32_0 = arith.constant 0 : i32
    %c0_i32_1 = arith.constant 0 : i32
    return %c0_i32, %c0_i32_0 : i32, i32
  }
  func.func @transform_2(%arg0: i32) -> (i32, i32) {
    %c0_i32 = arith.constant 0 : i32
    %c0_i32_0 = arith.constant 0 : i32
    %c0_i32_1 = arith.constant 0 : i32
    return %c0_i32, %c0_i32_0 : i32, i32
  }
  func.func @transform_3(%arg0: i32) -> (i32, i32) {
    %c0_i32 = arith.constant 0 : i32
    %c0_i32_0 = arith.constant 0 : i32
    %c0_i32_1 = arith.constant 0 : i32
    return %c0_i32, %c0_i32_0 : i32, i32
  }
  func.func @transform_4(%arg0: i32) -> (i32, i32) {
    %c0_i32 = arith.constant 0 : i32
    %c0_i32_0 = arith.constant 0 : i32
    return %arg0, %c0_i32 : i32, i32
  }
  func.func @transform_5(%arg0: i32) -> (i32, i32) {
    %c0_i32 = arith.constant 0 : i32
    %c0_i32_0 = arith.constant 0 : i32
    return %arg0, %c0_i32 : i32, i32
  }
  func.func @transform_6(%arg0: i32) -> (i32, i32) {
    %c0_i32 = arith.constant 0 : i32
    %c0_i32_0 = arith.constant 0 : i32
    return %arg0, %c0_i32 : i32, i32
  }
}

module attributes {stable_mosaic.version = 14 : i64} {
  func.func @body(%arg0: i32, %arg1: memref<2x1000x128xf32, #tpu.memory_space<vmem>>, %arg2: memref<2x1000x32xf32, #tpu.memory_space<vmem>>, %arg3: memref<1000x128xf32, #tpu.memory_space<vmem>>, %arg4: memref<16x128xf32, #tpu.memory_space<vmem>>, %arg5: memref<384x1xf32, #tpu.memory_space<vmem>>, %arg6: memref<128x128xf32, #tpu.memory_space<vmem>>, %arg7: memref<1x128xf32, #tpu.memory_space<vmem>>, %arg8: memref<1000x128xf32, #tpu.memory_space<vmem>>) attributes {dimension_semantics = [#tpu.dimension_semantics<arbitrary>], iteration_bounds = array<i64: 10>, scalar_prefetch = 0 : i64, scratch_operands = 0 : i64, tpu.core_type = #tpu.core_type<tc>, window_params = [{transform_indices = @transform_0, window_bounds = array<i64: 2, 1000, 128>}, {transform_indices = @transform_1, window_bounds = array<i64: 2, 1000, 32>}, {transform_indices = @transform_2, window_bounds = array<i64: 1000, 128>}, {pipeline_mode = #tpu.pipeline_mode<synchronous>, transform_indices = @transform_3, window_bounds = array<i64: 16, 128>}, {pipeline_mode = #tpu.pipeline_mode<synchronous>, transform_indices = @transform_4, window_bounds = array<i64: 384, 1>}, {pipeline_mode = #tpu.pipeline_mode<synchronous>, transform_indices = @transform_5, window_bounds = array<i64: 128, 128>}, {pipeline_mode = #tpu.pipeline_mode<synchronous>, transform_indices = @transform_6, window_bounds = array<i64: 1, 128>}, {transform_indices = @transform_7, window_bounds = array<i64: 1000, 128>}]} {
    %get3A = arith.constant 0 : index
    %get3A_0 = arith.constant 0 : index
    %get3A_1 = arith.constant 0 : index
    %get3A_2 = vector.load %arg1[%get3A, %get3A_0, %get3A_1] : memref<2x1000x128xf32, #tpu.memory_space<vmem>>, vector<1x1000x128xf32>
    %get3A_3 = vector.shape_cast %get3A_2 : vector<1x1000x128xf32> to vector<1000x128xf32>
    %get3A_4 = arith.constant 1 : index
    %get3A_5 = arith.constant 0 : index
    %get3A_6 = arith.constant 0 : index
    %get3A_7 = vector.load %arg1[%get3A_4, %get3A_5, %get3A_6] : memref<2x1000x128xf32, #tpu.memory_space<vmem>>, vector<1x1000x128xf32>
    %get3A_8 = vector.shape_cast %get3A_7 : vector<1x1000x128xf32> to vector<1000x128xf32>
    %add3A = arith.addf %get3A_3, %get3A_8 : vector<1000x128xf32>
    %get3A_9 = arith.constant 0 : index
    %get3A_10 = arith.constant 0 : index
    %get3A_11 = arith.constant 0 : index
    %get3A_12 = vector.load %arg2[%get3A_9, %get3A_10, %get3A_11] : memref<2x1000x32xf32, #tpu.memory_space<vmem>>, vector<1x1000x32xf32>
    %get3A_13 = vector.shape_cast %get3A_12 : vector<1x1000x32xf32> to vector<1000x32xf32>
    %get3A_14 = arith.constant 1 : index
    %get3A_15 = arith.constant 0 : index
    %get3A_16 = arith.constant 0 : index
    %get3A_17 = vector.load %arg2[%get3A_14, %get3A_15, %get3A_16] : memref<2x1000x32xf32, #tpu.memory_space<vmem>>, vector<1x1000x32xf32>
    %get3A_18 = vector.shape_cast %get3A_17 : vector<1x1000x32xf32> to vector<1000x32xf32>
    %add3A_19 = arith.addf %get3A_13, %get3A_18 : vector<1000x32xf32>
    %slice3A = vector.extract_strided_slice %add3A_19 {offsets = [0, 0], sizes = [1000, 16], strides = [1, 1]} : vector<1000x32xf32> to vector<1000x16xf32>
    %slice3A_20 = vector.extract_strided_slice %add3A_19 {offsets = [0, 16], sizes = [1000, 1], strides = [1, 1]} : vector<1000x32xf32> to vector<1000x1xf32>
    %get3A_21 = arith.constant 0 : index
    %get3A_22 = arith.constant 0 : index
    %get3A_23 = vector.load %arg4[%get3A_21, %get3A_22] : memref<16x128xf32, #tpu.memory_space<vmem>>, vector<16x128xf32>
    %dot_general3A = arith.constant dense<0.000000e+00> : vector<1000x128xf32>
    %dot_general3A_24 = tpu.matmul %slice3A, %get3A_23, %dot_general3A {dimension_numbers = #tpu.dot_dimension_numbers<[1], [0], [0], [1], [0, 0, 1, 1], [], []>, precision = #tpu.contract_precision<fp32>, transpose_lhs_hint = false} : vector<1000x16xf32>, vector<16x128xf32>, vector<1000x128xf32> -> vector<1000x128xf32>
    %add3A_25 = arith.addf %add3A, %dot_general3A_24 : vector<1000x128xf32>
    %add3A_26 = arith.constant 1.000000e-16 : f32
    %add3A_27 = vector.broadcast %add3A_26 : f32 to vector<1000x1xf32>
    %add3A_28 = arith.addf %slice3A_20, %add3A_27 : vector<1000x1xf32>
    %div3A = vector.broadcast %add3A_28 : vector<1000x1xf32> to vector<1000x128xf32>
    %div3A_29 = arith.divf %add3A_25, %div3A : vector<1000x128xf32>
    %get3A_30 = arith.constant 0 : index
    %get3A_31 = arith.constant 0 : index
    %get3A_32 = vector.load %arg3[%get3A_30, %get3A_31] : memref<1000x128xf32, #tpu.memory_space<vmem>>, vector<1000x128xf32>
    %sub3A = arith.subf %div3A_29, %get3A_32 : vector<1000x128xf32>
    %concatenate3A = tpu.concatenate %div3A_29, %get3A_32, %sub3A in 1 : vector<1000x128xf32>, vector<1000x128xf32>, vector<1000x128xf32> -> vector<1000x384xf32>
    %get3A_33 = arith.constant 0 : index
    %get3A_34 = arith.constant 0 : index
    %get3A_35 = vector.load %arg5[%get3A_33, %get3A_34] : memref<384x1xf32, #tpu.memory_space<vmem>>, vector<384x1xf32>
    %dot_general3A_36 = arith.constant dense<0.000000e+00> : vector<1000x1xf32>
    %dot_general3A_37 = tpu.matmul %concatenate3A, %get3A_35, %dot_general3A_36 {dimension_numbers = #tpu.dot_dimension_numbers<[1], [0], [0], [1], [0, 0, 1, 1], [], []>, transpose_lhs_hint = false} : vector<1000x384xf32>, vector<384x1xf32>, vector<1000x1xf32> -> vector<1000x1xf32>
    %logistic3A = arith.negf %dot_general3A_37 : vector<1000x1xf32>
    %logistic3A_38 = math.exp %logistic3A : vector<1000x1xf32>
    %logistic3A_39 = arith.constant 1.000000e+00 : f32
    %logistic3A_40 = vector.broadcast %logistic3A_39 : f32 to vector<1000x1xf32>
    %logistic3A_41 = arith.addf %logistic3A_40, %logistic3A_38 : vector<1000x1xf32>
    %logistic3A_42 = arith.divf %logistic3A_40, %logistic3A_41 : vector<1000x1xf32>
    %mul3A = vector.broadcast %logistic3A_42 : vector<1000x1xf32> to vector<1000x128xf32>
    %mul3A_43 = arith.mulf %mul3A, %get3A_32 : vector<1000x128xf32>
    %sub3A_44 = arith.constant 1.000000e+00 : f32
    %sub3A_45 = vector.broadcast %sub3A_44 : f32 to vector<1000x1xf32>
    %sub3A_46 = arith.subf %sub3A_45, %logistic3A_42 : vector<1000x1xf32>
    %mul3A_47 = vector.broadcast %sub3A_46 : vector<1000x1xf32> to vector<1000x128xf32>
    %mul3A_48 = arith.mulf %mul3A_47, %div3A_29 : vector<1000x128xf32>
    %add3A_49 = arith.addf %mul3A_43, %mul3A_48 : vector<1000x128xf32>
    %get3A_50 = arith.constant 0 : index
    %get3A_51 = arith.constant 0 : index
    %get3A_52 = vector.load %arg6[%get3A_50, %get3A_51] : memref<128x128xf32, #tpu.memory_space<vmem>>, vector<128x128xf32>
    %dot_general3A_53 = arith.constant dense<0.000000e+00> : vector<1000x128xf32>
    %dot_general3A_54 = tpu.matmul %add3A_49, %get3A_52, %dot_general3A_53 {dimension_numbers = #tpu.dot_dimension_numbers<[1], [0], [0], [1], [0, 0, 1, 1], [], []>, transpose_lhs_hint = false} : vector<1000x128xf32>, vector<128x128xf32>, vector<1000x128xf32> -> vector<1000x128xf32>
    %get3A_55 = arith.constant 0 : index
    %get3A_56 = arith.constant 0 : index
    %get3A_57 = vector.load %arg7[%get3A_55, %get3A_56] : memref<1x128xf32, #tpu.memory_space<vmem>>, vector<1x128xf32>
    %add3A_58 = vector.broadcast %get3A_57 : vector<1x128xf32> to vector<1000x128xf32>
    %add3A_59 = arith.addf %dot_general3A_54, %add3A_58 : vector<1000x128xf32>
    %max3A = arith.constant 0.000000e+00 : f32
    %max3A_60 = vector.broadcast %max3A : f32 to vector<1000x128xf32>
    %max3A_61 = arith.maximumf %add3A_59, %max3A_60 : vector<1000x128xf32>
    %swap3A = arith.constant 0 : index
    %swap3A_62 = arith.constant 0 : index
    %swap3A_63 = vector.load %arg8[%swap3A, %swap3A_62] : memref<1000x128xf32, #tpu.memory_space<vmem>>, vector<1000x128xf32>
    tpu.vector_store %arg8[%swap3A, %swap3A_62], %max3A_61 {strides = array<i32>} : memref<1000x128xf32, #tpu.memory_space<vmem>>, vector<1000x128xf32>,
    return
  }
  func.func @transform_0(%arg0: i32) -> (i32, i32, i32) {
    %c0_i32 = arith.constant 0 : i32
    %c0_i32_0 = arith.constant 0 : i32
    %c0_i32_1 = arith.constant 0 : i32
    return %c0_i32, %arg0, %c0_i32_0 : i32, i32, i32
  }
  func.func @transform_1(%arg0: i32) -> (i32, i32, i32) {
    %c0_i32 = arith.constant 0 : i32
    %c0_i32_0 = arith.constant 0 : i32
    %c0_i32_1 = arith.constant 0 : i32
    return %c0_i32, %arg0, %c0_i32_0 : i32, i32, i32
  }
  func.func @transform_2(%arg0: i32) -> (i32, i32) {
    %c0_i32 = arith.constant 0 : i32
    %c0_i32_0 = arith.constant 0 : i32
    return %arg0, %c0_i32 : i32, i32
  }
  func.func @transform_3(%arg0: i32) -> (i32, i32) {
    %c0_i32 = arith.constant 0 : i32
    %c0_i32_0 = arith.constant 0 : i32
    %c0_i32_1 = arith.constant 0 : i32
    return %c0_i32, %c0_i32_0 : i32, i32
  }
  func.func @transform_4(%arg0: i32) -> (i32, i32) {
    %c0_i32 = arith.constant 0 : i32
    %c0_i32_0 = arith.constant 0 : i32
    %c0_i32_1 = arith.constant 0 : i32
    return %c0_i32, %c0_i32_0 : i32, i32
  }
  func.func @transform_5(%arg0: i32) -> (i32, i32) {
    %c0_i32 = arith.constant 0 : i32
    %c0_i32_0 = arith.constant 0 : i32
    %c0_i32_1 = arith.constant 0 : i32
    return %c0_i32, %c0_i32_0 : i32, i32
  }
  func.func @transform_6(%arg0: i32) -> (i32, i32) {
    %c0_i32 = arith.constant 0 : i32
    %c0_i32_0 = arith.constant 0 : i32
    %c0_i32_1 = arith.constant 0 : i32
    return %c0_i32, %c0_i32_0 : i32, i32
  }
  func.func @transform_7(%arg0: i32) -> (i32, i32) {
    %c0_i32 = arith.constant 0 : i32
    %c0_i32_0 = arith.constant 0 : i32
    return %arg0, %c0_i32 : i32, i32
  }
}

module attributes {stable_mosaic.version = 14 : i64} {
  func.func @body(%arg0: memref<10000x128xf32, #tpu.memory_space<vmem>>, %arg1: memref<1x128xf32, #tpu.memory_space<vmem>>, %arg2: memref<1x128xf32, #tpu.memory_space<vmem>>, %arg3: memref<128x40xf32, #tpu.memory_space<vmem>>, %arg4: memref<1x40xf32, #tpu.memory_space<vmem>>, %arg5: memref<10000x128xf32, #tpu.memory_space<vmem>>) attributes {dimension_semantics = [], scalar_prefetch = 0 : i64, scratch_operands = 0 : i64, tpu.core_type = #tpu.core_type<tc>} {
    %get3A = arith.constant 0 : index
    %get3A_0 = arith.constant 0 : index
    %get3A_1 = vector.load %arg0[%get3A, %get3A_0] : memref<10000x128xf32, #tpu.memory_space<vmem>>, vector<10000x128xf32>
    %reduce_sum3A = arith.constant dense<0.000000e+00> : vector<128xf32>
    %reduce_sum3A_2 = vector.multi_reduction <add>, %get3A_1, %reduce_sum3A [0] : vector<10000x128xf32> to vector<128xf32>
    %broadcast_in_dim3A = vector.shape_cast %reduce_sum3A_2 : vector<128xf32> to vector<1x128xf32>
    %div3A = arith.constant 1.000000e+04 : f32
    %div3A_3 = vector.broadcast %div3A : f32 to vector<1x128xf32>
    %div3A_4 = arith.divf %broadcast_in_dim3A, %div3A_3 : vector<1x128xf32>
    %sub3A = vector.broadcast %div3A_4 : vector<1x128xf32> to vector<10000x128xf32>
    %sub3A_5 = arith.subf %get3A_1, %sub3A : vector<10000x128xf32>
    %mul3A = arith.mulf %sub3A_5, %sub3A_5 : vector<10000x128xf32>
    %reduce_sum3A_6 = arith.constant dense<0.000000e+00> : vector<128xf32>
    %reduce_sum3A_7 = vector.multi_reduction <add>, %mul3A, %reduce_sum3A_6 [0] : vector<10000x128xf32> to vector<128xf32>
    %broadcast_in_dim3A_8 = vector.shape_cast %reduce_sum3A_7 : vector<128xf32> to vector<1x128xf32>
    %div3A_9 = arith.constant 1.000000e+04 : f32
    %div3A_10 = vector.broadcast %div3A_9 : f32 to vector<1x128xf32>
    %div3A_11 = arith.divf %broadcast_in_dim3A_8, %div3A_10 : vector<1x128xf32>
    %add3A = arith.constant 9.99999974E-6 : f32
    %add3A_12 = vector.broadcast %add3A : f32 to vector<1x128xf32>
    %add3A_13 = arith.addf %div3A_11, %add3A_12 : vector<1x128xf32>
    %rsqrt3A = math.rsqrt %add3A_13 : vector<1x128xf32>
    %mul3A_14 = vector.broadcast %rsqrt3A : vector<1x128xf32> to vector<10000x128xf32>
    %mul3A_15 = arith.mulf %sub3A_5, %mul3A_14 : vector<10000x128xf32>
    %get3A_16 = arith.constant 0 : index
    %get3A_17 = arith.constant 0 : index
    %get3A_18 = vector.load %arg1[%get3A_16, %get3A_17] : memref<1x128xf32, #tpu.memory_space<vmem>>, vector<1x128xf32>
    %mul3A_19 = vector.broadcast %get3A_18 : vector<1x128xf32> to vector<10000x128xf32>
    %mul3A_20 = arith.mulf %mul3A_15, %mul3A_19 : vector<10000x128xf32>
    %get3A_21 = arith.constant 0 : index
    %get3A_22 = arith.constant 0 : index
    %get3A_23 = vector.load %arg2[%get3A_21, %get3A_22] : memref<1x128xf32, #tpu.memory_space<vmem>>, vector<1x128xf32>
    %add3A_24 = vector.broadcast %get3A_23 : vector<1x128xf32> to vector<10000x128xf32>
    %add3A_25 = arith.addf %mul3A_20, %add3A_24 : vector<10000x128xf32>
    %swap3A = arith.constant 0 : index
    %swap3A_26 = arith.constant 0 : index
    %swap3A_27 = vector.load %arg5[%swap3A, %swap3A_26] : memref<10000x128xf32, #tpu.memory_space<vmem>>, vector<10000x128xf32>
    tpu.vector_store %arg5[%swap3A, %swap3A_26], %add3A_25 {strides = array<i32>} : memref<10000x128xf32, #tpu.memory_space<vmem>>, vector<10000x128xf32>,
    return
  }
}

module attributes {stable_mosaic.version = 14 : i64} {
  func.func @body(%arg0: memref<10000x128xf32, #tpu.memory_space<vmem>>, %arg1: memref<1x128xf32, #tpu.memory_space<vmem>>, %arg2: memref<1x128xf32, #tpu.memory_space<vmem>>, %arg3: memref<128x40xf32, #tpu.memory_space<vmem>>, %arg4: memref<1x40xf32, #tpu.memory_space<vmem>>, %arg5: memref<10000x40xf32, #tpu.memory_space<vmem>>) attributes {dimension_semantics = [], scalar_prefetch = 0 : i64, scratch_operands = 0 : i64, tpu.core_type = #tpu.core_type<tc>} {
    %get3A = arith.constant 0 : index
    %get3A_0 = arith.constant 0 : index
    %get3A_1 = vector.load %arg0[%get3A, %get3A_0] : memref<10000x128xf32, #tpu.memory_space<vmem>>, vector<10000x128xf32>
    %reduce_sum3A = arith.constant dense<0.000000e+00> : vector<128xf32>
    %reduce_sum3A_2 = vector.multi_reduction <add>, %get3A_1, %reduce_sum3A [0] : vector<10000x128xf32> to vector<128xf32>
    %broadcast_in_dim3A = vector.shape_cast %reduce_sum3A_2 : vector<128xf32> to vector<1x128xf32>
    %div3A = arith.constant 1.000000e+04 : f32
    %div3A_3 = vector.broadcast %div3A : f32 to vector<1x128xf32>
    %div3A_4 = arith.divf %broadcast_in_dim3A, %div3A_3 : vector<1x128xf32>
    %sub3A = vector.broadcast %div3A_4 : vector<1x128xf32> to vector<10000x128xf32>
    %sub3A_5 = arith.subf %get3A_1, %sub3A : vector<10000x128xf32>
    %mul3A = arith.mulf %sub3A_5, %sub3A_5 : vector<10000x128xf32>
    %reduce_sum3A_6 = arith.constant dense<0.000000e+00> : vector<128xf32>
    %reduce_sum3A_7 = vector.multi_reduction <add>, %mul3A, %reduce_sum3A_6 [0] : vector<10000x128xf32> to vector<128xf32>
    %broadcast_in_dim3A_8 = vector.shape_cast %reduce_sum3A_7 : vector<128xf32> to vector<1x128xf32>
    %div3A_9 = arith.constant 1.000000e+04 : f32
    %div3A_10 = vector.broadcast %div3A_9 : f32 to vector<1x128xf32>
    %div3A_11 = arith.divf %broadcast_in_dim3A_8, %div3A_10 : vector<1x128xf32>
    %add3A = arith.constant 9.99999974E-6 : f32
    %add3A_12 = vector.broadcast %add3A : f32 to vector<1x128xf32>
    %add3A_13 = arith.addf %div3A_11, %add3A_12 : vector<1x128xf32>
    %rsqrt3A = math.rsqrt %add3A_13 : vector<1x128xf32>
    %mul3A_14 = vector.broadcast %rsqrt3A : vector<1x128xf32> to vector<10000x128xf32>
    %mul3A_15 = arith.mulf %sub3A_5, %mul3A_14 : vector<10000x128xf32>
    %get3A_16 = arith.constant 0 : index
    %get3A_17 = arith.constant 0 : index
    %get3A_18 = vector.load %arg1[%get3A_16, %get3A_17] : memref<1x128xf32, #tpu.memory_space<vmem>>, vector<1x128xf32>
    %mul3A_19 = vector.broadcast %get3A_18 : vector<1x128xf32> to vector<10000x128xf32>
    %mul3A_20 = arith.mulf %mul3A_15, %mul3A_19 : vector<10000x128xf32>
    %get3A_21 = arith.constant 0 : index
    %get3A_22 = arith.constant 0 : index
    %get3A_23 = vector.load %arg2[%get3A_21, %get3A_22] : memref<1x128xf32, #tpu.memory_space<vmem>>, vector<1x128xf32>
    %add3A_24 = vector.broadcast %get3A_23 : vector<1x128xf32> to vector<10000x128xf32>
    %add3A_25 = arith.addf %mul3A_20, %add3A_24 : vector<10000x128xf32>
    %get3A_26 = arith.constant 0 : index
    %get3A_27 = arith.constant 0 : index
    %get3A_28 = vector.load %arg3[%get3A_26, %get3A_27] : memref<128x40xf32, #tpu.memory_space<vmem>>, vector<128x40xf32>
    %dot_general3A = arith.constant dense<0.000000e+00> : vector<10000x40xf32>
    %dot_general3A_29 = tpu.matmul %add3A_25, %get3A_28, %dot_general3A {dimension_numbers = #tpu.dot_dimension_numbers<[1], [0], [0], [1], [0, 0, 1, 1], [], []>, transpose_lhs_hint = false} : vector<10000x128xf32>, vector<128x40xf32>, vector<10000x40xf32> -> vector<10000x40xf32>
    %get3A_30 = arith.constant 0 : index
    %get3A_31 = arith.constant 0 : index
    %get3A_32 = vector.load %arg4[%get3A_30, %get3A_31] : memref<1x40xf32, #tpu.memory_space<vmem>>, vector<1x40xf32>
    %add3A_33 = vector.broadcast %get3A_32 : vector<1x40xf32> to vector<10000x40xf32>
    %add3A_34 = arith.addf %dot_general3A_29, %add3A_33 : vector<10000x40xf32>
    %swap3A = arith.constant 0 : index
    %swap3A_35 = arith.constant 0 : index
    %swap3A_36 = vector.load %arg5[%swap3A, %swap3A_35] : memref<10000x40xf32, #tpu.memory_space<vmem>>, vector<10000x40xf32>
    tpu.vector_store %arg5[%swap3A, %swap3A_35], %add3A_34 {strides = array<i32>} : memref<10000x40xf32, #tpu.memory_space<vmem>>, vector<10000x40xf32>,
    return
  }
}

</mosaic_0001>

<sc_bundles>
// kernel: kernel.17.cloned.1.call-start
scs
__scs_entry_jumppad:
0x0: {  	(pc) =	sbr.rel $0x88, $3  }
0x1: {  	(tag) =	ssettag $0x0;
	lr =	simm.s32 $0x1  }
0x2: {  	[smem:$0x3F8E] =	sst lr;
	_ =	strace $0xD0000000  }
0x3: {  	_ = 	snop  }
0x4: {  	_ = 	snop  }
0x5: {  	_ = 	snop  }
0x6: {  	_ = 	snop  }
0x7: {  	_ = 	snop  }
__scs_overlays_trampoline_lowered:
0x8: {  	[smem:$0x3F9D] =	sst s0  }
0x9: {  	[smem:$0x3F9E] =	sst s1  }
0xa: {  	[smem:$0x3F9F] =	sst s2  }
0xb: {  	[smem:$0x3FA0] =	sst s3  }
0xc: {  	[smem:$0x3FA1] =	sst s4  }
0xd: {  	[smem:$0x3FA2] =	sst s5  }
0xe: {  	[smem:$0x3FA3] =	sst s6  }
0xf: {  	[smem:$0x3FA4] =	sst s7  }
0x10: {  	[smem:$0x3FA5] =	sst s8  }
0x11: {  	[smem:$0x3FA6] =	sst s9;
	s0 =	simm.s32 @!p0 $0x0  }
0x12: {  	s1 =	sld [smem:$0x3F8C];
	s0 =	simm.s32 @p0 $0x1  }
0x13: {  	[smem:$0x3FA7] =	sst s0;
	s0 =	simm.s32 @!p1 $0x0  }
0x14: {  	s2 =	sld [smem:$0x3F8B];
	s0 =	simm.s32 @p1 $0x1  }
0x15: {  	[smem:$0x3FA8] =	sst s0;
	s0 =	simm.s32 @!p2 $0x0  }
0x16: {  	s3 =	sld [smem:$0x3FDB];
	s0 =	simm.s32 @p2 $0x1  }
0x17: {  	s4 =	simm.s32 $0x1BF5;
	[smem:$0x3FAA] =	sst s0  }
0x18: {  	s0 =	sld [smem:$0x3F8D];
	_ =	swait.ge [sflag:s4], $0x0  }
0x19: {  	s7 =	sld [smem:$0x3F8E]  }
0x1a: {  	s8 =	sadd.s32 $0xFFFFE003, lr  }
0x1b: {  	s9 =	sadd.s32 $0xFFFFFEF7, lr;
	s5 =	simm.s32 $0xFFFFFFFF;
	p2 =	slt.u32 s8, $0xFFFFF086  }
0x1c: {  	p1 =	slt.u32 s9, $0xF7A;
	s5 =	simm.s32 @!p2 $0x0  }
0x1d: {  	s5 =	simm.s32 @p1 $0x1;
	p0 =	seq.s32 s7, s2  }
0x1e: {  	s7 =	smul.u32 @!p0 $0xF7A, s2;
	p2 =	seq.s32 @!p0 s5, $0x0  }
0x1f: {  	s9 =	smul.u32 $0xF7A, s1;
	s8 =	simm.s32 @!p0 $0x1BF5;
	p2 =	por !p2, p0  }
0x20: {  	[sflag:s8] =	ssyncset.s32 @!p0 $0xFFFFF086;
	s6 =	sadd.s32 @!p0 s3, s7;
	s7 =	simm.s32 @!p0 $0x108  }
0x21: {  	s3 =	sadd.s32 s3, s9;
	s6 =	sadd.s32 @!p0 $0x88, s6;
	s7 =	simm.s32 @p2 $0x1082  }
0x22: {  	[simem:s7], [sflag:s8] =	dma.local @!p0 [hbm:s6], $0xF7A  }
0x23: {  	s9 =	sor.u32 $0xD0000000, s2;
	s6 =	simm.s32 $0x108;
	_ =	swait.ge @!p0 [sflag:s8], $0x0  }
0x24: {  	s3 =	sadd.s32 $0x88, s3;
	s6 =	simm.s32 @!p1 $0x1082;
	[sflag:s4] =	ssyncset.s32 $0xFFFFF086  }
0x25: {  	[simem:s6], [sflag:s4] =	dma.local [hbm:s3], $0xF7A  }
0x26: {  	[smem:$0x3F8E] =	sst s1;
	(tag) =	ssettag s2;
	_ =	strace s9  }
0x27: {  	s1 =	sld [smem:$0x3F9E]  }
0x28: {  	s2 =	sld [smem:$0x3F9F]  }
0x29: {  	s4 =	sld [smem:$0x3FA1]  }
0x2a: {  	p0 =	seq.s32 s5, $0x0;
	s5 =	sld [smem:$0x3FA2]  }
0x2b: {  	s6 =	sld [smem:$0x3FA3]  }
0x2c: {  	s7 =	sld [smem:$0x3FA4]  }
0x2d: {  	s3 =	simm.s32 $0x108;
	s8 =	sld [smem:$0x3FA5]  }
0x2e: {  	s3 =	simm.s32 @!p0 $0x1082;
	s9 =	sld [smem:$0x3FA6]  }
0x2f: {  	lr =	sadd.s32 s0, s3;
	s0 =	sld [smem:$0x3F9D]  }
0x30: {  	s3 =	sld [smem:$0x3FA0]  }
0x31: {  	[smem:$0x3FA9] =	sst s10  }
0x32: {  	s10 =	sld [smem:$0x3FA7];
	_ =	sdelay $0x3  }
0x33: {  	p0 =	seq.s32 s10, $0x1;
	s10 =	sld [smem:$0x3FA9];
	_ =	sdelay $0x3  }
0x34: {  	[smem:$0x3FA9] =	sst s10  }
0x35: {  	s10 =	sld [smem:$0x3FA8];
	_ =	sdelay $0x3  }
0x36: {  	p1 =	seq.s32 s10, $0x1;
	s10 =	sld [smem:$0x3FA9];
	_ =	sdelay $0x3  }
0x37: {  	[smem:$0x3FA9] =	sst s10  }
0x38: {  	s10 =	sld [smem:$0x3FAA]  }
0x39: {  	_ = 	snop;
	(pc) =	sbr.ind lr, $3  }
0x3a: {  	_ = 	snop  }
0x3b: {  	_ = 	snop  }
0x3c: {  	p2 =	seq.s32 s10, $0x1;
	s10 =	sld [smem:$0x3FA9]  }
0x3d: {  	_ =	shalt  }
0x3e: {  	_ =	shalt  }
0x3f: {  	_ =	shalt  }
0x40: {  	_ =	shalt  }
0x41: {  	_ =	shalt  }
0x42: {  	_ =	shalt  }
0x43: {  	_ =	shalt  }
0x44: {  	_ =	shalt  }
0x45: {  	_ =	shalt  }
0x46: {  	_ =	shalt  }
0x47: {  	_ =	shalt  }
0x48: {  	_ =	shalt  }
0x49: {  	_ =	shalt  }
0x4a: {  	_ =	shalt  }
0x4b: {  	_ =	shalt  }
0x4c: {  	_ =	shalt  }
0x4d: {  	_ =	shalt  }
0x4e: {  	_ =	shalt  }
0x4f: {  	_ =	shalt  }
0x50: {  	_ =	shalt  }
0x51: {  	_ =	shalt  }
0x52: {  	_ =	shalt  }
0x53: {  	_ =	shalt  }
0x54: {  	_ =	shalt  }
0x55: {  	_ =	shalt  }
0x56: {  	_ =	shalt  }
0x57: {  	_ =	shalt  }
0x58: {  	_ =	shalt  }
0x59: {  	_ =	shalt  }
0x5a: {  	_ =	shalt  }
0x5b: {  	_ =	shalt  }
0x5c: {  	_ =	shalt  }
0x5d: {  	_ =	shalt  }
0x5e: {  	_ =	shalt  }
0x5f: {  	_ =	shalt  }
0x60: {  	_ =	shalt  }
0x61: {  	_ =	shalt  }
0x62: {  	_ =	shalt  }
0x63: {  	_ =	shalt  }
0x64: {  	_ =	shalt  }
0x65: {  	_ =	shalt  }
0x66: {  	_ =	shalt  }
0x67: {  	_ =	shalt  }
0x68: {  	_ =	shalt  }
0x69: {  	_ =	shalt  }
0x6a: {  	_ =	shalt  }
0x6b: {  	_ =	shalt  }
0x6c: {  	_ =	shalt  }
0x6d: {  	_ =	shalt  }
0x6e: {  	_ =	shalt  }
0x6f: {  	_ =	shalt  }
0x70: {  	_ =	shalt  }
0x71: {  	_ =	shalt  }
0x72: {  	_ =	shalt  }
0x73: {  	_ =	shalt  }
0x74: {  	_ =	shalt  }
0x75: {  	_ =	shalt  }
0x76: {  	_ =	shalt  }
0x77: {  	_ =	shalt  }
0x78: {  	_ =	shalt  }
0x79: {  	_ =	shalt  }
0x7a: {  	_ =	shalt  }
0x7b: {  	_ =	shalt  }
0x7c: {  	_ =	shalt  }
0x7d: {  	_ =	shalt  }
0x7e: {  	_ =	shalt  }
0x7f: {  	_ =	shalt  }
0x80: {  	_ =	shalt  }
0x81: {  	_ =	shalt  }
0x82: {  	_ =	shalt  }
0x83: {  	_ =	shalt  }
0x84: {  	_ =	shalt  }
0x85: {  	_ =	shalt  }
0x86: {  	_ =	shalt  }
0x87: {  	_ =	shalt  }
.Lfunc_end0:
.L_simem_size_0:
called_computation_lowered:
.L_overlay_start_0:
0x88: {  	s2 =	sld [smem:$0x3FD9]  }
0x89: {  	s3 =	sld [smem:$0x3FFE];
	_ =	sdelay $0x1  }
0x8a: {  	s1 =	srdreg.scid  }
0x8b: {  	s0 =	sand.u32 $0x1, s1  }
0x8c: {  	s17 =	sshll.u32 s0, $0xA;
	s2 =	sadd.s32 s3, s2  }
0x8d: {  	s2 =	sadd.s32 s2, s17  }
0x8e: {  	[smem:$0x3FB5] =	sst s2  }
0x8f: {  	_ = 	snop  }
0x90: {  	s2 =	sld [smem:$0x3FD0];
	(tm) =	ssettm $0x1  }
0x91: {  	s18 =	sld [smem:$0x3FFB];
	_ =	sdelay $0x3  }
0x92: {  	_ =	strace s18  }
0x93: {  	s3 =	sld [smem:$0x3FFC];
	_ =	sdelay $0x3  }
0x94: {  	_ =	strace s3  }
0x95: {  	s3 =	sld [smem:$0x3FFD];
	_ =	sdelay $0x3  }
0x96: {  	_ =	strace s3  }
0x97: {  	_ =	strace $0x8FFFFFFF  }
0x98: {  	s19 =	sld [smem:$0x3FDB];
	_ =	sdelay $0x1  }
0x99: {  	s4 =	simm.s32 $_scs_section_size  }
0x9a: {  	s5 =	simm.s32 $_size__tile_overlayer_lowered;
	s6 =	simm.s32 $_tile_overlayer_lowered  }
0x9b: {  	s22 =	simm.s32 $0x1BFF;
	s21 =	sshll.u32 s6, $0x1;
	s3 =	sadd.s32 s4, s19  }
0x9c: {  	s7 =	simm.s32 $0x0;
	s20 =	sshll.u32 s5, $0x1;
	s5 =	sadd.s32 s21, s3  }
0x9d: {  	[timem:s7], [sflag:s22] =	dma.local [hbm:s5], s20  }
0x9e: {  	_ =	swait.ge [sflag:s22], s20  }
0x9f: {  	s4 =	ssub.s32 $0x0, s20;
	[sflag:s22] =	ssyncset.done $0x0  }
0xa0: {  	[sflag:s22] =	ssyncadd.s32 s4;
	_ =	sdelay $0x1  }
0xa1: {  	s23 =	simm.s32 $0x1B8B  }
0xa2: {  	_ =	swait.ge [sflag:s23], $0x1  }
0xa3: {  	[sflag:s23] =	ssyncset.done $0x0  }
0xa4: {  	s25 =	simm.s32 $0x1B8E;
	s24 =	sld [smem:$0x3FFE];
	[sflag:s23] =	ssyncadd.s32 $0xFFFFFFFF  }
0xa5: {  	s26 =	simm.s32 $execute0_lowered;
	[smem:$0x3FD2] =	sst s25  }
0xa6: {  	s5 =	sshll.u32 s26, $0x1;
	_ =	strace $0x80000046;
	[dreg:$0x1] =	wrdreg $0xFFFFFFFF  }
0xa7: {  	s28 =	simm.s32 $_size_execute0_lowered;
	s3 =	sadd.s32 s3, s5;
	[dreg:$0x0] =	wrdreg $0x0  }
0xa8: {  	s5 =	sshll.u32 s28, $0x1;
	[dreg:$0x2] =	wrdreg s3  }
0xa9: {  	[dreg:$0x3] =	wrdreg s5  }
0xaa: {  	[dreg:$0x4] =	wrdreg $0xC0  }
0xab: {  	_ =	task [dreg:s7], $0x5FFFF  }
0xac: {  	[dreg:$0x1] =	wrdreg $0xFFFFFFFF  }
0xad: {  	[dreg:$0x0] =	wrdreg $0x60  }
0xae: {  	[dreg:$0x2] =	wrdreg s24  }
0xaf: {  	[dreg:$0x3] =	wrdreg s2  }
0xb0: {  	[dreg:$0x4] =	wrdreg $0xB9A00  }
0xb1: {  	[dreg:$0x5] =	wrdreg $0x9  }
0xb2: {  	_ =	task.clear_ibuf [dreg:s7], $0x6FFFF;
	_ =	strace $0x90000046  }
0xb3: {  	s29 =	simm.s32 $0x9;
	_ =	strace $0x80000048  }
0xb4: {  	_ =	swait.ge [sflag:s29], $0x1  }
0xb5: {  	[sflag:s29] =	ssyncadd.s32 $0xFFFFFFFF  }
0xb6: {  	_ =	strace $0x90000048  }
0xb7: {  	_ =	sfence  }
0xb8: {  	s30 =	sld [smem:$0x0];
	_ =	sdelay $0x2  }
0xb9: {  	s31 =	sshll.u32 s1, $0xD;
	s1 =	sshrl.u32 s1, $0x2  }
0xba: {  	s3 =	sand.u32 $0x4000, s31;
	s1 =	sadd.s32 s1, s30  }
0xbb: {  	s0 =	sor.u32 s3, s0;
	s1 =	sshll.u32 s1, $0x11  }
0xbc: {  	s0 =	sor.u32 s1, s0  }
0xbd: {  	s0 =	sadd.s32 $0x8F2B, s0  }
0xbe: {  	[sflag:s0] =	ssyncadd.remote.s32 $0x1  }
0xbf: {  	_ =	sfence.sel $0xFFFF  }
0xc0: {  	[dreg:$0x0] =	wrdreg $0xFFFFFFFF;
	(pc) =	sbr.abs _section_cstart, $3  }
0xc1: {  	[dreg:$0x1] =	wrdreg $0xFFFFFFFF  }
0xc2: {  	_ =	task.clear_ibuf [dreg:s7], $0x2FFFF;
	_ =	strace $0x9FFFFFFF  }
0xc3: {  	(tm) =	ssettm $0x7FFFFFFF  }
tec
execute0_lowered:
.L_overlay_start_1:
0x0: {  	(tag) =	ssettag $0x1  }
0x1: {  	s0 =	rddreg [dreg:$0x0]  }
0x2: {  	s2 =	rddreg [dreg:$0x1]  }
0x3: {  	s3 =	rddreg [dreg:$0x2]  }
0x4: {  	s1 =	srdreg.scid;
	s14 =	stileid.u32  }
0x5: {  	s4 =	simm.s32 $0x0;
	s16 =	simm.s32 $0x3;
	s17 =	simm.s32 $0x50  }
0x6: {  	s18 =	simm.s32 $0xA0;
	s19 =	simm.s32 $0x32A0;
	s20 =	simm.s32 $0x82A0  }
0x7: {  	s21 =	simm.s32 $0x1;
	s22 =	simm.s32 $0x2;
	s23 =	simm.s32 $0x87A0  }
0x8: {  	s24 =	simm.s32 $0xAFA0;
	s25 =	simm.s32 $0x0;
	s1 =	sand.u32 $0x1, s1  }
0x9: {  	s9 =	smul.u32 $0x14000, s14;
	[smem:$0x7FF] =	sst s4;
	s5 =	sadd.s32 $0x84A00, s0  }
0xa: {  	s6 =	sadd.s32 $0xB5800, s0;
	s7 =	sadd.s32 $0x5E5A00, s0;
	s12 =	sadd.s32 $0x19400, s0  }
0xb: {  	s30 =	sshll.u32 s14, $0x6;
	s8 =	smul.u32 $0x140000, s1;
	_ =	strace $0x80000047  }
0xc: {  	s11 =	ssub.s32 $0x2, s1;
	[dreg:$0x4] =	wrdreg s12;
	s1 =	sshll.u32 s1, $0x4  }
0xd: {  	s28 =	sshrl.u32 s11, $0x1;
	s1 =	sor.u32 s14, s1;
	s10 =	sadd.s32 s9, s8  }
0xe: {  	s8 =	sadd.s32 $0xF600, s0;
	s29 =	ssub.s32 s11, s28;
	s10 =	sshrl.u32 s10, $0x3  }
0xf: {  	s9 =	sadd.s32 s9, s3;
	s11 =	sor.u32 $0x1C03, s30;
	s13 =	sadd.s32 s10, s0  }
0x10: {  	v0 =	vimm.f32 $0.0e+00;
	vm0 =	vcmask $0x300;
	s12 =	smul.u32 $0x2710, s1;
	s14 =	smax.u32 s29, $0x1;
	s31 =	sadd.s32 $0x103A00, s13  }
0x11: {  	v0 =	vsel vm0, $0x3F800000, v0;
	s15 =	sshrl.u32 s9, $0x3;
	s10 =	sadd.s32 $0x153A00, s0;
	[dreg:$0x5] =	wrdreg s31  }
.LBB2_1:
0x12: {  	s0 =	rddreg [dreg:$0x4]  }
0x13: {  	[spmem:s15], [sflag:s11] =	dma.local [hbm:s0], $0x2800  }
0x14: {  	_ =	swait.ge [sflag:s16], $0x2800  }
0x15: {  	[sflag:s16] =	ssyncset.done $0x0  }
0x16: {  	[sflag:s16] =	ssyncadd.s32 $0xFFFFD800  }
0x17: {  	s26 =	simm.s32 $0x0;
	[bflag:$0x0] =	sbarrier.arrive $0xFFFF  }
.LBB2_2:
0x18: {  	s0 =	smul.u32 $0x50, s26;
	_ =	sdelay $0x1  }
0x19: {  	s28 =	sadd.s32 s12, s0  }
0x1a: {  	s0 =	sshrl.u32 s28, $0x3  }
0x1b: {  	s9 =	simm.s32 $0x0;
	s1 =	sadd.s32 s8, s0  }
0x1c: {  	[tilespmem:s9], [sflag:$0x3] =	stream.linear.gather [hbm4b:s1+s9], $0x50, $0x38;
	[tilespmem:$0x1F9A0] =	vst v63  }
0x1d: {  	_ =	swait.ge [sflag:s16], $0x50  }
0x1e: {  	[sflag:s16] =	ssyncset.done $0x0  }
0x1f: {  	s0 =	sadd.s32 s2, s0;
	[sflag:s16] =	ssyncadd.s32 $0xFFFFFFB0  }
0x20: {  	[tilespmem:s17], [sflag:$0x3] =	stream.linear.gather [hbm4b:s0+s9], $0x50, $0x38;
	[tilespmem:$0x1F9A0] =	vst v63  }
0x21: {  	_ =	swait.ge [sflag:s16], $0x50  }
0x22: {  	[sflag:s16] =	ssyncset.done $0x0  }
0x23: {  	[sflag:s16] =	ssyncadd.s32 $0xFFFFFFB0  }
0x24: {  	[tilespmem:s18], [sflag:$0x1] =	stream.indirect.gather [hbm4b:s5+s17], $0xA0, s17, s17, $0xb8;
	[tilespmem:$0x1F9A0] =	vst v63  }
0x25: {  	s1 =	sshll.u32 s28, $0x1  }
0x26: {  	[tilespmem:s19], [sflag:$0x2] =	stream.indirect.gather [hbm4b:s6+s17], $0x100, s9, s17, $0xb8;
	[tilespmem:$0x1F9A0] =	vst v63  }
0x27: {  	s0 =	sadd.s32 s7, s1  }
0x28: {  	[tilespmem:s20], [sflag:$0x3] =	stream.linear.gather [hbm4b:s0+s9], $0x500, $0x38;
	[tilespmem:$0x1F9A0] =	vst v63  }
0x29: {  	_ =	swait.ge [sflag:s16], $0x500  }
0x2a: {  	[sflag:s16] =	ssyncset.done $0x0  }
0x2b: {  	[sflag:s16] =	ssyncadd.s32 $0xFFFFFB00  }
0x2c: {  	_ =	swait.ge [sflag:s21], $0x3200  }
0x2d: {  	[sflag:s21] =	ssyncset.done $0x0  }
0x2e: {  	[sflag:s21] =	ssyncadd.s32 $0xFFFFCE00  }
0x2f: {  	_ =	swait.ge [sflag:s22], $0x5000  }
0x30: {  	[sflag:s22] =	ssyncset.done $0x0  }
0x31: {  	s0 =	simm.s32 $0x3320;
	[sflag:s22] =	ssyncadd.s32 $0xFFFFB000  }
0x32: {  	s13 =	simm.s32 $0xE0;
	v1 =	vld [tilespmem:s0+$0xFFFFFF80]  }
0x33: {  	v2 =	vld [tilespmem:s13+$0xFFFFFFC0]  }
0x34: {  	s1 =	simm.s32 $0x0;
	v3 =	vld [tilespmem:s13+$0x40]  }
0x35: {  	v4 =	vld [tilespmem:s1+$0x82A0]  }
0x36: {  	v5 =	vld [tilespmem:s0+$0xFFFFFF90]  }
0x37: {  	v6 =	vld [tilespmem:s13+$0xFFFFFFD0]  }
0x38: {  	v7 =	vld [tilespmem:s0+$0xFFFFFFA0]  }
0x39: {  	v8 =	vld [tilespmem:s13+$0xFFFFFFE0]  }
0x3a: {  	v3 =	vmul.f32 v4, v3;
	v1 =	vmul.f32 v1, v2;
	v2 =	vld [tilespmem:s0+$0xFFFFFFB0]  }
0x3b: {  	v4 =	vld [tilespmem:s13+$0xFFFFFFF0]  }
0x3c: {  	v60 =	vld [tilespmem:s13+$0x0];
	v1 =	vadd.f32 v1, v3;
	v3 =	vmul.f32 v5, v6  }
0x3d: {  	v5 =	vld [tilespmem:s0+$0xFFFFFFC0]  }
0x3e: {  	v61 =	vld [tilespmem:s0+$0xFFFFFFD0];
	v1 =	vadd.f32 v3, v1;
	v3 =	vmul.f32 v7, v8  }
0x3f: {  	v62 =	vld [tilespmem:s13+$0x10]  }
0x40: {  	v2 =	vmul.f32 v2, v4;
	v4 =	vld [tilespmem:s13+$0x20];
	v1 =	vadd.f32 v3, v1  }
0x41: {  	v3 =	vld [tilespmem:s0+$0xFFFFFFE0]  }
0x42: {  	v63 =	vld [tilespmem:s13+$0x30];
	v1 =	vadd.f32 v2, v1;
	v2 =	vmul.f32 v5, v60  }
0x43: {  	v5 =	vld [tilespmem:s0+$0xFFFFFFF0]  }
0x44: {  	v1 =	vadd.f32 v2, v1;
	v2 =	vmul.f32 v61, v62;
	_ =	sdelay $0x1  }
0x45: {  	v1 =	vadd.f32 v2, v1;
	v2 =	vmul.f32 v3, v4;
	_ =	sdelay $0x1  }
0x46: {  	v1 =	vadd.f32 v2, v1;
	v2 =	vmul.f32 v5, v63;
	_ =	sdelay $0x1  }
0x47: {  	v1 =	vadd.f32 v2, v1;
	_ =	sdelay $0x1  }
0x48: {  	(xrf2) =	vadd.scan.msk.f32 $0xffff, v1;
	_ =	sdelay $0x9  }
0x49: {  	v1, _, _ =	vpop (xrf2)  }
0x4a: {  	(v2sf) =	vpush v1, $0xF;
	_ =	sdelay $0xe  }
0x4b: {  	s13 =	spop (v2sf)  }
0x4c: {  	s9 =	smul.f32 $8.838834610e-02, s13;
	_ =	sdelay $0x1  }
0x4d: {  	v1 =	vmov s9  }
0x4e: {  	v1 =	vmul.f32 $1.442695020e+00, v1;
	_ =	sdelay $0x1  }
0x4f: {  	v1 =	vbroadcast v1, $0x0;
	_ =	sdelay $0x1  }
0x50: {  	(erf) = vpow2.f32 v1;
	_ =	sdelay $0x4  }
0x51: {  	v1 =	vld [tilespmem:s0+$0x0];
	_ =	sdelay $0x3  }
0x52: {  	v2 =	vpop (erf)  }
0x53: {  	v1 =	vmul.f32 v2, v1  }
0x54: {  	s29 =	simm.s32 $0x87E0  }
0x55: {  	[tilespmem:s29+$0xFFFFFFC0] =	vst v1  }
0x56: {  	v1 =	vld [tilespmem:s0+$0x10];
	_ =	sdelay $0x4  }
0x57: {  	v1 =	vmul.f32 v2, v1;
	_ =	sdelay $0x1  }
0x58: {  	[tilespmem:s29+$0xFFFFFFD0] =	vst v1  }
0x59: {  	v1 =	vld [tilespmem:s0+$0x20];
	_ =	sdelay $0x4  }
0x5a: {  	v1 =	vmul.f32 v2, v1;
	_ =	sdelay $0x1  }
0x5b: {  	[tilespmem:s29+$0xFFFFFFE0] =	vst v1  }
0x5c: {  	v1 =	vld [tilespmem:s0+$0x30];
	_ =	sdelay $0x4  }
0x5d: {  	v1 =	vmul.f32 v2, v1;
	_ =	sdelay $0x1  }
0x5e: {  	[tilespmem:s29+$0xFFFFFFF0] =	vst v1  }
0x5f: {  	v1 =	vld [tilespmem:s0+$0x40];
	_ =	sdelay $0x4  }
0x60: {  	v1 =	vmul.f32 v2, v1;
	_ =	sdelay $0x1  }
0x61: {  	[tilespmem:s29+$0x0] =	vst v1  }
0x62: {  	v1 =	vld [tilespmem:s0+$0x50];
	_ =	sdelay $0x4  }
0x63: {  	v1 =	vmul.f32 v1, v2;
	_ =	sdelay $0x1  }
0x64: {  	[tilespmem:s29+$0x10] =	vst v1  }
0x65: {  	v1 =	vld [tilespmem:s0+$0x60];
	_ =	sdelay $0x4  }
0x66: {  	v1 =	vmul.f32 v1, v2;
	_ =	sdelay $0x1  }
0x67: {  	[tilespmem:s29+$0x20] =	vst v1  }
0x68: {  	v1 =	vld [tilespmem:s0+$0x70];
	_ =	sdelay $0x4  }
0x69: {  	v1 =	vmul.f32 v1, v2;
	_ =	sdelay $0x1  }
0x6a: {  	[tilespmem:s29+$0x30] =	vst v1  }
0x6b: {  	v1 =	vld [tilespmem:s1+$0x82A0];
	_ =	sdelay $0x3  }
0x6c: {  	v3 =	vmul.f32 v0, v2  }
0x6d: {  	s30 =	simm.s32 $0xAFB0;
	v1 =	vmul.f32 v1, v2  }
0x6e: {  	[tilespmem:s30+$0x0] =	vst v3  }
0x6f: {  	s31 =	simm.s32 $0x3420;
	[tilespmem:s30+$0xFFFFFFF0] =	vst v1  }
0x70: {  	s1 =	simm.s32 $0x180;
	v1 =	vld [tilespmem:s31+$0xFFFFFF80]  }
0x71: {  	v2 =	vld [tilespmem:s1+$0xFFFFFFC0]  }
0x72: {  	s9 =	simm.s32 $0x80;
	s0 =	simm.s32 $0x10;
	v3 =	vld [tilespmem:s1+$0x40]  }
.LBB2_3:
0x73: {  	p0 =	sne.s32 s9, $0x13C0;
	v4 =	vld [tilespmem:s0+$0x82A0]  }
0x74: {  	v5 =	vld [tilespmem:s31+$0xFFFFFF90]  }
0x75: {  	v6 =	vld [tilespmem:s1+$0xFFFFFFD0]  }
0x76: {  	v7 =	vld [tilespmem:s31+$0xFFFFFFA0]  }
0x77: {  	v8 =	vld [tilespmem:s1+$0xFFFFFFE0]  }
0x78: {  	v1 =	vmul.f32 v1, v2;
	v3 =	vmul.f32 v4, v3;
	v2 =	vld [tilespmem:s31+$0xFFFFFFB0]  }
0x79: {  	v4 =	vld [tilespmem:s1+$0xFFFFFFF0]  }
0x7a: {  	v1 =	vadd.f32 v1, v3;
	v3 =	vmul.f32 v5, v6;
	v5 =	vld [tilespmem:s31+$0xFFFFFFC0]  }
0x7b: {  	v6 =	vld [tilespmem:s1+$0x0]  }
0x7c: {  	v1 =	vadd.f32 v3, v1;
	v3 =	vmul.f32 v7, v8;
	v7 =	vld [tilespmem:s31+$0xFFFFFFD0]  }
0x7d: {  	v8 =	vld [tilespmem:s1+$0x10]  }
0x7e: {  	v1 =	vadd.f32 v3, v1;
	v2 =	vmul.f32 v2, v4;
	v3 =	vld [tilespmem:s31+$0xFFFFFFE0]  }
0x7f: {  	v4 =	vld [tilespmem:s1+$0x20]  }
0x80: {  	v1 =	vadd.f32 v2, v1;
	v2 =	vmul.f32 v5, v6;
	v5 =	vld [tilespmem:s31+$0xFFFFFFF0]  }
0x81: {  	v6 =	vld [tilespmem:s1+$0x30]  }
0x82: {  	v1 =	vadd.f32 v2, v1;
	v2 =	vmul.f32 v7, v8;
	_ =	sdelay $0x1  }
0x83: {  	v1 =	vadd.f32 v2, v1;
	v2 =	vmul.f32 v3, v4;
	_ =	sdelay $0x1  }
0x84: {  	v1 =	vadd.f32 v2, v1;
	v2 =	vmul.f32 v5, v6;
	_ =	sdelay $0x1  }
0x85: {  	v1 =	vadd.f32 v2, v1;
	_ =	sdelay $0x1  }
0x86: {  	(xrf2) =	vadd.scan.msk.f32 $0xffff, v1;
	_ =	sdelay $0x9  }
0x87: {  	v1, _, _ =	vpop (xrf2)  }
0x88: {  	(v2sf) =	vpush v1, $0xF;
	_ =	sdelay $0xe  }
0x89: {  	s13 =	spop (v2sf)  }
0x8a: {  	s13 =	smul.f32 $8.838834610e-02, s13;
	_ =	sdelay $0x1  }
0x8b: {  	v1 =	vmov s13  }
0x8c: {  	v1 =	vmul.f32 $1.442695020e+00, v1;
	_ =	sdelay $0x1  }
0x8d: {  	v1 =	vbroadcast v1, $0x0;
	_ =	sdelay $0x1  }
0x8e: {  	(erf) = vpow2.f32 v1;
	_ =	sdelay $0x4  }
0x8f: {  	v1 =	vld [tilespmem:s31+$0x0];
	_ =	sdelay $0x3  }
0x90: {  	v2 =	vpop (erf)  }
0x91: {  	v1 =	vmul.f32 v2, v1;
	v3 =	vmul.f32 v0, v2  }
0x92: {  	s29 =	sadd.s32 $0x80, s29  }
0x93: {  	[tilespmem:s29+$0xFFFFFFC0] =	vst v1  }
0x94: {  	v1 =	vld [tilespmem:s31+$0x10];
	_ =	sdelay $0x4  }
0x95: {  	v1 =	vmul.f32 v2, v1;
	_ =	sdelay $0x1  }
0x96: {  	[tilespmem:s29+$0xFFFFFFD0] =	vst v1  }
0x97: {  	v1 =	vld [tilespmem:s31+$0x20];
	_ =	sdelay $0x4  }
0x98: {  	v1 =	vmul.f32 v2, v1;
	_ =	sdelay $0x1  }
0x99: {  	[tilespmem:s29+$0xFFFFFFE0] =	vst v1  }
0x9a: {  	v1 =	vld [tilespmem:s31+$0x30];
	_ =	sdelay $0x4  }
0x9b: {  	v1 =	vmul.f32 v2, v1;
	_ =	sdelay $0x1  }
0x9c: {  	[tilespmem:s29+$0xFFFFFFF0] =	vst v1  }
0x9d: {  	v1 =	vld [tilespmem:s31+$0x40];
	_ =	sdelay $0x4  }
0x9e: {  	v1 =	vmul.f32 v2, v1;
	_ =	sdelay $0x1  }
0x9f: {  	[tilespmem:s29+$0x0] =	vst v1  }
0xa0: {  	v1 =	vld [tilespmem:s31+$0x50];
	_ =	sdelay $0x4  }
0xa1: {  	v1 =	vmul.f32 v1, v2;
	_ =	sdelay $0x1  }
0xa2: {  	[tilespmem:s29+$0x10] =	vst v1  }
0xa3: {  	v1 =	vld [tilespmem:s31+$0x60];
	_ =	sdelay $0x4  }
0xa4: {  	v1 =	vmul.f32 v1, v2;
	_ =	sdelay $0x1  }
0xa5: {  	[tilespmem:s29+$0x20] =	vst v1  }
0xa6: {  	v1 =	vld [tilespmem:s31+$0x70];
	_ =	sdelay $0x4  }
0xa7: {  	v1 =	vmul.f32 v1, v2;
	_ =	sdelay $0x1  }
0xa8: {  	s30 =	sadd.s32 $0x20, s30;
	[tilespmem:s29+$0x30] =	vst v1  }
0xa9: {  	v1 =	vld [tilespmem:s0+$0x82A0];
	[tilespmem:s30+$0x0] =	vst v3;
	_ =	sdelay $0x4  }
0xaa: {  	v1 =	vmul.f32 v1, v2  }
.Ltmp0:
0xab: {  	(pc) =	sbr.rel @p0 .LBB2_3-.Ltmp0, $4  }
0xac: {  	s31 =	sadd.s32 $0x100, s31;
	[tilespmem:s30+$0xFFFFFFF0] =	vst v1  }
0xad: {  	s1 =	sadd.s32 $0xA0, s1;
	v1 =	vld [tilespmem:s31+$0xFFFFFF80]  }
0xae: {  	v2 =	vld [tilespmem:s1+$0xFFFFFFC0]  }
0xaf: {  	s0 =	sshra.s32 s9, $0x2;
	s9 =	sadd.s32 $0x40, s9;
	v3 =	vld [tilespmem:s1+$0x40]  }
0xb0: {  	v4 =	vld [tilespmem:s0+$0x82A0]  }
0xb1: {  	v5 =	vld [tilespmem:s31+$0xFFFFFF90]  }
0xb2: {  	v6 =	vld [tilespmem:s1+$0xFFFFFFD0]  }
0xb3: {  	v7 =	vld [tilespmem:s31+$0xFFFFFFA0]  }
0xb4: {  	v8 =	vld [tilespmem:s1+$0xFFFFFFE0]  }
0xb5: {  	v56 =	vld [tilespmem:s1+$0xFFFFFFF0];
	v1 =	vmul.f32 v1, v2;
	v3 =	vmul.f32 v4, v3  }
0xb6: {  	v2 =	vld [tilespmem:s31+$0xFFFFFFB0]  }
0xb7: {  	v57 =	vld [tilespmem:s31+$0xFFFFFFC0];
	v1 =	vadd.f32 v1, v3;
	v3 =	vmul.f32 v5, v6  }
0xb8: {  	v58 =	vld [tilespmem:s1+$0x0]  }
0xb9: {  	v59 =	vld [tilespmem:s31+$0xFFFFFFD0];
	v1 =	vadd.f32 v3, v1;
	v3 =	vmul.f32 v7, v8  }
0xba: {  	v60 =	vld [tilespmem:s1+$0x10]  }
0xbb: {  	v61 =	vld [tilespmem:s1+$0x20];
	v2 =	vmul.f32 v2, v56;
	v1 =	vadd.f32 v3, v1  }
0xbc: {  	v3 =	vld [tilespmem:s31+$0xFFFFFFE0]  }
0xbd: {  	v62 =	vld [tilespmem:s31+$0xFFFFFFF0];
	v1 =	vadd.f32 v2, v1;
	v2 =	vmul.f32 v57, v58  }
0xbe: {  	v63 =	vld [tilespmem:s1+$0x30]  }
0xbf: {  	v1 =	vadd.f32 v2, v1;
	v2 =	vmul.f32 v59, v60;
	_ =	sdelay $0x1  }
0xc0: {  	v1 =	vadd.f32 v2, v1;
	v2 =	vmul.f32 v3, v61;
	_ =	sdelay $0x1  }
0xc1: {  	v1 =	vadd.f32 v2, v1;
	v2 =	vmul.f32 v62, v63;
	_ =	sdelay $0x1  }
0xc2: {  	v1 =	vadd.f32 v2, v1;
	_ =	sdelay $0x1  }
0xc3: {  	(xrf2) =	vadd.scan.msk.f32 $0xffff, v1;
	_ =	sdelay $0x9  }
0xc4: {  	v1, _, _ =	vpop (xrf2)  }
0xc5: {  	(v2sf) =	vpush v1, $0xF;
	_ =	sdelay $0xe  }
0xc6: {  	s13 =	spop (v2sf)  }
0xc7: {  	s1 =	smul.f32 $8.838834610e-02, s13;
	_ =	sdelay $0x1  }
0xc8: {  	v1 =	vmov s1  }
0xc9: {  	v1 =	vmul.f32 $1.442695020e+00, v1;
	_ =	sdelay $0x1  }
0xca: {  	v1 =	vbroadcast v1, $0x0;
	_ =	sdelay $0x1  }
0xcb: {  	(erf) = vpow2.f32 v1;
	_ =	sdelay $0x4  }
0xcc: {  	v1 =	vld [tilespmem:s31+$0x0];
	_ =	sdelay $0x3  }
0xcd: {  	v2 =	vpop (erf)  }
0xce: {  	v1 =	vmul.f32 v2, v1  }
0xcf: {  	s29 =	sadd.s32 $0x80, s29  }
0xd0: {  	[tilespmem:s29+$0xFFFFFFC0] =	vst v1  }
0xd1: {  	v1 =	vld [tilespmem:s31+$0x10];
	_ =	sdelay $0x4  }
0xd2: {  	v1 =	vmul.f32 v2, v1;
	_ =	sdelay $0x1  }
0xd3: {  	[tilespmem:s29+$0xFFFFFFD0] =	vst v1  }
0xd4: {  	v1 =	vld [tilespmem:s31+$0x20];
	_ =	sdelay $0x4  }
0xd5: {  	v1 =	vmul.f32 v2, v1;
	_ =	sdelay $0x1  }
0xd6: {  	[tilespmem:s29+$0xFFFFFFE0] =	vst v1  }
0xd7: {  	v1 =	vld [tilespmem:s31+$0x30];
	_ =	sdelay $0x4  }
0xd8: {  	v1 =	vmul.f32 v2, v1;
	_ =	sdelay $0x1  }
0xd9: {  	[tilespmem:s29+$0xFFFFFFF0] =	vst v1  }
0xda: {  	v1 =	vld [tilespmem:s31+$0x40];
	_ =	sdelay $0x4  }
0xdb: {  	v1 =	vmul.f32 v2, v1;
	_ =	sdelay $0x1  }
0xdc: {  	[tilespmem:s29+$0x0] =	vst v1  }
0xdd: {  	v1 =	vld [tilespmem:s31+$0x50];
	_ =	sdelay $0x4  }
0xde: {  	v1 =	vmul.f32 v1, v2;
	_ =	sdelay $0x1  }
0xdf: {  	[tilespmem:s29+$0x10] =	vst v1  }
0xe0: {  	v1 =	vld [tilespmem:s31+$0x60];
	_ =	sdelay $0x4  }
0xe1: {  	v1 =	vmul.f32 v1, v2;
	_ =	sdelay $0x1  }
0xe2: {  	[tilespmem:s29+$0x20] =	vst v1  }
0xe3: {  	v1 =	vld [tilespmem:s31+$0x70];
	_ =	sdelay $0x4  }
0xe4: {  	v1 =	vmul.f32 v1, v2;
	_ =	sdelay $0x1  }
0xe5: {  	[tilespmem:s29+$0x30] =	vst v1  }
0xe6: {  	v1 =	vld [tilespmem:s0+$0x82A0];
	_ =	sdelay $0x3  }
0xe7: {  	v3 =	vmul.f32 v0, v2  }
0xe8: {  	s30 =	sadd.s32 $0x20, s30;
	v1 =	vmul.f32 v1, v2  }
0xe9: {  	[tilespmem:s30+$0x0] =	vst v3  }
0xea: {  	[tilespmem:s30+$0xFFFFFFF0] =	vst v1  }
0xeb: {  	[spmem:s3] =	stream.indirect.scatter.add.f32 [tilespmem:s23], [sflag:$0x3], $0x80, s17, s17, $0xb8;
	[tilespmem:$0x1F9A0] =	vst v63  }
0xec: {  	s26 =	sadd.s32 $0x1, s26;
	_ =	swait.ge [sflag:s16], $0x2800  }
0xed: {  	p0 =	sne.s32 s26, $0x7D;
	s31 =	sshll.u32 s28, $0x2;
	[sflag:s16] =	ssyncset.done $0x0  }
.Ltmp1:
0xee: {  	s0 =	sadd.s32 s10, s31;
	[sflag:s16] =	ssyncadd.s32 $0xFFFFD800;
	(pc) =	sbr.rel @p0 .LBB2_2-.Ltmp1, $4  }
0xef: {  	[hbm4b:s0+s4] =	stream.linear.scatter [tilespmem:s24], [sflag:$0x3], $0xA00, $0x38;
	[tilespmem:$0x1F9A0] =	vst v63  }
0xf0: {  	_ =	swait.ge [sflag:s16], $0xA00  }
0xf1: {  	[sflag:s16] =	ssyncset.done $0x0  }
0xf2: {  	[sflag:s16] =	ssyncadd.s32 $0xFFFFF600  }
0xf3: {  	s25 =	sadd.s32 $0x1, s25  }
0xf4: {  	[bflag:$0x0] =	sbarrier.arrive $0xFFFF;
	p0 =	sne.s32 s25, s14  }
.Ltmp2:
0xf5: {  	s0 =	rddreg [dreg:$0x5];
	(pc) =	sbr.rel @p0 .LBB2_1-.Ltmp2, $4  }
0xf6: {  	[hbm:s0], [sflag:s11] =	dma.local [spmem:s15], $0x2800  }
0xf7: {  	_ =	swait.ge [sflag:s16], $0x2800  }
0xf8: {  	[sflag:s16] =	ssyncset.done $0x0  }
0xf9: {  	[sflag:s16] =	ssyncadd.s32 $0xFFFFD800  }
0xfa: {  	_ =	sfence.sel $0x180000  }
0xfb: {  	[bflag:$0x0] =	sbarrier.arrive $0xFFFF  }
0xfc: {  	_ =	strace $0x90000047  }
0xfd: {  	s0 =	stileid.u32;
	[bflag:$0x2] =	sbarrier.arrive $0xFFFF  }
0xfe: {  	p0 =	sne.s32 s0, $0x0;
	s0 =	rddreg [dreg:$0x3]  }
0xff: {  	s0 =	sadd.s32 @!p0 $0x100000, s0  }
0x100: {  	[sflag:s0] =	ssyncadd.tile.s32 @!p0 $0x1;
	_ =	shalt  }
.Lfunc_end2:
_tile_overlayer_lowered:
.L_overlay_start_2:
0x101: {  	(tag) =	ssettag $0x2  }
0x102: {  	s0 =	rddreg [dreg:$0x0];
	s2 =	stileid.u32  }
0x103: {  	s1 =	rddreg [dreg:$0x1];
	p0 =	sne.s32 s2, $0x0  }
0x104: {  	s3 =	rddreg [dreg:$0x2];
	[bflag:$0x3] =	sbarrier.arrive $0xFFFF;
	s2 =	simm.s32 @!p0 $0x1C03  }
0x105: {  	[timem:s3], [sflag:s2] =	dma.local @!p0 [hbm:s0], s1  }
0x106: {  	s0 =	simm.s32 @!p0 $0x3  }
0x107: {  	_ =	swait.ge @!p0 [sflag:s0], s1  }
0x108: {  	s1 =	ssub.s32 @!p0 $0x0, s1;
	[sflag:s0] =	ssyncset.done @!p0 $0x0  }
0x109: {  	[sflag:s0] =	ssyncadd.s32 @!p0 s1  }
0x10a: {  	[bflag:$0x3] =	sbarrier.arrive $0xFFFF  }
0x10b: {  	_ =	shalt  }

// kernel: kernel.20.cloned.1.call-start
scs
__scs_entry_jumppad:
0x0: {  	(pc) =	sbr.rel $0x88, $3  }
0x1: {  	(tag) =	ssettag $0x0;
	lr =	simm.s32 $0x1  }
0x2: {  	[smem:$0x3F8E] =	sst lr;
	_ =	strace $0xD0000000  }
0x3: {  	_ = 	snop  }
0x4: {  	_ = 	snop  }
0x5: {  	_ = 	snop  }
0x6: {  	_ = 	snop  }
0x7: {  	_ = 	snop  }
__scs_overlays_trampoline_lowered:
0x8: {  	[smem:$0x3F9D] =	sst s0  }
0x9: {  	[smem:$0x3F9E] =	sst s1  }
0xa: {  	[smem:$0x3F9F] =	sst s2  }
0xb: {  	[smem:$0x3FA0] =	sst s3  }
0xc: {  	[smem:$0x3FA1] =	sst s4  }
0xd: {  	[smem:$0x3FA2] =	sst s5  }
0xe: {  	[smem:$0x3FA3] =	sst s6  }
0xf: {  	[smem:$0x3FA4] =	sst s7  }
0x10: {  	[smem:$0x3FA5] =	sst s8  }
0x11: {  	[smem:$0x3FA6] =	sst s9;
	s0 =	simm.s32 @!p0 $0x0  }
0x12: {  	s1 =	sld [smem:$0x3F8C];
	s0 =	simm.s32 @p0 $0x1  }
0x13: {  	[smem:$0x3FA7] =	sst s0;
	s0 =	simm.s32 @!p1 $0x0  }
0x14: {  	s2 =	sld [smem:$0x3F8B];
	s0 =	simm.s32 @p1 $0x1  }
0x15: {  	[smem:$0x3FA8] =	sst s0;
	s0 =	simm.s32 @!p2 $0x0  }
0x16: {  	s3 =	sld [smem:$0x3FDB];
	s0 =	simm.s32 @p2 $0x1  }
0x17: {  	s4 =	simm.s32 $0x1BF5;
	[smem:$0x3FAA] =	sst s0  }
0x18: {  	s0 =	sld [smem:$0x3F8D];
	_ =	swait.ge [sflag:s4], $0x0  }
0x19: {  	s7 =	sld [smem:$0x3F8E]  }
0x1a: {  	s8 =	sadd.s32 $0xFFFFE003, lr  }
0x1b: {  	s9 =	sadd.s32 $0xFFFFFEF7, lr;
	s5 =	simm.s32 $0xFFFFFFFF;
	p2 =	slt.u32 s8, $0xFFFFF086  }
0x1c: {  	p1 =	slt.u32 s9, $0xF7A;
	s5 =	simm.s32 @!p2 $0x0  }
0x1d: {  	s5 =	simm.s32 @p1 $0x1;
	p0 =	seq.s32 s7, s2  }
0x1e: {  	s7 =	smul.u32 @!p0 $0xF7A, s2;
	p2 =	seq.s32 @!p0 s5, $0x0  }
0x1f: {  	s9 =	smul.u32 $0xF7A, s1;
	s8 =	simm.s32 @!p0 $0x1BF5;
	p2 =	por !p2, p0  }
0x20: {  	[sflag:s8] =	ssyncset.s32 @!p0 $0xFFFFF086;
	s6 =	sadd.s32 @!p0 s3, s7;
	s7 =	simm.s32 @!p0 $0x108  }
0x21: {  	s3 =	sadd.s32 s3, s9;
	s6 =	sadd.s32 @!p0 $0x88, s6;
	s7 =	simm.s32 @p2 $0x1082  }
0x22: {  	[simem:s7], [sflag:s8] =	dma.local @!p0 [hbm:s6], $0xF7A  }
0x23: {  	s9 =	sor.u32 $0xD0000000, s2;
	s6 =	simm.s32 $0x108;
	_ =	swait.ge @!p0 [sflag:s8], $0x0  }
0x24: {  	s3 =	sadd.s32 $0x88, s3;
	s6 =	simm.s32 @!p1 $0x1082;
	[sflag:s4] =	ssyncset.s32 $0xFFFFF086  }
0x25: {  	[simem:s6], [sflag:s4] =	dma.local [hbm:s3], $0xF7A  }
0x26: {  	[smem:$0x3F8E] =	sst s1;
	(tag) =	ssettag s2;
	_ =	strace s9  }
0x27: {  	s1 =	sld [smem:$0x3F9E]  }
0x28: {  	s2 =	sld [smem:$0x3F9F]  }
0x29: {  	s4 =	sld [smem:$0x3FA1]  }
0x2a: {  	p0 =	seq.s32 s5, $0x0;
	s5 =	sld [smem:$0x3FA2]  }
0x2b: {  	s6 =	sld [smem:$0x3FA3]  }
0x2c: {  	s7 =	sld [smem:$0x3FA4]  }
0x2d: {  	s3 =	simm.s32 $0x108;
	s8 =	sld [smem:$0x3FA5]  }
0x2e: {  	s3 =	simm.s32 @!p0 $0x1082;
	s9 =	sld [smem:$0x3FA6]  }
0x2f: {  	lr =	sadd.s32 s0, s3;
	s0 =	sld [smem:$0x3F9D]  }
0x30: {  	s3 =	sld [smem:$0x3FA0]  }
0x31: {  	[smem:$0x3FA9] =	sst s10  }
0x32: {  	s10 =	sld [smem:$0x3FA7];
	_ =	sdelay $0x3  }
0x33: {  	p0 =	seq.s32 s10, $0x1;
	s10 =	sld [smem:$0x3FA9];
	_ =	sdelay $0x3  }
0x34: {  	[smem:$0x3FA9] =	sst s10  }
0x35: {  	s10 =	sld [smem:$0x3FA8];
	_ =	sdelay $0x3  }
0x36: {  	p1 =	seq.s32 s10, $0x1;
	s10 =	sld [smem:$0x3FA9];
	_ =	sdelay $0x3  }
0x37: {  	[smem:$0x3FA9] =	sst s10  }
0x38: {  	s10 =	sld [smem:$0x3FAA]  }
0x39: {  	_ = 	snop;
	(pc) =	sbr.ind lr, $3  }
0x3a: {  	_ = 	snop  }
0x3b: {  	_ = 	snop  }
0x3c: {  	p2 =	seq.s32 s10, $0x1;
	s10 =	sld [smem:$0x3FA9]  }
0x3d: {  	_ =	shalt  }
0x3e: {  	_ =	shalt  }
0x3f: {  	_ =	shalt  }
0x40: {  	_ =	shalt  }
0x41: {  	_ =	shalt  }
0x42: {  	_ =	shalt  }
0x43: {  	_ =	shalt  }
0x44: {  	_ =	shalt  }
0x45: {  	_ =	shalt  }
0x46: {  	_ =	shalt  }
0x47: {  	_ =	shalt  }
0x48: {  	_ =	shalt  }
0x49: {  	_ =	shalt  }
0x4a: {  	_ =	shalt  }
0x4b: {  	_ =	shalt  }
0x4c: {  	_ =	shalt  }
0x4d: {  	_ =	shalt  }
0x4e: {  	_ =	shalt  }
0x4f: {  	_ =	shalt  }
0x50: {  	_ =	shalt  }
0x51: {  	_ =	shalt  }
0x52: {  	_ =	shalt  }
0x53: {  	_ =	shalt  }
0x54: {  	_ =	shalt  }
0x55: {  	_ =	shalt  }
0x56: {  	_ =	shalt  }
0x57: {  	_ =	shalt  }
0x58: {  	_ =	shalt  }
0x59: {  	_ =	shalt  }
0x5a: {  	_ =	shalt  }
0x5b: {  	_ =	shalt  }
0x5c: {  	_ =	shalt  }
0x5d: {  	_ =	shalt  }
0x5e: {  	_ =	shalt  }
0x5f: {  	_ =	shalt  }
0x60: {  	_ =	shalt  }
0x61: {  	_ =	shalt  }
0x62: {  	_ =	shalt  }
0x63: {  	_ =	shalt  }
0x64: {  	_ =	shalt  }
0x65: {  	_ =	shalt  }
0x66: {  	_ =	shalt  }
0x67: {  	_ =	shalt  }
0x68: {  	_ =	shalt  }
0x69: {  	_ =	shalt  }
0x6a: {  	_ =	shalt  }
0x6b: {  	_ =	shalt  }
0x6c: {  	_ =	shalt  }
0x6d: {  	_ =	shalt  }
0x6e: {  	_ =	shalt  }
0x6f: {  	_ =	shalt  }
0x70: {  	_ =	shalt  }
0x71: {  	_ =	shalt  }
0x72: {  	_ =	shalt  }
0x73: {  	_ =	shalt  }
0x74: {  	_ =	shalt  }
0x75: {  	_ =	shalt  }
0x76: {  	_ =	shalt  }
0x77: {  	_ =	shalt  }
0x78: {  	_ =	shalt  }
0x79: {  	_ =	shalt  }
0x7a: {  	_ =	shalt  }
0x7b: {  	_ =	shalt  }
0x7c: {  	_ =	shalt  }
0x7d: {  	_ =	shalt  }
0x7e: {  	_ =	shalt  }
0x7f: {  	_ =	shalt  }
0x80: {  	_ =	shalt  }
0x81: {  	_ =	shalt  }
0x82: {  	_ =	shalt  }
0x83: {  	_ =	shalt  }
0x84: {  	_ =	shalt  }
0x85: {  	_ =	shalt  }
0x86: {  	_ =	shalt  }
0x87: {  	_ =	shalt  }
.Lfunc_end0:
.L_simem_size_0:
called_computation.1_lowered:
.L_overlay_start_0:
0x88: {  	s2 =	sld [smem:$0x3FD9]  }
0x89: {  	s3 =	sld [smem:$0x3FFE];
	_ =	sdelay $0x1  }
0x8a: {  	s1 =	srdreg.scid  }
0x8b: {  	s0 =	sand.u32 $0x1, s1  }
0x8c: {  	s17 =	sshll.u32 s0, $0xA;
	s2 =	sadd.s32 s3, s2  }
0x8d: {  	s2 =	sadd.s32 s2, s17  }
0x8e: {  	[smem:$0x3FB5] =	sst s2  }
0x8f: {  	_ = 	snop  }
0x90: {  	s2 =	sld [smem:$0x3FD0];
	(tm) =	ssettm $0x1  }
0x91: {  	s18 =	sld [smem:$0x3FFB];
	_ =	sdelay $0x3  }
0x92: {  	_ =	strace s18  }
0x93: {  	s3 =	sld [smem:$0x3FFC];
	_ =	sdelay $0x3  }
0x94: {  	_ =	strace s3  }
0x95: {  	s3 =	sld [smem:$0x3FFD];
	_ =	sdelay $0x3  }
0x96: {  	_ =	strace s3  }
0x97: {  	_ =	strace $0x8FFFFFFF  }
0x98: {  	s19 =	sld [smem:$0x3FDB];
	_ =	sdelay $0x1  }
0x99: {  	s4 =	simm.s32 $_scs_section_size  }
0x9a: {  	s5 =	simm.s32 $_size__tile_overlayer_lowered;
	s6 =	simm.s32 $_tile_overlayer_lowered  }
0x9b: {  	s22 =	simm.s32 $0x1BFF;
	s21 =	sshll.u32 s6, $0x1;
	s3 =	sadd.s32 s4, s19  }
0x9c: {  	s7 =	simm.s32 $0x0;
	s20 =	sshll.u32 s5, $0x1;
	s5 =	sadd.s32 s21, s3  }
0x9d: {  	[timem:s7], [sflag:s22] =	dma.local [hbm:s5], s20  }
0x9e: {  	_ =	swait.ge [sflag:s22], s20  }
0x9f: {  	s4 =	ssub.s32 $0x0, s20;
	[sflag:s22] =	ssyncset.done $0x0  }
0xa0: {  	[sflag:s22] =	ssyncadd.s32 s4;
	_ =	sdelay $0x1  }
0xa1: {  	s23 =	simm.s32 $0x1B8B  }
0xa2: {  	_ =	swait.ge [sflag:s23], $0x1  }
0xa3: {  	[sflag:s23] =	ssyncset.done $0x0  }
0xa4: {  	s25 =	simm.s32 $0x1B8E;
	s24 =	sld [smem:$0x3FFE];
	[sflag:s23] =	ssyncadd.s32 $0xFFFFFFFF  }
0xa5: {  	s26 =	simm.s32 $execute0_lowered;
	[smem:$0x3FD2] =	sst s25  }
0xa6: {  	s5 =	sshll.u32 s26, $0x1;
	_ =	strace $0x80000049;
	[dreg:$0x1] =	wrdreg $0xFFFFFFFF  }
0xa7: {  	s28 =	simm.s32 $_size_execute0_lowered;
	s3 =	sadd.s32 s3, s5;
	[dreg:$0x0] =	wrdreg $0x0  }
0xa8: {  	s5 =	sshll.u32 s28, $0x1;
	[dreg:$0x2] =	wrdreg s3  }
0xa9: {  	[dreg:$0x3] =	wrdreg s5  }
0xaa: {  	[dreg:$0x4] =	wrdreg $0xC0  }
0xab: {  	_ =	task [dreg:s7], $0x5FFFF  }
0xac: {  	[dreg:$0x1] =	wrdreg $0xFFFFFFFF  }
0xad: {  	[dreg:$0x0] =	wrdreg $0x60  }
0xae: {  	[dreg:$0x2] =	wrdreg s24  }
0xaf: {  	[dreg:$0x3] =	wrdreg s2  }
0xb0: {  	[dreg:$0x4] =	wrdreg $0xA500  }
0xb1: {  	[dreg:$0x5] =	wrdreg $0x9  }
0xb2: {  	_ =	task.clear_ibuf [dreg:s7], $0x6FFFF;
	_ =	strace $0x90000049  }
0xb3: {  	s29 =	simm.s32 $0x9;
	_ =	strace $0x8000004B  }
0xb4: {  	_ =	swait.ge [sflag:s29], $0x1  }
0xb5: {  	[sflag:s29] =	ssyncadd.s32 $0xFFFFFFFF  }
0xb6: {  	_ =	strace $0x9000004B  }
0xb7: {  	_ =	sfence  }
0xb8: {  	s30 =	sld [smem:$0x0];
	_ =	sdelay $0x2  }
0xb9: {  	s31 =	sshll.u32 s1, $0xD;
	s1 =	sshrl.u32 s1, $0x2  }
0xba: {  	s3 =	sand.u32 $0x4000, s31;
	s1 =	sadd.s32 s1, s30  }
0xbb: {  	s0 =	sor.u32 s3, s0;
	s1 =	sshll.u32 s1, $0x11  }
0xbc: {  	s0 =	sor.u32 s1, s0  }
0xbd: {  	s0 =	sadd.s32 $0x8F2B, s0  }
0xbe: {  	[sflag:s0] =	ssyncadd.remote.s32 $0x1  }
0xbf: {  	_ =	sfence.sel $0xFFFF  }
0xc0: {  	[dreg:$0x0] =	wrdreg $0xFFFFFFFF;
	(pc) =	sbr.abs _section_cstart, $3  }
0xc1: {  	[dreg:$0x1] =	wrdreg $0xFFFFFFFF  }
0xc2: {  	_ =	task.clear_ibuf [dreg:s7], $0x2FFFF;
	_ =	strace $0x9FFFFFFF  }
0xc3: {  	(tm) =	ssettm $0x7FFFFFFF  }
tec
execute0_lowered:
.L_overlay_start_1:
0x0: {  	(tag) =	ssettag $0x1  }
0x1: {  	s5 =	rddreg [dreg:$0x0]  }
0x2: {  	s9 =	rddreg [dreg:$0x1];
	s1 =	stileid.u32  }
0x3: {  	s0 =	srdreg.scid;
	s7 =	smul.u32 $0x5000, s1  }
0x4: {  	s2 =	rddreg [dreg:$0x2];
	s3 =	simm.s32 $0x0;
	s26 =	smul.u32 $0x2710, s1  }
0x5: {  	s6 =	sand.u32 $0x1, s0;
	s0 =	rddreg [dreg:$0x3];
	s14 =	smul.u32 $0x9C40, s1  }
0x6: {  	[smem:$0x7FF] =	sst s3;
	s29 =	sshll.u32 s1, $0x6;
	s4 =	smul.u32 $0x9C400, s6  }
0x7: {  	s8 =	smul.u32 $0x50000, s6;
	_ =	strace $0x8000004A;
	s11 =	ssub.s32 $0x2, s6  }
0x8: {  	s13 =	smul.u32 $0x27100, s6;
	s12 =	sshrl.u32 s11, $0x1;
	s28 =	sadd.s32 s7, s2  }
0x9: {  	s10 =	sadd.s32 s4, s5;
	s4 =	sadd.s32 $0x1BC00, s5;
	s8 =	sadd.s32 s7, s8  }
0xa: {  	s25 =	ssub.s32 s11, s12;
	s11 =	sadd.s32 s26, s13;
	s12 =	simm.s32 $0x50  }
0xb: {  	s13 =	simm.s32 $0x0;
	s8 =	sshrl.u32 s8, $0x3;
	s7 =	smax.u32 s25, $0x1  }
0xc: {  	s30 =	sadd.s32 s14, s10;
	s31 =	sshrl.u32 s11, $0x3;
	s10 =	sshrl.u32 s28, $0x3  }
0xd: {  	s11 =	simm.s32 $0x1;
	s24 =	sadd.s32 s8, s5;
	s5 =	sor.u32 $0x1C01, s29  }
0xe: {  	s8 =	sadd.s32 $0x153A00, s30;
	s9 =	sadd.s32 s31, s9;
	s6 =	sadd.s32 $0x1C600, s24  }
.LBB2_1:
0xf: {  	[spmem:s10], [sflag:s5] =	dma.local [hbm:s4], $0xA00  }
0x10: {  	_ =	swait.ge [sflag:s11], $0xA00  }
0x11: {  	[sflag:s11] =	ssyncset.done $0x0  }
0x12: {  	[sflag:s11] =	ssyncadd.s32 $0xFFFFF600  }
0x13: {  	s14 =	sadd.s32 $0x0, s9;
	[bflag:$0x0] =	sbarrier.arrive $0xFFFF  }
0x14: {  	[tilespmem:s3], [sflag:$0x1] =	stream.linear.gather [hbm4b:s14+s3], $0x50, $0x38;
	[tilespmem:$0x5A50] =	vst v63  }
0x15: {  	_ =	swait.ge [sflag:s11], $0x50  }
0x16: {  	[sflag:s11] =	ssyncset.done $0x0  }
0x17: {  	[sflag:s11] =	ssyncadd.s32 $0xFFFFFFB0  }
0x18: {  	[tilespmem:s12], [sflag:$0x1] =	stream.linear.gather [hbm4b:s8+s3], $0xA00, $0x38;
	[tilespmem:$0x5A50] =	vst v63  }
0x19: {  	_ =	swait.ge [sflag:s11], $0xA00  }
0x1a: {  	[sflag:s11] =	ssyncset.done $0x0  }
0x1b: {  	[sflag:s11] =	ssyncadd.s32 $0xFFFFF600  }
0x1c: {  	[spmem:s2] =	stream.indirect.scatter.add.f32 [tilespmem:s12], [sflag:$0x1], $0x20, s3, s12, $0xb8;
	[tilespmem:$0x5A50] =	vst v63  }
0x1d: {  	s15 =	simm.s32 $0xA;
	_ =	swait.ge [sflag:s11], $0xA00  }
0x1e: {  	s16 =	simm.s32 $0x14;
	s14 =	sadd.s32 $0x140, s8;
	[sflag:s11] =	ssyncset.done $0x0  }
.LBB2_2:
0x1f: {  	s17 =	sadd.s32 s15, s9  }
0x20: {  	[sflag:s11] =	ssyncadd.s32 $0xFFFFF600;
	s15 =	smov.u32 s16;
	s18 =	sadd.s32 $0xA, s16  }
0x21: {  	[tilespmem:s3], [sflag:$0x1] =	stream.linear.gather [hbm4b:s17+s3], $0x50, $0x38;
	[tilespmem:$0x5A50] =	vst v63  }
0x22: {  	p0 =	sne.s32 s16, $0x4D8;
	_ =	swait.ge [sflag:s11], $0x50  }
0x23: {  	[sflag:s11] =	ssyncset.done $0x0  }
0x24: {  	[sflag:s11] =	ssyncadd.s32 $0xFFFFFFB0  }
0x25: {  	[tilespmem:s12], [sflag:$0x1] =	stream.linear.gather [hbm4b:s14+s3], $0xA00, $0x38;
	[tilespmem:$0x5A50] =	vst v63  }
0x26: {  	_ =	swait.ge [sflag:s11], $0xA00  }
.Ltmp0:
0x27: {  	[sflag:s11] =	ssyncset.done $0x0;
	(pc) =	sbr.rel @p0 .LBB2_2-.Ltmp0, $4  }
0x28: {  	[sflag:s11] =	ssyncadd.s32 $0xFFFFF600  }
0x29: {  	[spmem:s2] =	stream.indirect.scatter.add.f32 [tilespmem:s12], [sflag:$0x1], $0x20, s3, s12, $0xb8;
	[tilespmem:$0x5A50] =	vst v63  }
0x2a: {  	_ =	swait.ge [sflag:s11], $0xA00  }
0x2b: {  	s16 =	smov.u32 s18;
	s14 =	sadd.s32 $0x140, s14;
	[sflag:s11] =	ssyncset.done $0x0  }
0x2c: {  	s15 =	sadd.s32 s15, s9;
	[sflag:s11] =	ssyncadd.s32 $0xFFFFF600  }
0x2d: {  	[tilespmem:s3], [sflag:$0x1] =	stream.linear.gather [hbm4b:s15+s3], $0x50, $0x38;
	[tilespmem:$0x5A50] =	vst v63  }
0x2e: {  	_ =	swait.ge [sflag:s11], $0x50  }
0x2f: {  	[sflag:s11] =	ssyncset.done $0x0  }
0x30: {  	[sflag:s11] =	ssyncadd.s32 $0xFFFFFFB0  }
0x31: {  	[tilespmem:s12], [sflag:$0x1] =	stream.linear.gather [hbm4b:s14+s3], $0xA00, $0x38;
	[tilespmem:$0x5A50] =	vst v63  }
0x32: {  	_ =	swait.ge [sflag:s11], $0xA00  }
0x33: {  	[sflag:s11] =	ssyncset.done $0x0  }
0x34: {  	[sflag:s11] =	ssyncadd.s32 $0xFFFFF600  }
0x35: {  	[spmem:s2] =	stream.indirect.scatter.add.f32 [tilespmem:s12], [sflag:$0x1], $0x20, s3, s12, $0xb8;
	[tilespmem:$0x5A50] =	vst v63  }
0x36: {  	_ =	swait.ge [sflag:s11], $0xA00  }
0x37: {  	s13 =	sadd.s32 $0x1, s13;
	[sflag:s11] =	ssyncset.done $0x0  }
0x38: {  	p0 =	sne.s32 s13, s7;
	[sflag:s11] =	ssyncadd.s32 $0xFFFFF600  }
.Ltmp1:
0x39: {  	[bflag:$0x0] =	sbarrier.arrive $0xFFFF;
	(pc) =	sbr.rel @p0 .LBB2_1-.Ltmp1, $4  }
0x3a: {  	[hbm:s6], [sflag:s5] =	dma.local [spmem:s10], $0xA00  }
0x3b: {  	_ =	swait.ge [sflag:s11], $0xA00  }
0x3c: {  	[sflag:s11] =	ssyncset.done $0x0  }
0x3d: {  	[sflag:s11] =	ssyncadd.s32 $0xFFFFF600  }
0x3e: {  	_ =	sfence.sel $0x180000  }
0x3f: {  	[bflag:$0x0] =	sbarrier.arrive $0xFFFF  }
0x40: {  	p0 =	sne.s32 s1, $0x0;
	_ =	strace $0x9000004A  }
0x41: {  	s0 =	sadd.s32 @!p0 $0x100000, s0;
	[bflag:$0x2] =	sbarrier.arrive $0xFFFF  }
0x42: {  	[sflag:s0] =	ssyncadd.tile.s32 @!p0 $0x1;
	_ =	shalt  }
.Lfunc_end2:
_tile_overlayer_lowered:
.L_overlay_start_2:
0x43: {  	(tag) =	ssettag $0x2  }
0x44: {  	s0 =	rddreg [dreg:$0x0];
	s2 =	stileid.u32  }
0x45: {  	s1 =	rddreg [dreg:$0x1];
	p0 =	sne.s32 s2, $0x0  }
0x46: {  	s3 =	rddreg [dreg:$0x2];
	[bflag:$0x3] =	sbarrier.arrive $0xFFFF;
	s2 =	simm.s32 @!p0 $0x1C01  }
0x47: {  	[timem:s3], [sflag:s2] =	dma.local @!p0 [hbm:s0], s1  }
0x48: {  	s0 =	simm.s32 @!p0 $0x1  }
0x49: {  	_ =	swait.ge @!p0 [sflag:s0], s1  }
0x4a: {  	s1 =	ssub.s32 @!p0 $0x0, s1;
	[sflag:s0] =	ssyncset.done @!p0 $0x0  }
0x4b: {  	[sflag:s0] =	ssyncadd.s32 @!p0 s1  }
0x4c: {  	[bflag:$0x3] =	sbarrier.arrive $0xFFFF  }
0x4d: {  	_ =	shalt  }

// kernel: kernel.23.cloned.1.call-start
scs
__scs_entry_jumppad:
0x0: {  	(pc) =	sbr.rel $0x88, $3  }
0x1: {  	(tag) =	ssettag $0x0;
	lr =	simm.s32 $0x1  }
0x2: {  	[smem:$0x3F8E] =	sst lr;
	_ =	strace $0xD0000000  }
0x3: {  	_ = 	snop  }
0x4: {  	_ = 	snop  }
0x5: {  	_ = 	snop  }
0x6: {  	_ = 	snop  }
0x7: {  	_ = 	snop  }
__scs_overlays_trampoline_lowered:
0x8: {  	[smem:$0x3F9D] =	sst s0  }
0x9: {  	[smem:$0x3F9E] =	sst s1  }
0xa: {  	[smem:$0x3F9F] =	sst s2  }
0xb: {  	[smem:$0x3FA0] =	sst s3  }
0xc: {  	[smem:$0x3FA1] =	sst s4  }
0xd: {  	[smem:$0x3FA2] =	sst s5  }
0xe: {  	[smem:$0x3FA3] =	sst s6  }
0xf: {  	[smem:$0x3FA4] =	sst s7  }
0x10: {  	[smem:$0x3FA5] =	sst s8  }
0x11: {  	[smem:$0x3FA6] =	sst s9;
	s0 =	simm.s32 @!p0 $0x0  }
0x12: {  	s1 =	sld [smem:$0x3F8C];
	s0 =	simm.s32 @p0 $0x1  }
0x13: {  	[smem:$0x3FA7] =	sst s0;
	s0 =	simm.s32 @!p1 $0x0  }
0x14: {  	s2 =	sld [smem:$0x3F8B];
	s0 =	simm.s32 @p1 $0x1  }
0x15: {  	[smem:$0x3FA8] =	sst s0;
	s0 =	simm.s32 @!p2 $0x0  }
0x16: {  	s3 =	sld [smem:$0x3FDB];
	s0 =	simm.s32 @p2 $0x1  }
0x17: {  	s4 =	simm.s32 $0x1BF5;
	[smem:$0x3FAA] =	sst s0  }
0x18: {  	s0 =	sld [smem:$0x3F8D];
	_ =	swait.ge [sflag:s4], $0x0  }
0x19: {  	s7 =	sld [smem:$0x3F8E]  }
0x1a: {  	s8 =	sadd.s32 $0xFFFFE003, lr  }
0x1b: {  	s9 =	sadd.s32 $0xFFFFFEF7, lr;
	s5 =	simm.s32 $0xFFFFFFFF;
	p2 =	slt.u32 s8, $0xFFFFF086  }
0x1c: {  	p1 =	slt.u32 s9, $0xF7A;
	s5 =	simm.s32 @!p2 $0x0  }
0x1d: {  	s5 =	simm.s32 @p1 $0x1;
	p0 =	seq.s32 s7, s2  }
0x1e: {  	s7 =	smul.u32 @!p0 $0xF7A, s2;
	p2 =	seq.s32 @!p0 s5, $0x0  }
0x1f: {  	s9 =	smul.u32 $0xF7A, s1;
	s8 =	simm.s32 @!p0 $0x1BF5;
	p2 =	por !p2, p0  }
0x20: {  	[sflag:s8] =	ssyncset.s32 @!p0 $0xFFFFF086;
	s6 =	sadd.s32 @!p0 s3, s7;
	s7 =	simm.s32 @!p0 $0x108  }
0x21: {  	s3 =	sadd.s32 s3, s9;
	s6 =	sadd.s32 @!p0 $0x88, s6;
	s7 =	simm.s32 @p2 $0x1082  }
0x22: {  	[simem:s7], [sflag:s8] =	dma.local @!p0 [hbm:s6], $0xF7A  }
0x23: {  	s9 =	sor.u32 $0xD0000000, s2;
	s6 =	simm.s32 $0x108;
	_ =	swait.ge @!p0 [sflag:s8], $0x0  }
0x24: {  	s3 =	sadd.s32 $0x88, s3;
	s6 =	simm.s32 @!p1 $0x1082;
	[sflag:s4] =	ssyncset.s32 $0xFFFFF086  }
0x25: {  	[simem:s6], [sflag:s4] =	dma.local [hbm:s3], $0xF7A  }
0x26: {  	[smem:$0x3F8E] =	sst s1;
	(tag) =	ssettag s2;
	_ =	strace s9  }
0x27: {  	s1 =	sld [smem:$0x3F9E]  }
0x28: {  	s2 =	sld [smem:$0x3F9F]  }
0x29: {  	s4 =	sld [smem:$0x3FA1]  }
0x2a: {  	p0 =	seq.s32 s5, $0x0;
	s5 =	sld [smem:$0x3FA2]  }
0x2b: {  	s6 =	sld [smem:$0x3FA3]  }
0x2c: {  	s7 =	sld [smem:$0x3FA4]  }
0x2d: {  	s3 =	simm.s32 $0x108;
	s8 =	sld [smem:$0x3FA5]  }
0x2e: {  	s3 =	simm.s32 @!p0 $0x1082;
	s9 =	sld [smem:$0x3FA6]  }
0x2f: {  	lr =	sadd.s32 s0, s3;
	s0 =	sld [smem:$0x3F9D]  }
0x30: {  	s3 =	sld [smem:$0x3FA0]  }
0x31: {  	[smem:$0x3FA9] =	sst s10  }
0x32: {  	s10 =	sld [smem:$0x3FA7];
	_ =	sdelay $0x3  }
0x33: {  	p0 =	seq.s32 s10, $0x1;
	s10 =	sld [smem:$0x3FA9];
	_ =	sdelay $0x3  }
0x34: {  	[smem:$0x3FA9] =	sst s10  }
0x35: {  	s10 =	sld [smem:$0x3FA8];
	_ =	sdelay $0x3  }
0x36: {  	p1 =	seq.s32 s10, $0x1;
	s10 =	sld [smem:$0x3FA9];
	_ =	sdelay $0x3  }
0x37: {  	[smem:$0x3FA9] =	sst s10  }
0x38: {  	s10 =	sld [smem:$0x3FAA]  }
0x39: {  	_ = 	snop;
	(pc) =	sbr.ind lr, $3  }
0x3a: {  	_ = 	snop  }
0x3b: {  	_ = 	snop  }
0x3c: {  	p2 =	seq.s32 s10, $0x1;
	s10 =	sld [smem:$0x3FA9]  }
0x3d: {  	_ =	shalt  }
0x3e: {  	_ =	shalt  }
0x3f: {  	_ =	shalt  }
0x40: {  	_ =	shalt  }
0x41: {  	_ =	shalt  }
0x42: {  	_ =	shalt  }
0x43: {  	_ =	shalt  }
0x44: {  	_ =	shalt  }
0x45: {  	_ =	shalt  }
0x46: {  	_ =	shalt  }
0x47: {  	_ =	shalt  }
0x48: {  	_ =	shalt  }
0x49: {  	_ =	shalt  }
0x4a: {  	_ =	shalt  }
0x4b: {  	_ =	shalt  }
0x4c: {  	_ =	shalt  }
0x4d: {  	_ =	shalt  }
0x4e: {  	_ =	shalt  }
0x4f: {  	_ =	shalt  }
0x50: {  	_ =	shalt  }
0x51: {  	_ =	shalt  }
0x52: {  	_ =	shalt  }
0x53: {  	_ =	shalt  }
0x54: {  	_ =	shalt  }
0x55: {  	_ =	shalt  }
0x56: {  	_ =	shalt  }
0x57: {  	_ =	shalt  }
0x58: {  	_ =	shalt  }
0x59: {  	_ =	shalt  }
0x5a: {  	_ =	shalt  }
0x5b: {  	_ =	shalt  }
0x5c: {  	_ =	shalt  }
0x5d: {  	_ =	shalt  }
0x5e: {  	_ =	shalt  }
0x5f: {  	_ =	shalt  }
0x60: {  	_ =	shalt  }
0x61: {  	_ =	shalt  }
0x62: {  	_ =	shalt  }
0x63: {  	_ =	shalt  }
0x64: {  	_ =	shalt  }
0x65: {  	_ =	shalt  }
0x66: {  	_ =	shalt  }
0x67: {  	_ =	shalt  }
0x68: {  	_ =	shalt  }
0x69: {  	_ =	shalt  }
0x6a: {  	_ =	shalt  }
0x6b: {  	_ =	shalt  }
0x6c: {  	_ =	shalt  }
0x6d: {  	_ =	shalt  }
0x6e: {  	_ =	shalt  }
0x6f: {  	_ =	shalt  }
0x70: {  	_ =	shalt  }
0x71: {  	_ =	shalt  }
0x72: {  	_ =	shalt  }
0x73: {  	_ =	shalt  }
0x74: {  	_ =	shalt  }
0x75: {  	_ =	shalt  }
0x76: {  	_ =	shalt  }
0x77: {  	_ =	shalt  }
0x78: {  	_ =	shalt  }
0x79: {  	_ =	shalt  }
0x7a: {  	_ =	shalt  }
0x7b: {  	_ =	shalt  }
0x7c: {  	_ =	shalt  }
0x7d: {  	_ =	shalt  }
0x7e: {  	_ =	shalt  }
0x7f: {  	_ =	shalt  }
0x80: {  	_ =	shalt  }
0x81: {  	_ =	shalt  }
0x82: {  	_ =	shalt  }
0x83: {  	_ =	shalt  }
0x84: {  	_ =	shalt  }
0x85: {  	_ =	shalt  }
0x86: {  	_ =	shalt  }
0x87: {  	_ =	shalt  }
.Lfunc_end0:
.L_simem_size_0:
called_computation.2_lowered:
.L_overlay_start_0:
0x88: {  	s2 =	sld [smem:$0x3FD9]  }
0x89: {  	s3 =	sld [smem:$0x3FFE];
	_ =	sdelay $0x1  }
0x8a: {  	s1 =	srdreg.scid  }
0x8b: {  	s0 =	sand.u32 $0x1, s1  }
0x8c: {  	s17 =	sshll.u32 s0, $0xA;
	s2 =	sadd.s32 s3, s2  }
0x8d: {  	s2 =	sadd.s32 s2, s17  }
0x8e: {  	[smem:$0x3FB5] =	sst s2  }
0x8f: {  	_ = 	snop  }
0x90: {  	s2 =	sld [smem:$0x3FD0];
	(tm) =	ssettm $0x1  }
0x91: {  	s18 =	sld [smem:$0x3FFB];
	_ =	sdelay $0x3  }
0x92: {  	_ =	strace s18  }
0x93: {  	s3 =	sld [smem:$0x3FFC];
	_ =	sdelay $0x3  }
0x94: {  	_ =	strace s3  }
0x95: {  	s3 =	sld [smem:$0x3FFD];
	_ =	sdelay $0x3  }
0x96: {  	_ =	strace s3  }
0x97: {  	_ =	strace $0x8FFFFFFF  }
0x98: {  	s19 =	sld [smem:$0x3FDB];
	_ =	sdelay $0x1  }
0x99: {  	s4 =	simm.s32 $_scs_section_size  }
0x9a: {  	s5 =	simm.s32 $_size__tile_overlayer_lowered;
	s6 =	simm.s32 $_tile_overlayer_lowered  }
0x9b: {  	s22 =	simm.s32 $0x1BFF;
	s21 =	sshll.u32 s6, $0x1;
	s3 =	sadd.s32 s4, s19  }
0x9c: {  	s7 =	simm.s32 $0x0;
	s20 =	sshll.u32 s5, $0x1;
	s5 =	sadd.s32 s21, s3  }
0x9d: {  	[timem:s7], [sflag:s22] =	dma.local [hbm:s5], s20  }
0x9e: {  	_ =	swait.ge [sflag:s22], s20  }
0x9f: {  	s4 =	ssub.s32 $0x0, s20;
	[sflag:s22] =	ssyncset.done $0x0  }
0xa0: {  	[sflag:s22] =	ssyncadd.s32 s4;
	_ =	sdelay $0x1  }
0xa1: {  	s23 =	simm.s32 $0x1B8B  }
0xa2: {  	_ =	swait.ge [sflag:s23], $0x1  }
0xa3: {  	[sflag:s23] =	ssyncset.done $0x0  }
0xa4: {  	s25 =	simm.s32 $0x1B8E;
	s24 =	sld [smem:$0x3FFE];
	[sflag:s23] =	ssyncadd.s32 $0xFFFFFFFF  }
0xa5: {  	s26 =	simm.s32 $execute0_lowered;
	[smem:$0x3FD2] =	sst s25  }
0xa6: {  	s5 =	sshll.u32 s26, $0x1;
	_ =	strace $0x8000004C;
	[dreg:$0x1] =	wrdreg $0xFFFFFFFF  }
0xa7: {  	s28 =	simm.s32 $_size_execute0_lowered;
	s3 =	sadd.s32 s3, s5;
	[dreg:$0x0] =	wrdreg $0x0  }
0xa8: {  	s5 =	sshll.u32 s28, $0x1;
	[dreg:$0x2] =	wrdreg s3  }
0xa9: {  	[dreg:$0x3] =	wrdreg s5  }
0xaa: {  	[dreg:$0x4] =	wrdreg $0xC0  }
0xab: {  	_ =	task [dreg:s7], $0x5FFFF  }
0xac: {  	[dreg:$0x1] =	wrdreg $0xFFFFFFFF  }
0xad: {  	[dreg:$0x0] =	wrdreg $0x60  }
0xae: {  	[dreg:$0x2] =	wrdreg s24  }
0xaf: {  	[dreg:$0x3] =	wrdreg s2  }
0xb0: {  	[dreg:$0x4] =	wrdreg $0xB9A00  }
0xb1: {  	[dreg:$0x5] =	wrdreg $0x9  }
0xb2: {  	_ =	task.clear_ibuf [dreg:s7], $0x6FFFF;
	_ =	strace $0x9000004C  }
0xb3: {  	s29 =	simm.s32 $0x9;
	_ =	strace $0x8000004E  }
0xb4: {  	_ =	swait.ge [sflag:s29], $0x1  }
0xb5: {  	[sflag:s29] =	ssyncadd.s32 $0xFFFFFFFF  }
0xb6: {  	_ =	strace $0x9000004E  }
0xb7: {  	_ =	sfence  }
0xb8: {  	s30 =	sld [smem:$0x0];
	_ =	sdelay $0x2  }
0xb9: {  	s31 =	sshll.u32 s1, $0xD;
	s1 =	sshrl.u32 s1, $0x2  }
0xba: {  	s3 =	sand.u32 $0x4000, s31;
	s1 =	sadd.s32 s1, s30  }
0xbb: {  	s0 =	sor.u32 s3, s0;
	s1 =	sshll.u32 s1, $0x11  }
0xbc: {  	s0 =	sor.u32 s1, s0  }
0xbd: {  	s0 =	sadd.s32 $0x8F2B, s0  }
0xbe: {  	[sflag:s0] =	ssyncadd.remote.s32 $0x1  }
0xbf: {  	_ =	sfence.sel $0xFFFF  }
0xc0: {  	[dreg:$0x0] =	wrdreg $0xFFFFFFFF;
	(pc) =	sbr.abs _section_cstart, $3  }
0xc1: {  	[dreg:$0x1] =	wrdreg $0xFFFFFFFF  }
0xc2: {  	_ =	task.clear_ibuf [dreg:s7], $0x2FFFF;
	_ =	strace $0x9FFFFFFF  }
0xc3: {  	(tm) =	ssettm $0x7FFFFFFF  }
tec
execute0_lowered:
.L_overlay_start_1:
0x0: {  	(tag) =	ssettag $0x1  }
0x1: {  	s0 =	rddreg [dreg:$0x0]  }
0x2: {  	s2 =	rddreg [dreg:$0x1]  }
0x3: {  	s3 =	rddreg [dreg:$0x2]  }
0x4: {  	s1 =	srdreg.scid;
	s14 =	stileid.u32  }
0x5: {  	s4 =	simm.s32 $0x0;
	s16 =	simm.s32 $0x3;
	s17 =	simm.s32 $0x50  }
0x6: {  	s18 =	simm.s32 $0xA0;
	s19 =	simm.s32 $0x32A0;
	s20 =	simm.s32 $0x82A0  }
0x7: {  	s21 =	simm.s32 $0x1;
	s22 =	simm.s32 $0x2;
	s23 =	simm.s32 $0x87A0  }
0x8: {  	s24 =	simm.s32 $0xAFA0;
	s25 =	simm.s32 $0x0;
	s1 =	sand.u32 $0x1, s1  }
0x9: {  	s9 =	smul.u32 $0x14000, s14;
	[smem:$0x7FF] =	sst s4;
	s5 =	sadd.s32 $0x7F600, s0  }
0xa: {  	s6 =	sadd.s32 $0x31400, s0;
	s7 =	sadd.s32 $0x5E5A00, s0;
	s12 =	sadd.s32 $0x19400, s0  }
0xb: {  	s30 =	sshll.u32 s14, $0x6;
	s8 =	smul.u32 $0x140000, s1;
	_ =	strace $0x8000004D  }
0xc: {  	s11 =	ssub.s32 $0x2, s1;
	[dreg:$0x4] =	wrdreg s12;
	s1 =	sshll.u32 s1, $0x4  }
0xd: {  	s28 =	sshrl.u32 s11, $0x1;
	s1 =	sor.u32 s14, s1;
	s10 =	sadd.s32 s9, s8  }
0xe: {  	s8 =	sadd.s32 $0xF600, s0;
	s29 =	ssub.s32 s11, s28;
	s10 =	sshrl.u32 s10, $0x3  }
0xf: {  	s9 =	sadd.s32 s9, s3;
	s11 =	sor.u32 $0x1C03, s30;
	s13 =	sadd.s32 s10, s0  }
0x10: {  	v0 =	vimm.f32 $0.0e+00;
	vm0 =	vcmask $0x300;
	s12 =	smul.u32 $0x2710, s1;
	s14 =	smax.u32 s29, $0x1;
	s31 =	sadd.s32 $0xB0400, s13  }
0x11: {  	v0 =	vsel vm0, $0x3F800000, v0;
	s15 =	sshrl.u32 s9, $0x3;
	s10 =	sadd.s32 $0x100400, s0;
	[dreg:$0x5] =	wrdreg s31  }
.LBB2_1:
0x12: {  	s0 =	rddreg [dreg:$0x4]  }
0x13: {  	[spmem:s15], [sflag:s11] =	dma.local [hbm:s0], $0x2800  }
0x14: {  	_ =	swait.ge [sflag:s16], $0x2800  }
0x15: {  	[sflag:s16] =	ssyncset.done $0x0  }
0x16: {  	[sflag:s16] =	ssyncadd.s32 $0xFFFFD800  }
0x17: {  	s26 =	simm.s32 $0x0;
	[bflag:$0x0] =	sbarrier.arrive $0xFFFF  }
.LBB2_2:
0x18: {  	s0 =	smul.u32 $0x50, s26;
	_ =	sdelay $0x1  }
0x19: {  	s28 =	sadd.s32 s12, s0  }
0x1a: {  	s0 =	sshrl.u32 s28, $0x3  }
0x1b: {  	s9 =	simm.s32 $0x0;
	s1 =	sadd.s32 s8, s0  }
0x1c: {  	[tilespmem:s9], [sflag:$0x3] =	stream.linear.gather [hbm4b:s1+s9], $0x50, $0x38;
	[tilespmem:$0x1F9A0] =	vst v63  }
0x1d: {  	_ =	swait.ge [sflag:s16], $0x50  }
0x1e: {  	[sflag:s16] =	ssyncset.done $0x0  }
0x1f: {  	s0 =	sadd.s32 s2, s0;
	[sflag:s16] =	ssyncadd.s32 $0xFFFFFFB0  }
0x20: {  	[tilespmem:s17], [sflag:$0x3] =	stream.linear.gather [hbm4b:s0+s9], $0x50, $0x38;
	[tilespmem:$0x1F9A0] =	vst v63  }
0x21: {  	_ =	swait.ge [sflag:s16], $0x50  }
0x22: {  	[sflag:s16] =	ssyncset.done $0x0  }
0x23: {  	[sflag:s16] =	ssyncadd.s32 $0xFFFFFFB0  }
0x24: {  	[tilespmem:s18], [sflag:$0x1] =	stream.indirect.gather [hbm4b:s5+s17], $0xA0, s17, s17, $0xb8;
	[tilespmem:$0x1F9A0] =	vst v63  }
0x25: {  	s1 =	sshll.u32 s28, $0x1  }
0x26: {  	[tilespmem:s19], [sflag:$0x2] =	stream.indirect.gather [hbm4b:s6+s17], $0x100, s9, s17, $0xb8;
	[tilespmem:$0x1F9A0] =	vst v63  }
0x27: {  	s0 =	sadd.s32 s7, s1  }
0x28: {  	[tilespmem:s20], [sflag:$0x3] =	stream.linear.gather [hbm4b:s0+s9], $0x500, $0x38;
	[tilespmem:$0x1F9A0] =	vst v63  }
0x29: {  	_ =	swait.ge [sflag:s16], $0x500  }
0x2a: {  	[sflag:s16] =	ssyncset.done $0x0  }
0x2b: {  	[sflag:s16] =	ssyncadd.s32 $0xFFFFFB00  }
0x2c: {  	_ =	swait.ge [sflag:s21], $0x3200  }
0x2d: {  	[sflag:s21] =	ssyncset.done $0x0  }
0x2e: {  	[sflag:s21] =	ssyncadd.s32 $0xFFFFCE00  }
0x2f: {  	_ =	swait.ge [sflag:s22], $0x5000  }
0x30: {  	[sflag:s22] =	ssyncset.done $0x0  }
0x31: {  	s0 =	simm.s32 $0x3320;
	[sflag:s22] =	ssyncadd.s32 $0xFFFFB000  }
0x32: {  	s13 =	simm.s32 $0xE0;
	v1 =	vld [tilespmem:s0+$0xFFFFFF80]  }
0x33: {  	v2 =	vld [tilespmem:s13+$0xFFFFFFC0]  }
0x34: {  	s1 =	simm.s32 $0x0;
	v3 =	vld [tilespmem:s13+$0x40]  }
0x35: {  	v4 =	vld [tilespmem:s1+$0x82A0]  }
0x36: {  	v5 =	vld [tilespmem:s0+$0xFFFFFF90]  }
0x37: {  	v6 =	vld [tilespmem:s13+$0xFFFFFFD0]  }
0x38: {  	v7 =	vld [tilespmem:s0+$0xFFFFFFA0]  }
0x39: {  	v8 =	vld [tilespmem:s13+$0xFFFFFFE0]  }
0x3a: {  	v3 =	vmul.f32 v4, v3;
	v1 =	vmul.f32 v1, v2;
	v2 =	vld [tilespmem:s0+$0xFFFFFFB0]  }
0x3b: {  	v4 =	vld [tilespmem:s13+$0xFFFFFFF0]  }
0x3c: {  	v60 =	vld [tilespmem:s13+$0x0];
	v1 =	vadd.f32 v1, v3;
	v3 =	vmul.f32 v5, v6  }
0x3d: {  	v5 =	vld [tilespmem:s0+$0xFFFFFFC0]  }
0x3e: {  	v61 =	vld [tilespmem:s0+$0xFFFFFFD0];
	v1 =	vadd.f32 v3, v1;
	v3 =	vmul.f32 v7, v8  }
0x3f: {  	v62 =	vld [tilespmem:s13+$0x10]  }
0x40: {  	v2 =	vmul.f32 v2, v4;
	v4 =	vld [tilespmem:s13+$0x20];
	v1 =	vadd.f32 v3, v1  }
0x41: {  	v3 =	vld [tilespmem:s0+$0xFFFFFFE0]  }
0x42: {  	v63 =	vld [tilespmem:s13+$0x30];
	v1 =	vadd.f32 v2, v1;
	v2 =	vmul.f32 v5, v60  }
0x43: {  	v5 =	vld [tilespmem:s0+$0xFFFFFFF0]  }
0x44: {  	v1 =	vadd.f32 v2, v1;
	v2 =	vmul.f32 v61, v62;
	_ =	sdelay $0x1  }
0x45: {  	v1 =	vadd.f32 v2, v1;
	v2 =	vmul.f32 v3, v4;
	_ =	sdelay $0x1  }
0x46: {  	v1 =	vadd.f32 v2, v1;
	v2 =	vmul.f32 v5, v63;
	_ =	sdelay $0x1  }
0x47: {  	v1 =	vadd.f32 v2, v1;
	_ =	sdelay $0x1  }
0x48: {  	(xrf2) =	vadd.scan.msk.f32 $0xffff, v1;
	_ =	sdelay $0x9  }
0x49: {  	v1, _, _ =	vpop (xrf2)  }
0x4a: {  	(v2sf) =	vpush v1, $0xF;
	_ =	sdelay $0xe  }
0x4b: {  	s13 =	spop (v2sf)  }
0x4c: {  	s9 =	smul.f32 $8.838834610e-02, s13;
	_ =	sdelay $0x1  }
0x4d: {  	v1 =	vmov s9  }
0x4e: {  	v1 =	vmul.f32 $1.442695020e+00, v1;
	_ =	sdelay $0x1  }
0x4f: {  	v1 =	vbroadcast v1, $0x0;
	_ =	sdelay $0x1  }
0x50: {  	(erf) = vpow2.f32 v1;
	_ =	sdelay $0x4  }
0x51: {  	v1 =	vld [tilespmem:s0+$0x0];
	_ =	sdelay $0x3  }
0x52: {  	v2 =	vpop (erf)  }
0x53: {  	v1 =	vmul.f32 v2, v1  }
0x54: {  	s29 =	simm.s32 $0x87E0  }
0x55: {  	[tilespmem:s29+$0xFFFFFFC0] =	vst v1  }
0x56: {  	v1 =	vld [tilespmem:s0+$0x10];
	_ =	sdelay $0x4  }
0x57: {  	v1 =	vmul.f32 v2, v1;
	_ =	sdelay $0x1  }
0x58: {  	[tilespmem:s29+$0xFFFFFFD0] =	vst v1  }
0x59: {  	v1 =	vld [tilespmem:s0+$0x20];
	_ =	sdelay $0x4  }
0x5a: {  	v1 =	vmul.f32 v2, v1;
	_ =	sdelay $0x1  }
0x5b: {  	[tilespmem:s29+$0xFFFFFFE0] =	vst v1  }
0x5c: {  	v1 =	vld [tilespmem:s0+$0x30];
	_ =	sdelay $0x4  }
0x5d: {  	v1 =	vmul.f32 v2, v1;
	_ =	sdelay $0x1  }
0x5e: {  	[tilespmem:s29+$0xFFFFFFF0] =	vst v1  }
0x5f: {  	v1 =	vld [tilespmem:s0+$0x40];
	_ =	sdelay $0x4  }
0x60: {  	v1 =	vmul.f32 v2, v1;
	_ =	sdelay $0x1  }
0x61: {  	[tilespmem:s29+$0x0] =	vst v1  }
0x62: {  	v1 =	vld [tilespmem:s0+$0x50];
	_ =	sdelay $0x4  }
0x63: {  	v1 =	vmul.f32 v1, v2;
	_ =	sdelay $0x1  }
0x64: {  	[tilespmem:s29+$0x10] =	vst v1  }
0x65: {  	v1 =	vld [tilespmem:s0+$0x60];
	_ =	sdelay $0x4  }
0x66: {  	v1 =	vmul.f32 v1, v2;
	_ =	sdelay $0x1  }
0x67: {  	[tilespmem:s29+$0x20] =	vst v1  }
0x68: {  	v1 =	vld [tilespmem:s0+$0x70];
	_ =	sdelay $0x4  }
0x69: {  	v1 =	vmul.f32 v1, v2;
	_ =	sdelay $0x1  }
0x6a: {  	[tilespmem:s29+$0x30] =	vst v1  }
0x6b: {  	v1 =	vld [tilespmem:s1+$0x82A0];
	_ =	sdelay $0x3  }
0x6c: {  	v3 =	vmul.f32 v0, v2  }
0x6d: {  	s30 =	simm.s32 $0xAFB0;
	v1 =	vmul.f32 v1, v2  }
0x6e: {  	[tilespmem:s30+$0x0] =	vst v3  }
0x6f: {  	s31 =	simm.s32 $0x3420;
	[tilespmem:s30+$0xFFFFFFF0] =	vst v1  }
0x70: {  	s1 =	simm.s32 $0x180;
	v1 =	vld [tilespmem:s31+$0xFFFFFF80]  }
0x71: {  	v2 =	vld [tilespmem:s1+$0xFFFFFFC0]  }
0x72: {  	s9 =	simm.s32 $0x80;
	s0 =	simm.s32 $0x10;
	v3 =	vld [tilespmem:s1+$0x40]  }
.LBB2_3:
0x73: {  	p0 =	sne.s32 s9, $0x13C0;
	v4 =	vld [tilespmem:s0+$0x82A0]  }
0x74: {  	v5 =	vld [tilespmem:s31+$0xFFFFFF90]  }
0x75: {  	v6 =	vld [tilespmem:s1+$0xFFFFFFD0]  }
0x76: {  	v7 =	vld [tilespmem:s31+$0xFFFFFFA0]  }
0x77: {  	v8 =	vld [tilespmem:s1+$0xFFFFFFE0]  }
0x78: {  	v1 =	vmul.f32 v1, v2;
	v3 =	vmul.f32 v4, v3;
	v2 =	vld [tilespmem:s31+$0xFFFFFFB0]  }
0x79: {  	v4 =	vld [tilespmem:s1+$0xFFFFFFF0]  }
0x7a: {  	v1 =	vadd.f32 v1, v3;
	v3 =	vmul.f32 v5, v6;
	v5 =	vld [tilespmem:s31+$0xFFFFFFC0]  }
0x7b: {  	v6 =	vld [tilespmem:s1+$0x0]  }
0x7c: {  	v1 =	vadd.f32 v3, v1;
	v3 =	vmul.f32 v7, v8;
	v7 =	vld [tilespmem:s31+$0xFFFFFFD0]  }
0x7d: {  	v8 =	vld [tilespmem:s1+$0x10]  }
0x7e: {  	v1 =	vadd.f32 v3, v1;
	v2 =	vmul.f32 v2, v4;
	v3 =	vld [tilespmem:s31+$0xFFFFFFE0]  }
0x7f: {  	v4 =	vld [tilespmem:s1+$0x20]  }
0x80: {  	v1 =	vadd.f32 v2, v1;
	v2 =	vmul.f32 v5, v6;
	v5 =	vld [tilespmem:s31+$0xFFFFFFF0]  }
0x81: {  	v6 =	vld [tilespmem:s1+$0x30]  }
0x82: {  	v1 =	vadd.f32 v2, v1;
	v2 =	vmul.f32 v7, v8;
	_ =	sdelay $0x1  }
0x83: {  	v1 =	vadd.f32 v2, v1;
	v2 =	vmul.f32 v3, v4;
	_ =	sdelay $0x1  }
0x84: {  	v1 =	vadd.f32 v2, v1;
	v2 =	vmul.f32 v5, v6;
	_ =	sdelay $0x1  }
0x85: {  	v1 =	vadd.f32 v2, v1;
	_ =	sdelay $0x1  }
0x86: {  	(xrf2) =	vadd.scan.msk.f32 $0xffff, v1;
	_ =	sdelay $0x9  }
0x87: {  	v1, _, _ =	vpop (xrf2)  }
0x88: {  	(v2sf) =	vpush v1, $0xF;
	_ =	sdelay $0xe  }
0x89: {  	s13 =	spop (v2sf)  }
0x8a: {  	s13 =	smul.f32 $8.838834610e-02, s13;
	_ =	sdelay $0x1  }
0x8b: {  	v1 =	vmov s13  }
0x8c: {  	v1 =	vmul.f32 $1.442695020e+00, v1;
	_ =	sdelay $0x1  }
0x8d: {  	v1 =	vbroadcast v1, $0x0;
	_ =	sdelay $0x1  }
0x8e: {  	(erf) = vpow2.f32 v1;
	_ =	sdelay $0x4  }
0x8f: {  	v1 =	vld [tilespmem:s31+$0x0];
	_ =	sdelay $0x3  }
0x90: {  	v2 =	vpop (erf)  }
0x91: {  	v1 =	vmul.f32 v2, v1;
	v3 =	vmul.f32 v0, v2  }
0x92: {  	s29 =	sadd.s32 $0x80, s29  }
0x93: {  	[tilespmem:s29+$0xFFFFFFC0] =	vst v1  }
0x94: {  	v1 =	vld [tilespmem:s31+$0x10];
	_ =	sdelay $0x4  }
0x95: {  	v1 =	vmul.f32 v2, v1;
	_ =	sdelay $0x1  }
0x96: {  	[tilespmem:s29+$0xFFFFFFD0] =	vst v1  }
0x97: {  	v1 =	vld [tilespmem:s31+$0x20];
	_ =	sdelay $0x4  }
0x98: {  	v1 =	vmul.f32 v2, v1;
	_ =	sdelay $0x1  }
0x99: {  	[tilespmem:s29+$0xFFFFFFE0] =	vst v1  }
0x9a: {  	v1 =	vld [tilespmem:s31+$0x30];
	_ =	sdelay $0x4  }
0x9b: {  	v1 =	vmul.f32 v2, v1;
	_ =	sdelay $0x1  }
0x9c: {  	[tilespmem:s29+$0xFFFFFFF0] =	vst v1  }
0x9d: {  	v1 =	vld [tilespmem:s31+$0x40];
	_ =	sdelay $0x4  }
0x9e: {  	v1 =	vmul.f32 v2, v1;
	_ =	sdelay $0x1  }
0x9f: {  	[tilespmem:s29+$0x0] =	vst v1  }
0xa0: {  	v1 =	vld [tilespmem:s31+$0x50];
	_ =	sdelay $0x4  }
0xa1: {  	v1 =	vmul.f32 v1, v2;
	_ =	sdelay $0x1  }
0xa2: {  	[tilespmem:s29+$0x10] =	vst v1  }
0xa3: {  	v1 =	vld [tilespmem:s31+$0x60];
	_ =	sdelay $0x4  }
0xa4: {  	v1 =	vmul.f32 v1, v2;
	_ =	sdelay $0x1  }
0xa5: {  	[tilespmem:s29+$0x20] =	vst v1  }
0xa6: {  	v1 =	vld [tilespmem:s31+$0x70];
	_ =	sdelay $0x4  }
0xa7: {  	v1 =	vmul.f32 v1, v2;
	_ =	sdelay $0x1  }
0xa8: {  	s30 =	sadd.s32 $0x20, s30;
	[tilespmem:s29+$0x30] =	vst v1  }
0xa9: {  	v1 =	vld [tilespmem:s0+$0x82A0];
	[tilespmem:s30+$0x0] =	vst v3;
	_ =	sdelay $0x4  }
0xaa: {  	v1 =	vmul.f32 v1, v2  }
.Ltmp0:
0xab: {  	(pc) =	sbr.rel @p0 .LBB2_3-.Ltmp0, $4  }
0xac: {  	s31 =	sadd.s32 $0x100, s31;
	[tilespmem:s30+$0xFFFFFFF0] =	vst v1  }
0xad: {  	s1 =	sadd.s32 $0xA0, s1;
	v1 =	vld [tilespmem:s31+$0xFFFFFF80]  }
0xae: {  	v2 =	vld [tilespmem:s1+$0xFFFFFFC0]  }
0xaf: {  	s0 =	sshra.s32 s9, $0x2;
	s9 =	sadd.s32 $0x40, s9;
	v3 =	vld [tilespmem:s1+$0x40]  }
0xb0: {  	v4 =	vld [tilespmem:s0+$0x82A0]  }
0xb1: {  	v5 =	vld [tilespmem:s31+$0xFFFFFF90]  }
0xb2: {  	v6 =	vld [tilespmem:s1+$0xFFFFFFD0]  }
0xb3: {  	v7 =	vld [tilespmem:s31+$0xFFFFFFA0]  }
0xb4: {  	v8 =	vld [tilespmem:s1+$0xFFFFFFE0]  }
0xb5: {  	v56 =	vld [tilespmem:s1+$0xFFFFFFF0];
	v1 =	vmul.f32 v1, v2;
	v3 =	vmul.f32 v4, v3  }
0xb6: {  	v2 =	vld [tilespmem:s31+$0xFFFFFFB0]  }
0xb7: {  	v57 =	vld [tilespmem:s31+$0xFFFFFFC0];
	v1 =	vadd.f32 v1, v3;
	v3 =	vmul.f32 v5, v6  }
0xb8: {  	v58 =	vld [tilespmem:s1+$0x0]  }
0xb9: {  	v59 =	vld [tilespmem:s31+$0xFFFFFFD0];
	v1 =	vadd.f32 v3, v1;
	v3 =	vmul.f32 v7, v8  }
0xba: {  	v60 =	vld [tilespmem:s1+$0x10]  }
0xbb: {  	v61 =	vld [tilespmem:s1+$0x20];
	v2 =	vmul.f32 v2, v56;
	v1 =	vadd.f32 v3, v1  }
0xbc: {  	v3 =	vld [tilespmem:s31+$0xFFFFFFE0]  }
0xbd: {  	v62 =	vld [tilespmem:s31+$0xFFFFFFF0];
	v1 =	vadd.f32 v2, v1;
	v2 =	vmul.f32 v57, v58  }
0xbe: {  	v63 =	vld [tilespmem:s1+$0x30]  }
0xbf: {  	v1 =	vadd.f32 v2, v1;
	v2 =	vmul.f32 v59, v60;
	_ =	sdelay $0x1  }
0xc0: {  	v1 =	vadd.f32 v2, v1;
	v2 =	vmul.f32 v3, v61;
	_ =	sdelay $0x1  }
0xc1: {  	v1 =	vadd.f32 v2, v1;
	v2 =	vmul.f32 v62, v63;
	_ =	sdelay $0x1  }
0xc2: {  	v1 =	vadd.f32 v2, v1;
	_ =	sdelay $0x1  }
0xc3: {  	(xrf2) =	vadd.scan.msk.f32 $0xffff, v1;
	_ =	sdelay $0x9  }
0xc4: {  	v1, _, _ =	vpop (xrf2)  }
0xc5: {  	(v2sf) =	vpush v1, $0xF;
	_ =	sdelay $0xe  }
0xc6: {  	s13 =	spop (v2sf)  }
0xc7: {  	s1 =	smul.f32 $8.838834610e-02, s13;
	_ =	sdelay $0x1  }
0xc8: {  	v1 =	vmov s1  }
0xc9: {  	v1 =	vmul.f32 $1.442695020e+00, v1;
	_ =	sdelay $0x1  }
0xca: {  	v1 =	vbroadcast v1, $0x0;
	_ =	sdelay $0x1  }
0xcb: {  	(erf) = vpow2.f32 v1;
	_ =	sdelay $0x4  }
0xcc: {  	v1 =	vld [tilespmem:s31+$0x0];
	_ =	sdelay $0x3  }
0xcd: {  	v2 =	vpop (erf)  }
0xce: {  	v1 =	vmul.f32 v2, v1  }
0xcf: {  	s29 =	sadd.s32 $0x80, s29  }
0xd0: {  	[tilespmem:s29+$0xFFFFFFC0] =	vst v1  }
0xd1: {  	v1 =	vld [tilespmem:s31+$0x10];
	_ =	sdelay $0x4  }
0xd2: {  	v1 =	vmul.f32 v2, v1;
	_ =	sdelay $0x1  }
0xd3: {  	[tilespmem:s29+$0xFFFFFFD0] =	vst v1  }
0xd4: {  	v1 =	vld [tilespmem:s31+$0x20];
	_ =	sdelay $0x4  }
0xd5: {  	v1 =	vmul.f32 v2, v1;
	_ =	sdelay $0x1  }
0xd6: {  	[tilespmem:s29+$0xFFFFFFE0] =	vst v1  }
0xd7: {  	v1 =	vld [tilespmem:s31+$0x30];
	_ =	sdelay $0x4  }
0xd8: {  	v1 =	vmul.f32 v2, v1;
	_ =	sdelay $0x1  }
0xd9: {  	[tilespmem:s29+$0xFFFFFFF0] =	vst v1  }
0xda: {  	v1 =	vld [tilespmem:s31+$0x40];
	_ =	sdelay $0x4  }
0xdb: {  	v1 =	vmul.f32 v2, v1;
	_ =	sdelay $0x1  }
0xdc: {  	[tilespmem:s29+$0x0] =	vst v1  }
0xdd: {  	v1 =	vld [tilespmem:s31+$0x50];
	_ =	sdelay $0x4  }
0xde: {  	v1 =	vmul.f32 v1, v2;
	_ =	sdelay $0x1  }
0xdf: {  	[tilespmem:s29+$0x10] =	vst v1  }
0xe0: {  	v1 =	vld [tilespmem:s31+$0x60];
	_ =	sdelay $0x4  }
0xe1: {  	v1 =	vmul.f32 v1, v2;
	_ =	sdelay $0x1  }
0xe2: {  	[tilespmem:s29+$0x20] =	vst v1  }
0xe3: {  	v1 =	vld [tilespmem:s31+$0x70];
	_ =	sdelay $0x4  }
0xe4: {  	v1 =	vmul.f32 v1, v2;
	_ =	sdelay $0x1  }
0xe5: {  	[tilespmem:s29+$0x30] =	vst v1  }
0xe6: {  	v1 =	vld [tilespmem:s0+$0x82A0];
	_ =	sdelay $0x3  }
0xe7: {  	v3 =	vmul.f32 v0, v2  }
0xe8: {  	s30 =	sadd.s32 $0x20, s30;
	v1 =	vmul.f32 v1, v2  }
0xe9: {  	[tilespmem:s30+$0x0] =	vst v3  }
0xea: {  	[tilespmem:s30+$0xFFFFFFF0] =	vst v1  }
0xeb: {  	[spmem:s3] =	stream.indirect.scatter.add.f32 [tilespmem:s23], [sflag:$0x3], $0x80, s17, s17, $0xb8;
	[tilespmem:$0x1F9A0] =	vst v63  }
0xec: {  	s26 =	sadd.s32 $0x1, s26;
	_ =	swait.ge [sflag:s16], $0x2800  }
0xed: {  	p0 =	sne.s32 s26, $0x7D;
	s31 =	sshll.u32 s28, $0x2;
	[sflag:s16] =	ssyncset.done $0x0  }
.Ltmp1:
0xee: {  	s0 =	sadd.s32 s10, s31;
	[sflag:s16] =	ssyncadd.s32 $0xFFFFD800;
	(pc) =	sbr.rel @p0 .LBB2_2-.Ltmp1, $4  }
0xef: {  	[hbm4b:s0+s4] =	stream.linear.scatter [tilespmem:s24], [sflag:$0x3], $0xA00, $0x38;
	[tilespmem:$0x1F9A0] =	vst v63  }
0xf0: {  	_ =	swait.ge [sflag:s16], $0xA00  }
0xf1: {  	[sflag:s16] =	ssyncset.done $0x0  }
0xf2: {  	[sflag:s16] =	ssyncadd.s32 $0xFFFFF600  }
0xf3: {  	s25 =	sadd.s32 $0x1, s25  }
0xf4: {  	[bflag:$0x0] =	sbarrier.arrive $0xFFFF;
	p0 =	sne.s32 s25, s14  }
.Ltmp2:
0xf5: {  	s0 =	rddreg [dreg:$0x5];
	(pc) =	sbr.rel @p0 .LBB2_1-.Ltmp2, $4  }
0xf6: {  	[hbm:s0], [sflag:s11] =	dma.local [spmem:s15], $0x2800  }
0xf7: {  	_ =	swait.ge [sflag:s16], $0x2800  }
0xf8: {  	[sflag:s16] =	ssyncset.done $0x0  }
0xf9: {  	[sflag:s16] =	ssyncadd.s32 $0xFFFFD800  }
0xfa: {  	_ =	sfence.sel $0x180000  }
0xfb: {  	[bflag:$0x0] =	sbarrier.arrive $0xFFFF  }
0xfc: {  	_ =	strace $0x9000004D  }
0xfd: {  	s0 =	stileid.u32;
	[bflag:$0x2] =	sbarrier.arrive $0xFFFF  }
0xfe: {  	p0 =	sne.s32 s0, $0x0;
	s0 =	rddreg [dreg:$0x3]  }
0xff: {  	s0 =	sadd.s32 @!p0 $0x100000, s0  }
0x100: {  	[sflag:s0] =	ssyncadd.tile.s32 @!p0 $0x1;
	_ =	shalt  }
.Lfunc_end2:
_tile_overlayer_lowered:
.L_overlay_start_2:
0x101: {  	(tag) =	ssettag $0x2  }
0x102: {  	s0 =	rddreg [dreg:$0x0];
	s2 =	stileid.u32  }
0x103: {  	s1 =	rddreg [dreg:$0x1];
	p0 =	sne.s32 s2, $0x0  }
0x104: {  	s3 =	rddreg [dreg:$0x2];
	[bflag:$0x3] =	sbarrier.arrive $0xFFFF;
	s2 =	simm.s32 @!p0 $0x1C03  }
0x105: {  	[timem:s3], [sflag:s2] =	dma.local @!p0 [hbm:s0], s1  }
0x106: {  	s0 =	simm.s32 @!p0 $0x3  }
0x107: {  	_ =	swait.ge @!p0 [sflag:s0], s1  }
0x108: {  	s1 =	ssub.s32 @!p0 $0x0, s1;
	[sflag:s0] =	ssyncset.done @!p0 $0x0  }
0x109: {  	[sflag:s0] =	ssyncadd.s32 @!p0 s1  }
0x10a: {  	[bflag:$0x3] =	sbarrier.arrive $0xFFFF  }
0x10b: {  	_ =	shalt  }

// kernel: kernel.26.cloned.1.call-start
scs
__scs_entry_jumppad:
0x0: {  	(pc) =	sbr.rel $0x88, $3  }
0x1: {  	(tag) =	ssettag $0x0;
	lr =	simm.s32 $0x1  }
0x2: {  	[smem:$0x3F8E] =	sst lr;
	_ =	strace $0xD0000000  }
0x3: {  	_ = 	snop  }
0x4: {  	_ = 	snop  }
0x5: {  	_ = 	snop  }
0x6: {  	_ = 	snop  }
0x7: {  	_ = 	snop  }
__scs_overlays_trampoline_lowered:
0x8: {  	[smem:$0x3F9D] =	sst s0  }
0x9: {  	[smem:$0x3F9E] =	sst s1  }
0xa: {  	[smem:$0x3F9F] =	sst s2  }
0xb: {  	[smem:$0x3FA0] =	sst s3  }
0xc: {  	[smem:$0x3FA1] =	sst s4  }
0xd: {  	[smem:$0x3FA2] =	sst s5  }
0xe: {  	[smem:$0x3FA3] =	sst s6  }
0xf: {  	[smem:$0x3FA4] =	sst s7  }
0x10: {  	[smem:$0x3FA5] =	sst s8  }
0x11: {  	[smem:$0x3FA6] =	sst s9;
	s0 =	simm.s32 @!p0 $0x0  }
0x12: {  	s1 =	sld [smem:$0x3F8C];
	s0 =	simm.s32 @p0 $0x1  }
0x13: {  	[smem:$0x3FA7] =	sst s0;
	s0 =	simm.s32 @!p1 $0x0  }
0x14: {  	s2 =	sld [smem:$0x3F8B];
	s0 =	simm.s32 @p1 $0x1  }
0x15: {  	[smem:$0x3FA8] =	sst s0;
	s0 =	simm.s32 @!p2 $0x0  }
0x16: {  	s3 =	sld [smem:$0x3FDB];
	s0 =	simm.s32 @p2 $0x1  }
0x17: {  	s4 =	simm.s32 $0x1BF5;
	[smem:$0x3FAA] =	sst s0  }
0x18: {  	s0 =	sld [smem:$0x3F8D];
	_ =	swait.ge [sflag:s4], $0x0  }
0x19: {  	s7 =	sld [smem:$0x3F8E]  }
0x1a: {  	s8 =	sadd.s32 $0xFFFFE003, lr  }
0x1b: {  	s9 =	sadd.s32 $0xFFFFFEF7, lr;
	s5 =	simm.s32 $0xFFFFFFFF;
	p2 =	slt.u32 s8, $0xFFFFF086  }
0x1c: {  	p1 =	slt.u32 s9, $0xF7A;
	s5 =	simm.s32 @!p2 $0x0  }
0x1d: {  	s5 =	simm.s32 @p1 $0x1;
	p0 =	seq.s32 s7, s2  }
0x1e: {  	s7 =	smul.u32 @!p0 $0xF7A, s2;
	p2 =	seq.s32 @!p0 s5, $0x0  }
0x1f: {  	s9 =	smul.u32 $0xF7A, s1;
	s8 =	simm.s32 @!p0 $0x1BF5;
	p2 =	por !p2, p0  }
0x20: {  	[sflag:s8] =	ssyncset.s32 @!p0 $0xFFFFF086;
	s6 =	sadd.s32 @!p0 s3, s7;
	s7 =	simm.s32 @!p0 $0x108  }
0x21: {  	s3 =	sadd.s32 s3, s9;
	s6 =	sadd.s32 @!p0 $0x88, s6;
	s7 =	simm.s32 @p2 $0x1082  }
0x22: {  	[simem:s7], [sflag:s8] =	dma.local @!p0 [hbm:s6], $0xF7A  }
0x23: {  	s9 =	sor.u32 $0xD0000000, s2;
	s6 =	simm.s32 $0x108;
	_ =	swait.ge @!p0 [sflag:s8], $0x0  }
0x24: {  	s3 =	sadd.s32 $0x88, s3;
	s6 =	simm.s32 @!p1 $0x1082;
	[sflag:s4] =	ssyncset.s32 $0xFFFFF086  }
0x25: {  	[simem:s6], [sflag:s4] =	dma.local [hbm:s3], $0xF7A  }
0x26: {  	[smem:$0x3F8E] =	sst s1;
	(tag) =	ssettag s2;
	_ =	strace s9  }
0x27: {  	s1 =	sld [smem:$0x3F9E]  }
0x28: {  	s2 =	sld [smem:$0x3F9F]  }
0x29: {  	s4 =	sld [smem:$0x3FA1]  }
0x2a: {  	p0 =	seq.s32 s5, $0x0;
	s5 =	sld [smem:$0x3FA2]  }
0x2b: {  	s6 =	sld [smem:$0x3FA3]  }
0x2c: {  	s7 =	sld [smem:$0x3FA4]  }
0x2d: {  	s3 =	simm.s32 $0x108;
	s8 =	sld [smem:$0x3FA5]  }
0x2e: {  	s3 =	simm.s32 @!p0 $0x1082;
	s9 =	sld [smem:$0x3FA6]  }
0x2f: {  	lr =	sadd.s32 s0, s3;
	s0 =	sld [smem:$0x3F9D]  }
0x30: {  	s3 =	sld [smem:$0x3FA0]  }
0x31: {  	[smem:$0x3FA9] =	sst s10  }
0x32: {  	s10 =	sld [smem:$0x3FA7];
	_ =	sdelay $0x3  }
0x33: {  	p0 =	seq.s32 s10, $0x1;
	s10 =	sld [smem:$0x3FA9];
	_ =	sdelay $0x3  }
0x34: {  	[smem:$0x3FA9] =	sst s10  }
0x35: {  	s10 =	sld [smem:$0x3FA8];
	_ =	sdelay $0x3  }
0x36: {  	p1 =	seq.s32 s10, $0x1;
	s10 =	sld [smem:$0x3FA9];
	_ =	sdelay $0x3  }
0x37: {  	[smem:$0x3FA9] =	sst s10  }
0x38: {  	s10 =	sld [smem:$0x3FAA]  }
0x39: {  	_ = 	snop;
	(pc) =	sbr.ind lr, $3  }
0x3a: {  	_ = 	snop  }
0x3b: {  	_ = 	snop  }
0x3c: {  	p2 =	seq.s32 s10, $0x1;
	s10 =	sld [smem:$0x3FA9]  }
0x3d: {  	_ =	shalt  }
0x3e: {  	_ =	shalt  }
0x3f: {  	_ =	shalt  }
0x40: {  	_ =	shalt  }
0x41: {  	_ =	shalt  }
0x42: {  	_ =	shalt  }
0x43: {  	_ =	shalt  }
0x44: {  	_ =	shalt  }
0x45: {  	_ =	shalt  }
0x46: {  	_ =	shalt  }
0x47: {  	_ =	shalt  }
0x48: {  	_ =	shalt  }
0x49: {  	_ =	shalt  }
0x4a: {  	_ =	shalt  }
0x4b: {  	_ =	shalt  }
0x4c: {  	_ =	shalt  }
0x4d: {  	_ =	shalt  }
0x4e: {  	_ =	shalt  }
0x4f: {  	_ =	shalt  }
0x50: {  	_ =	shalt  }
0x51: {  	_ =	shalt  }
0x52: {  	_ =	shalt  }
0x53: {  	_ =	shalt  }
0x54: {  	_ =	shalt  }
0x55: {  	_ =	shalt  }
0x56: {  	_ =	shalt  }
0x57: {  	_ =	shalt  }
0x58: {  	_ =	shalt  }
0x59: {  	_ =	shalt  }
0x5a: {  	_ =	shalt  }
0x5b: {  	_ =	shalt  }
0x5c: {  	_ =	shalt  }
0x5d: {  	_ =	shalt  }
0x5e: {  	_ =	shalt  }
0x5f: {  	_ =	shalt  }
0x60: {  	_ =	shalt  }
0x61: {  	_ =	shalt  }
0x62: {  	_ =	shalt  }
0x63: {  	_ =	shalt  }
0x64: {  	_ =	shalt  }
0x65: {  	_ =	shalt  }
0x66: {  	_ =	shalt  }
0x67: {  	_ =	shalt  }
0x68: {  	_ =	shalt  }
0x69: {  	_ =	shalt  }
0x6a: {  	_ =	shalt  }
0x6b: {  	_ =	shalt  }
0x6c: {  	_ =	shalt  }
0x6d: {  	_ =	shalt  }
0x6e: {  	_ =	shalt  }
0x6f: {  	_ =	shalt  }
0x70: {  	_ =	shalt  }
0x71: {  	_ =	shalt  }
0x72: {  	_ =	shalt  }
0x73: {  	_ =	shalt  }
0x74: {  	_ =	shalt  }
0x75: {  	_ =	shalt  }
0x76: {  	_ =	shalt  }
0x77: {  	_ =	shalt  }
0x78: {  	_ =	shalt  }
0x79: {  	_ =	shalt  }
0x7a: {  	_ =	shalt  }
0x7b: {  	_ =	shalt  }
0x7c: {  	_ =	shalt  }
0x7d: {  	_ =	shalt  }
0x7e: {  	_ =	shalt  }
0x7f: {  	_ =	shalt  }
0x80: {  	_ =	shalt  }
0x81: {  	_ =	shalt  }
0x82: {  	_ =	shalt  }
0x83: {  	_ =	shalt  }
0x84: {  	_ =	shalt  }
0x85: {  	_ =	shalt  }
0x86: {  	_ =	shalt  }
0x87: {  	_ =	shalt  }
.Lfunc_end0:
.L_simem_size_0:
called_computation.3_lowered:
.L_overlay_start_0:
0x88: {  	s2 =	sld [smem:$0x3FD9]  }
0x89: {  	s3 =	sld [smem:$0x3FFE];
	_ =	sdelay $0x1  }
0x8a: {  	s1 =	srdreg.scid  }
0x8b: {  	s0 =	sand.u32 $0x1, s1  }
0x8c: {  	s17 =	sshll.u32 s0, $0xA;
	s2 =	sadd.s32 s3, s2  }
0x8d: {  	s2 =	sadd.s32 s2, s17  }
0x8e: {  	[smem:$0x3FB5] =	sst s2  }
0x8f: {  	_ = 	snop  }
0x90: {  	s2 =	sld [smem:$0x3FD0];
	(tm) =	ssettm $0x1  }
0x91: {  	s18 =	sld [smem:$0x3FFB];
	_ =	sdelay $0x3  }
0x92: {  	_ =	strace s18  }
0x93: {  	s3 =	sld [smem:$0x3FFC];
	_ =	sdelay $0x3  }
0x94: {  	_ =	strace s3  }
0x95: {  	s3 =	sld [smem:$0x3FFD];
	_ =	sdelay $0x3  }
0x96: {  	_ =	strace s3  }
0x97: {  	_ =	strace $0x8FFFFFFF  }
0x98: {  	s19 =	sld [smem:$0x3FDB];
	_ =	sdelay $0x1  }
0x99: {  	s4 =	simm.s32 $_scs_section_size  }
0x9a: {  	s5 =	simm.s32 $_size__tile_overlayer_lowered;
	s6 =	simm.s32 $_tile_overlayer_lowered  }
0x9b: {  	s22 =	simm.s32 $0x1BFF;
	s21 =	sshll.u32 s6, $0x1;
	s3 =	sadd.s32 s4, s19  }
0x9c: {  	s7 =	simm.s32 $0x0;
	s20 =	sshll.u32 s5, $0x1;
	s5 =	sadd.s32 s21, s3  }
0x9d: {  	[timem:s7], [sflag:s22] =	dma.local [hbm:s5], s20  }
0x9e: {  	_ =	swait.ge [sflag:s22], s20  }
0x9f: {  	s4 =	ssub.s32 $0x0, s20;
	[sflag:s22] =	ssyncset.done $0x0  }
0xa0: {  	[sflag:s22] =	ssyncadd.s32 s4;
	_ =	sdelay $0x1  }
0xa1: {  	s23 =	simm.s32 $0x1B8B  }
0xa2: {  	_ =	swait.ge [sflag:s23], $0x1  }
0xa3: {  	[sflag:s23] =	ssyncset.done $0x0  }
0xa4: {  	s25 =	simm.s32 $0x1B8E;
	s24 =	sld [smem:$0x3FFE];
	[sflag:s23] =	ssyncadd.s32 $0xFFFFFFFF  }
0xa5: {  	s26 =	simm.s32 $execute0_lowered;
	[smem:$0x3FD2] =	sst s25  }
0xa6: {  	s5 =	sshll.u32 s26, $0x1;
	_ =	strace $0x8000004F;
	[dreg:$0x1] =	wrdreg $0xFFFFFFFF  }
0xa7: {  	s28 =	simm.s32 $_size_execute0_lowered;
	s3 =	sadd.s32 s3, s5;
	[dreg:$0x0] =	wrdreg $0x0  }
0xa8: {  	s5 =	sshll.u32 s28, $0x1;
	[dreg:$0x2] =	wrdreg s3  }
0xa9: {  	[dreg:$0x3] =	wrdreg s5  }
0xaa: {  	[dreg:$0x4] =	wrdreg $0xC0  }
0xab: {  	_ =	task [dreg:s7], $0x5FFFF  }
0xac: {  	[dreg:$0x1] =	wrdreg $0xFFFFFFFF  }
0xad: {  	[dreg:$0x0] =	wrdreg $0x60  }
0xae: {  	[dreg:$0x2] =	wrdreg s24  }
0xaf: {  	[dreg:$0x3] =	wrdreg s2  }
0xb0: {  	[dreg:$0x4] =	wrdreg $0xA500  }
0xb1: {  	[dreg:$0x5] =	wrdreg $0x9  }
0xb2: {  	_ =	task.clear_ibuf [dreg:s7], $0x6FFFF;
	_ =	strace $0x9000004F  }
0xb3: {  	s29 =	simm.s32 $0x9;
	_ =	strace $0x80000051  }
0xb4: {  	_ =	swait.ge [sflag:s29], $0x1  }
0xb5: {  	[sflag:s29] =	ssyncadd.s32 $0xFFFFFFFF  }
0xb6: {  	_ =	strace $0x90000051  }
0xb7: {  	_ =	sfence  }
0xb8: {  	s30 =	sld [smem:$0x0];
	_ =	sdelay $0x2  }
0xb9: {  	s31 =	sshll.u32 s1, $0xD;
	s1 =	sshrl.u32 s1, $0x2  }
0xba: {  	s3 =	sand.u32 $0x4000, s31;
	s1 =	sadd.s32 s1, s30  }
0xbb: {  	s0 =	sor.u32 s3, s0;
	s1 =	sshll.u32 s1, $0x11  }
0xbc: {  	s0 =	sor.u32 s1, s0  }
0xbd: {  	s0 =	sadd.s32 $0x8F2B, s0  }
0xbe: {  	[sflag:s0] =	ssyncadd.remote.s32 $0x1  }
0xbf: {  	_ =	sfence.sel $0xFFFF  }
0xc0: {  	[dreg:$0x0] =	wrdreg $0xFFFFFFFF;
	(pc) =	sbr.abs _section_cstart, $3  }
0xc1: {  	[dreg:$0x1] =	wrdreg $0xFFFFFFFF  }
0xc2: {  	_ =	task.clear_ibuf [dreg:s7], $0x2FFFF;
	_ =	strace $0x9FFFFFFF  }
0xc3: {  	(tm) =	ssettm $0x7FFFFFFF  }
tec
execute0_lowered:
.L_overlay_start_1:
0x0: {  	(tag) =	ssettag $0x1  }
0x1: {  	s5 =	rddreg [dreg:$0x0]  }
0x2: {  	s9 =	rddreg [dreg:$0x1];
	s1 =	stileid.u32  }
0x3: {  	s0 =	srdreg.scid;
	s7 =	smul.u32 $0x5000, s1  }
0x4: {  	s2 =	rddreg [dreg:$0x2];
	s3 =	simm.s32 $0x0;
	s26 =	smul.u32 $0x2710, s1  }
0x5: {  	s6 =	sand.u32 $0x1, s0;
	s0 =	rddreg [dreg:$0x3];
	s14 =	smul.u32 $0x9C40, s1  }
0x6: {  	[smem:$0x7FF] =	sst s3;
	s29 =	sshll.u32 s1, $0x6;
	s4 =	smul.u32 $0x9C400, s6  }
0x7: {  	s8 =	smul.u32 $0x50000, s6;
	_ =	strace $0x80000050;
	s11 =	ssub.s32 $0x2, s6  }
0x8: {  	s13 =	smul.u32 $0x27100, s6;
	s12 =	sshrl.u32 s11, $0x1;
	s28 =	sadd.s32 s7, s2  }
0x9: {  	s10 =	sadd.s32 s4, s5;
	s4 =	sadd.s32 $0x1BC00, s5;
	s8 =	sadd.s32 s7, s8  }
0xa: {  	s25 =	ssub.s32 s11, s12;
	s11 =	sadd.s32 s26, s13;
	s12 =	simm.s32 $0x50  }
0xb: {  	s13 =	simm.s32 $0x0;
	s8 =	sshrl.u32 s8, $0x3;
	s7 =	smax.u32 s25, $0x1  }
0xc: {  	s30 =	sadd.s32 s14, s10;
	s31 =	sshrl.u32 s11, $0x3;
	s10 =	sshrl.u32 s28, $0x3  }
0xd: {  	s11 =	simm.s32 $0x1;
	s24 =	sadd.s32 s8, s5;
	s5 =	sor.u32 $0x1C01, s29  }
0xe: {  	s8 =	sadd.s32 $0x100400, s30;
	s9 =	sadd.s32 s31, s9;
	s6 =	sadd.s32 $0x1C600, s24  }
.LBB2_1:
0xf: {  	[spmem:s10], [sflag:s5] =	dma.local [hbm:s4], $0xA00  }
0x10: {  	_ =	swait.ge [sflag:s11], $0xA00  }
0x11: {  	[sflag:s11] =	ssyncset.done $0x0  }
0x12: {  	[sflag:s11] =	ssyncadd.s32 $0xFFFFF600  }
0x13: {  	s14 =	sadd.s32 $0x0, s9;
	[bflag:$0x0] =	sbarrier.arrive $0xFFFF  }
0x14: {  	[tilespmem:s3], [sflag:$0x1] =	stream.linear.gather [hbm4b:s14+s3], $0x50, $0x38;
	[tilespmem:$0x5A50] =	vst v63  }
0x15: {  	_ =	swait.ge [sflag:s11], $0x50  }
0x16: {  	[sflag:s11] =	ssyncset.done $0x0  }
0x17: {  	[sflag:s11] =	ssyncadd.s32 $0xFFFFFFB0  }
0x18: {  	[tilespmem:s12], [sflag:$0x1] =	stream.linear.gather [hbm4b:s8+s3], $0xA00, $0x38;
	[tilespmem:$0x5A50] =	vst v63  }
0x19: {  	_ =	swait.ge [sflag:s11], $0xA00  }
0x1a: {  	[sflag:s11] =	ssyncset.done $0x0  }
0x1b: {  	[sflag:s11] =	ssyncadd.s32 $0xFFFFF600  }
0x1c: {  	[spmem:s2] =	stream.indirect.scatter.add.f32 [tilespmem:s12], [sflag:$0x1], $0x20, s3, s12, $0xb8;
	[tilespmem:$0x5A50] =	vst v63  }
0x1d: {  	s15 =	simm.s32 $0xA;
	_ =	swait.ge [sflag:s11], $0xA00  }
0x1e: {  	s16 =	simm.s32 $0x14;
	s14 =	sadd.s32 $0x140, s8;
	[sflag:s11] =	ssyncset.done $0x0  }
.LBB2_2:
0x1f: {  	s17 =	sadd.s32 s15, s9  }
0x20: {  	[sflag:s11] =	ssyncadd.s32 $0xFFFFF600;
	s15 =	smov.u32 s16;
	s18 =	sadd.s32 $0xA, s16  }
0x21: {  	[tilespmem:s3], [sflag:$0x1] =	stream.linear.gather [hbm4b:s17+s3], $0x50, $0x38;
	[tilespmem:$0x5A50] =	vst v63  }
0x22: {  	p0 =	sne.s32 s16, $0x4D8;
	_ =	swait.ge [sflag:s11], $0x50  }
0x23: {  	[sflag:s11] =	ssyncset.done $0x0  }
0x24: {  	[sflag:s11] =	ssyncadd.s32 $0xFFFFFFB0  }
0x25: {  	[tilespmem:s12], [sflag:$0x1] =	stream.linear.gather [hbm4b:s14+s3], $0xA00, $0x38;
	[tilespmem:$0x5A50] =	vst v63  }
0x26: {  	_ =	swait.ge [sflag:s11], $0xA00  }
.Ltmp0:
0x27: {  	[sflag:s11] =	ssyncset.done $0x0;
	(pc) =	sbr.rel @p0 .LBB2_2-.Ltmp0, $4  }
0x28: {  	[sflag:s11] =	ssyncadd.s32 $0xFFFFF600  }
0x29: {  	[spmem:s2] =	stream.indirect.scatter.add.f32 [tilespmem:s12], [sflag:$0x1], $0x20, s3, s12, $0xb8;
	[tilespmem:$0x5A50] =	vst v63  }
0x2a: {  	_ =	swait.ge [sflag:s11], $0xA00  }
0x2b: {  	s16 =	smov.u32 s18;
	s14 =	sadd.s32 $0x140, s14;
	[sflag:s11] =	ssyncset.done $0x0  }
0x2c: {  	s15 =	sadd.s32 s15, s9;
	[sflag:s11] =	ssyncadd.s32 $0xFFFFF600  }
0x2d: {  	[tilespmem:s3], [sflag:$0x1] =	stream.linear.gather [hbm4b:s15+s3], $0x50, $0x38;
	[tilespmem:$0x5A50] =	vst v63  }
0x2e: {  	_ =	swait.ge [sflag:s11], $0x50  }
0x2f: {  	[sflag:s11] =	ssyncset.done $0x0  }
0x30: {  	[sflag:s11] =	ssyncadd.s32 $0xFFFFFFB0  }
0x31: {  	[tilespmem:s12], [sflag:$0x1] =	stream.linear.gather [hbm4b:s14+s3], $0xA00, $0x38;
	[tilespmem:$0x5A50] =	vst v63  }
0x32: {  	_ =	swait.ge [sflag:s11], $0xA00  }
0x33: {  	[sflag:s11] =	ssyncset.done $0x0  }
0x34: {  	[sflag:s11] =	ssyncadd.s32 $0xFFFFF600  }
0x35: {  	[spmem:s2] =	stream.indirect.scatter.add.f32 [tilespmem:s12], [sflag:$0x1], $0x20, s3, s12, $0xb8;
	[tilespmem:$0x5A50] =	vst v63  }
0x36: {  	_ =	swait.ge [sflag:s11], $0xA00  }
0x37: {  	s13 =	sadd.s32 $0x1, s13;
	[sflag:s11] =	ssyncset.done $0x0  }
0x38: {  	p0 =	sne.s32 s13, s7;
	[sflag:s11] =	ssyncadd.s32 $0xFFFFF600  }
.Ltmp1:
0x39: {  	[bflag:$0x0] =	sbarrier.arrive $0xFFFF;
	(pc) =	sbr.rel @p0 .LBB2_1-.Ltmp1, $4  }
0x3a: {  	[hbm:s6], [sflag:s5] =	dma.local [spmem:s10], $0xA00  }
0x3b: {  	_ =	swait.ge [sflag:s11], $0xA00  }
0x3c: {  	[sflag:s11] =	ssyncset.done $0x0  }
0x3d: {  	[sflag:s11] =	ssyncadd.s32 $0xFFFFF600  }
0x3e: {  	_ =	sfence.sel $0x180000  }
0x3f: {  	[bflag:$0x0] =	sbarrier.arrive $0xFFFF  }
0x40: {  	p0 =	sne.s32 s1, $0x0;
	_ =	strace $0x90000050  }
0x41: {  	s0 =	sadd.s32 @!p0 $0x100000, s0;
	[bflag:$0x2] =	sbarrier.arrive $0xFFFF  }
0x42: {  	[sflag:s0] =	ssyncadd.tile.s32 @!p0 $0x1;
	_ =	shalt  }
.Lfunc_end2:
_tile_overlayer_lowered:
.L_overlay_start_2:
0x43: {  	(tag) =	ssettag $0x2  }
0x44: {  	s0 =	rddreg [dreg:$0x0];
	s2 =	stileid.u32  }
0x45: {  	s1 =	rddreg [dreg:$0x1];
	p0 =	sne.s32 s2, $0x0  }
0x46: {  	s3 =	rddreg [dreg:$0x2];
	[bflag:$0x3] =	sbarrier.arrive $0xFFFF;
	s2 =	simm.s32 @!p0 $0x1C01  }
0x47: {  	[timem:s3], [sflag:s2] =	dma.local @!p0 [hbm:s0], s1  }
0x48: {  	s0 =	simm.s32 @!p0 $0x1  }
0x49: {  	_ =	swait.ge @!p0 [sflag:s0], s1  }
0x4a: {  	s1 =	ssub.s32 @!p0 $0x0, s1;
	[sflag:s0] =	ssyncset.done @!p0 $0x0  }
0x4b: {  	[sflag:s0] =	ssyncadd.s32 @!p0 s1  }
0x4c: {  	[bflag:$0x3] =	sbarrier.arrive $0xFFFF  }
0x4d: {  	_ =	shalt  }

// kernel: kernel.29.cloned.1.call-start
scs
__scs_entry_jumppad:
0x0: {  	(pc) =	sbr.rel $0x88, $3  }
0x1: {  	(tag) =	ssettag $0x0;
	lr =	simm.s32 $0x1  }
0x2: {  	[smem:$0x3F8E] =	sst lr;
	_ =	strace $0xD0000000  }
0x3: {  	_ = 	snop  }
0x4: {  	_ = 	snop  }
0x5: {  	_ = 	snop  }
0x6: {  	_ = 	snop  }
0x7: {  	_ = 	snop  }
__scs_overlays_trampoline_lowered:
0x8: {  	[smem:$0x3F9D] =	sst s0  }
0x9: {  	[smem:$0x3F9E] =	sst s1  }
0xa: {  	[smem:$0x3F9F] =	sst s2  }
0xb: {  	[smem:$0x3FA0] =	sst s3  }
0xc: {  	[smem:$0x3FA1] =	sst s4  }
0xd: {  	[smem:$0x3FA2] =	sst s5  }
0xe: {  	[smem:$0x3FA3] =	sst s6  }
0xf: {  	[smem:$0x3FA4] =	sst s7  }
0x10: {  	[smem:$0x3FA5] =	sst s8  }
0x11: {  	[smem:$0x3FA6] =	sst s9;
	s0 =	simm.s32 @!p0 $0x0  }
0x12: {  	s1 =	sld [smem:$0x3F8C];
	s0 =	simm.s32 @p0 $0x1  }
0x13: {  	[smem:$0x3FA7] =	sst s0;
	s0 =	simm.s32 @!p1 $0x0  }
0x14: {  	s2 =	sld [smem:$0x3F8B];
	s0 =	simm.s32 @p1 $0x1  }
0x15: {  	[smem:$0x3FA8] =	sst s0;
	s0 =	simm.s32 @!p2 $0x0  }
0x16: {  	s3 =	sld [smem:$0x3FDB];
	s0 =	simm.s32 @p2 $0x1  }
0x17: {  	s4 =	simm.s32 $0x1BF5;
	[smem:$0x3FAA] =	sst s0  }
0x18: {  	s0 =	sld [smem:$0x3F8D];
	_ =	swait.ge [sflag:s4], $0x0  }
0x19: {  	s7 =	sld [smem:$0x3F8E]  }
0x1a: {  	s8 =	sadd.s32 $0xFFFFE003, lr  }
0x1b: {  	s9 =	sadd.s32 $0xFFFFFEF7, lr;
	s5 =	simm.s32 $0xFFFFFFFF;
	p2 =	slt.u32 s8, $0xFFFFF086  }
0x1c: {  	p1 =	slt.u32 s9, $0xF7A;
	s5 =	simm.s32 @!p2 $0x0  }
0x1d: {  	s5 =	simm.s32 @p1 $0x1;
	p0 =	seq.s32 s7, s2  }
0x1e: {  	s7 =	smul.u32 @!p0 $0xF7A, s2;
	p2 =	seq.s32 @!p0 s5, $0x0  }
0x1f: {  	s9 =	smul.u32 $0xF7A, s1;
	s8 =	simm.s32 @!p0 $0x1BF5;
	p2 =	por !p2, p0  }
0x20: {  	[sflag:s8] =	ssyncset.s32 @!p0 $0xFFFFF086;
	s6 =	sadd.s32 @!p0 s3, s7;
	s7 =	simm.s32 @!p0 $0x108  }
0x21: {  	s3 =	sadd.s32 s3, s9;
	s6 =	sadd.s32 @!p0 $0x88, s6;
	s7 =	simm.s32 @p2 $0x1082  }
0x22: {  	[simem:s7], [sflag:s8] =	dma.local @!p0 [hbm:s6], $0xF7A  }
0x23: {  	s9 =	sor.u32 $0xD0000000, s2;
	s6 =	simm.s32 $0x108;
	_ =	swait.ge @!p0 [sflag:s8], $0x0  }
0x24: {  	s3 =	sadd.s32 $0x88, s3;
	s6 =	simm.s32 @!p1 $0x1082;
	[sflag:s4] =	ssyncset.s32 $0xFFFFF086  }
0x25: {  	[simem:s6], [sflag:s4] =	dma.local [hbm:s3], $0xF7A  }
0x26: {  	[smem:$0x3F8E] =	sst s1;
	(tag) =	ssettag s2;
	_ =	strace s9  }
0x27: {  	s1 =	sld [smem:$0x3F9E]  }
0x28: {  	s2 =	sld [smem:$0x3F9F]  }
0x29: {  	s4 =	sld [smem:$0x3FA1]  }
0x2a: {  	p0 =	seq.s32 s5, $0x0;
	s5 =	sld [smem:$0x3FA2]  }
0x2b: {  	s6 =	sld [smem:$0x3FA3]  }
0x2c: {  	s7 =	sld [smem:$0x3FA4]  }
0x2d: {  	s3 =	simm.s32 $0x108;
	s8 =	sld [smem:$0x3FA5]  }
0x2e: {  	s3 =	simm.s32 @!p0 $0x1082;
	s9 =	sld [smem:$0x3FA6]  }
0x2f: {  	lr =	sadd.s32 s0, s3;
	s0 =	sld [smem:$0x3F9D]  }
0x30: {  	s3 =	sld [smem:$0x3FA0]  }
0x31: {  	[smem:$0x3FA9] =	sst s10  }
0x32: {  	s10 =	sld [smem:$0x3FA7];
	_ =	sdelay $0x3  }
0x33: {  	p0 =	seq.s32 s10, $0x1;
	s10 =	sld [smem:$0x3FA9];
	_ =	sdelay $0x3  }
0x34: {  	[smem:$0x3FA9] =	sst s10  }
0x35: {  	s10 =	sld [smem:$0x3FA8];
	_ =	sdelay $0x3  }
0x36: {  	p1 =	seq.s32 s10, $0x1;
	s10 =	sld [smem:$0x3FA9];
	_ =	sdelay $0x3  }
0x37: {  	[smem:$0x3FA9] =	sst s10  }
0x38: {  	s10 =	sld [smem:$0x3FAA]  }
0x39: {  	_ = 	snop;
	(pc) =	sbr.ind lr, $3  }
0x3a: {  	_ = 	snop  }
0x3b: {  	_ = 	snop  }
0x3c: {  	p2 =	seq.s32 s10, $0x1;
	s10 =	sld [smem:$0x3FA9]  }
0x3d: {  	_ =	shalt  }
0x3e: {  	_ =	shalt  }
0x3f: {  	_ =	shalt  }
0x40: {  	_ =	shalt  }
0x41: {  	_ =	shalt  }
0x42: {  	_ =	shalt  }
0x43: {  	_ =	shalt  }
0x44: {  	_ =	shalt  }
0x45: {  	_ =	shalt  }
0x46: {  	_ =	shalt  }
0x47: {  	_ =	shalt  }
0x48: {  	_ =	shalt  }
0x49: {  	_ =	shalt  }
0x4a: {  	_ =	shalt  }
0x4b: {  	_ =	shalt  }
0x4c: {  	_ =	shalt  }
0x4d: {  	_ =	shalt  }
0x4e: {  	_ =	shalt  }
0x4f: {  	_ =	shalt  }
0x50: {  	_ =	shalt  }
0x51: {  	_ =	shalt  }
0x52: {  	_ =	shalt  }
0x53: {  	_ =	shalt  }
0x54: {  	_ =	shalt  }
0x55: {  	_ =	shalt  }
0x56: {  	_ =	shalt  }
0x57: {  	_ =	shalt  }
0x58: {  	_ =	shalt  }
0x59: {  	_ =	shalt  }
0x5a: {  	_ =	shalt  }
0x5b: {  	_ =	shalt  }
0x5c: {  	_ =	shalt  }
0x5d: {  	_ =	shalt  }
0x5e: {  	_ =	shalt  }
0x5f: {  	_ =	shalt  }
0x60: {  	_ =	shalt  }
0x61: {  	_ =	shalt  }
0x62: {  	_ =	shalt  }
0x63: {  	_ =	shalt  }
0x64: {  	_ =	shalt  }
0x65: {  	_ =	shalt  }
0x66: {  	_ =	shalt  }
0x67: {  	_ =	shalt  }
0x68: {  	_ =	shalt  }
0x69: {  	_ =	shalt  }
0x6a: {  	_ =	shalt  }
0x6b: {  	_ =	shalt  }
0x6c: {  	_ =	shalt  }
0x6d: {  	_ =	shalt  }
0x6e: {  	_ =	shalt  }
0x6f: {  	_ =	shalt  }
0x70: {  	_ =	shalt  }
0x71: {  	_ =	shalt  }
0x72: {  	_ =	shalt  }
0x73: {  	_ =	shalt  }
0x74: {  	_ =	shalt  }
0x75: {  	_ =	shalt  }
0x76: {  	_ =	shalt  }
0x77: {  	_ =	shalt  }
0x78: {  	_ =	shalt  }
0x79: {  	_ =	shalt  }
0x7a: {  	_ =	shalt  }
0x7b: {  	_ =	shalt  }
0x7c: {  	_ =	shalt  }
0x7d: {  	_ =	shalt  }
0x7e: {  	_ =	shalt  }
0x7f: {  	_ =	shalt  }
0x80: {  	_ =	shalt  }
0x81: {  	_ =	shalt  }
0x82: {  	_ =	shalt  }
0x83: {  	_ =	shalt  }
0x84: {  	_ =	shalt  }
0x85: {  	_ =	shalt  }
0x86: {  	_ =	shalt  }
0x87: {  	_ =	shalt  }
.Lfunc_end0:
.L_simem_size_0:
called_computation.4_lowered:
.L_overlay_start_0:
0x88: {  	s2 =	sld [smem:$0x3FD9]  }
0x89: {  	s3 =	sld [smem:$0x3FFE];
	_ =	sdelay $0x1  }
0x8a: {  	s1 =	srdreg.scid  }
0x8b: {  	s0 =	sand.u32 $0x1, s1  }
0x8c: {  	s17 =	sshll.u32 s0, $0xA;
	s2 =	sadd.s32 s3, s2  }
0x8d: {  	s2 =	sadd.s32 s2, s17  }
0x8e: {  	[smem:$0x3FB5] =	sst s2  }
0x8f: {  	_ = 	snop  }
0x90: {  	s2 =	sld [smem:$0x3FD0];
	(tm) =	ssettm $0x1  }
0x91: {  	s18 =	sld [smem:$0x3FFB];
	_ =	sdelay $0x3  }
0x92: {  	_ =	strace s18  }
0x93: {  	s3 =	sld [smem:$0x3FFC];
	_ =	sdelay $0x3  }
0x94: {  	_ =	strace s3  }
0x95: {  	s3 =	sld [smem:$0x3FFD];
	_ =	sdelay $0x3  }
0x96: {  	_ =	strace s3  }
0x97: {  	_ =	strace $0x8FFFFFFF  }
0x98: {  	s19 =	sld [smem:$0x3FDB];
	_ =	sdelay $0x1  }
0x99: {  	s4 =	simm.s32 $_scs_section_size  }
0x9a: {  	s5 =	simm.s32 $_size__tile_overlayer_lowered;
	s6 =	simm.s32 $_tile_overlayer_lowered  }
0x9b: {  	s22 =	simm.s32 $0x1BFF;
	s21 =	sshll.u32 s6, $0x1;
	s3 =	sadd.s32 s4, s19  }
0x9c: {  	s7 =	simm.s32 $0x0;
	s20 =	sshll.u32 s5, $0x1;
	s5 =	sadd.s32 s21, s3  }
0x9d: {  	[timem:s7], [sflag:s22] =	dma.local [hbm:s5], s20  }
0x9e: {  	_ =	swait.ge [sflag:s22], s20  }
0x9f: {  	s4 =	ssub.s32 $0x0, s20;
	[sflag:s22] =	ssyncset.done $0x0  }
0xa0: {  	[sflag:s22] =	ssyncadd.s32 s4;
	_ =	sdelay $0x1  }
0xa1: {  	s23 =	simm.s32 $0x1B8B  }
0xa2: {  	_ =	swait.ge [sflag:s23], $0x1  }
0xa3: {  	[sflag:s23] =	ssyncset.done $0x0  }
0xa4: {  	s25 =	simm.s32 $0x1B8E;
	s24 =	sld [smem:$0x3FFE];
	[sflag:s23] =	ssyncadd.s32 $0xFFFFFFFF  }
0xa5: {  	s26 =	simm.s32 $execute0_lowered;
	[smem:$0x3FD2] =	sst s25  }
0xa6: {  	s5 =	sshll.u32 s26, $0x1;
	_ =	strace $0x80000052;
	[dreg:$0x1] =	wrdreg $0xFFFFFFFF  }
0xa7: {  	s28 =	simm.s32 $_size_execute0_lowered;
	s3 =	sadd.s32 s3, s5;
	[dreg:$0x0] =	wrdreg $0x0  }
0xa8: {  	s5 =	sshll.u32 s28, $0x1;
	[dreg:$0x2] =	wrdreg s3  }
0xa9: {  	[dreg:$0x3] =	wrdreg s5  }
0xaa: {  	[dreg:$0x4] =	wrdreg $0xC0  }
0xab: {  	_ =	task [dreg:s7], $0x5FFFF  }
0xac: {  	[dreg:$0x1] =	wrdreg $0xFFFFFFFF  }
0xad: {  	[dreg:$0x0] =	wrdreg $0x60  }
0xae: {  	[dreg:$0x2] =	wrdreg s24  }
0xaf: {  	[dreg:$0x3] =	wrdreg s2  }
0xb0: {  	[dreg:$0x4] =	wrdreg $0xB9A00  }
0xb1: {  	[dreg:$0x5] =	wrdreg $0x9  }
0xb2: {  	_ =	task.clear_ibuf [dreg:s7], $0x6FFFF;
	_ =	strace $0x90000052  }
0xb3: {  	s29 =	simm.s32 $0x9;
	_ =	strace $0x80000054  }
0xb4: {  	_ =	swait.ge [sflag:s29], $0x1  }
0xb5: {  	[sflag:s29] =	ssyncadd.s32 $0xFFFFFFFF  }
0xb6: {  	_ =	strace $0x90000054  }
0xb7: {  	_ =	sfence  }
0xb8: {  	s30 =	sld [smem:$0x0];
	_ =	sdelay $0x2  }
0xb9: {  	s31 =	sshll.u32 s1, $0xD;
	s1 =	sshrl.u32 s1, $0x2  }
0xba: {  	s3 =	sand.u32 $0x4000, s31;
	s1 =	sadd.s32 s1, s30  }
0xbb: {  	s0 =	sor.u32 s3, s0;
	s1 =	sshll.u32 s1, $0x11  }
0xbc: {  	s0 =	sor.u32 s1, s0  }
0xbd: {  	s0 =	sadd.s32 $0x8F2B, s0  }
0xbe: {  	[sflag:s0] =	ssyncadd.remote.s32 $0x1  }
0xbf: {  	_ =	sfence.sel $0xFFFF  }
0xc0: {  	[dreg:$0x0] =	wrdreg $0xFFFFFFFF;
	(pc) =	sbr.abs _section_cstart, $3  }
0xc1: {  	[dreg:$0x1] =	wrdreg $0xFFFFFFFF  }
0xc2: {  	_ =	task.clear_ibuf [dreg:s7], $0x2FFFF;
	_ =	strace $0x9FFFFFFF  }
0xc3: {  	(tm) =	ssettm $0x7FFFFFFF  }
tec
execute0_lowered:
.L_overlay_start_1:
0x0: {  	(tag) =	ssettag $0x1  }
0x1: {  	s0 =	rddreg [dreg:$0x0]  }
0x2: {  	s2 =	rddreg [dreg:$0x1]  }
0x3: {  	s3 =	rddreg [dreg:$0x2]  }
0x4: {  	s1 =	srdreg.scid;
	s14 =	stileid.u32  }
0x5: {  	s4 =	simm.s32 $0x0;
	s16 =	simm.s32 $0x3;
	s17 =	simm.s32 $0x50  }
0x6: {  	s18 =	simm.s32 $0xA0;
	s19 =	simm.s32 $0x32A0;
	s20 =	simm.s32 $0x82A0  }
0x7: {  	s21 =	simm.s32 $0x1;
	s22 =	simm.s32 $0x2;
	s23 =	simm.s32 $0x87A0  }
0x8: {  	s24 =	simm.s32 $0xAFA0;
	s25 =	simm.s32 $0x0;
	s1 =	sand.u32 $0x1, s1  }
0x9: {  	s9 =	smul.u32 $0x14000, s14;
	[smem:$0x7FF] =	sst s4;
	s5 =	sadd.s32 $0x7F600, s0  }
0xa: {  	s6 =	sadd.s32 $0x31400, s0;
	s7 =	sadd.s32 $0x5E5A00, s0;
	s12 =	sadd.s32 $0x19400, s0  }
0xb: {  	s30 =	sshll.u32 s14, $0x6;
	s8 =	smul.u32 $0x140000, s1;
	_ =	strace $0x80000053  }
0xc: {  	s11 =	ssub.s32 $0x2, s1;
	[dreg:$0x4] =	wrdreg s12;
	s1 =	sshll.u32 s1, $0x4  }
0xd: {  	s28 =	sshrl.u32 s11, $0x1;
	s1 =	sor.u32 s14, s1;
	s10 =	sadd.s32 s9, s8  }
0xe: {  	s8 =	sadd.s32 $0xF600, s0;
	s29 =	ssub.s32 s11, s28;
	s10 =	sshrl.u32 s10, $0x3  }
0xf: {  	s9 =	sadd.s32 s9, s3;
	s11 =	sor.u32 $0x1C03, s30;
	s13 =	sadd.s32 s10, s0  }
0x10: {  	v0 =	vimm.f32 $0.0e+00;
	vm0 =	vcmask $0x300;
	s12 =	smul.u32 $0x2710, s1;
	s14 =	smax.u32 s29, $0x1;
	s31 =	sadd.s32 $0xB0400, s13  }
0x11: {  	v0 =	vsel vm0, $0x3F800000, v0;
	s15 =	sshrl.u32 s9, $0x3;
	s10 =	sadd.s32 $0x100400, s0;
	[dreg:$0x5] =	wrdreg s31  }
.LBB2_1:
0x12: {  	s0 =	rddreg [dreg:$0x4]  }
0x13: {  	[spmem:s15], [sflag:s11] =	dma.local [hbm:s0], $0x2800  }
0x14: {  	_ =	swait.ge [sflag:s16], $0x2800  }
0x15: {  	[sflag:s16] =	ssyncset.done $0x0  }
0x16: {  	[sflag:s16] =	ssyncadd.s32 $0xFFFFD800  }
0x17: {  	s26 =	simm.s32 $0x0;
	[bflag:$0x0] =	sbarrier.arrive $0xFFFF  }
.LBB2_2:
0x18: {  	s0 =	smul.u32 $0x50, s26;
	_ =	sdelay $0x1  }
0x19: {  	s28 =	sadd.s32 s12, s0  }
0x1a: {  	s0 =	sshrl.u32 s28, $0x3  }
0x1b: {  	s9 =	simm.s32 $0x0;
	s1 =	sadd.s32 s8, s0  }
0x1c: {  	[tilespmem:s9], [sflag:$0x3] =	stream.linear.gather [hbm4b:s1+s9], $0x50, $0x38;
	[tilespmem:$0x1F9A0] =	vst v63  }
0x1d: {  	_ =	swait.ge [sflag:s16], $0x50  }
0x1e: {  	[sflag:s16] =	ssyncset.done $0x0  }
0x1f: {  	s0 =	sadd.s32 s2, s0;
	[sflag:s16] =	ssyncadd.s32 $0xFFFFFFB0  }
0x20: {  	[tilespmem:s17], [sflag:$0x3] =	stream.linear.gather [hbm4b:s0+s9], $0x50, $0x38;
	[tilespmem:$0x1F9A0] =	vst v63  }
0x21: {  	_ =	swait.ge [sflag:s16], $0x50  }
0x22: {  	[sflag:s16] =	ssyncset.done $0x0  }
0x23: {  	[sflag:s16] =	ssyncadd.s32 $0xFFFFFFB0  }
0x24: {  	[tilespmem:s18], [sflag:$0x1] =	stream.indirect.gather [hbm4b:s5+s17], $0xA0, s17, s17, $0xb8;
	[tilespmem:$0x1F9A0] =	vst v63  }
0x25: {  	s1 =	sshll.u32 s28, $0x1  }
0x26: {  	[tilespmem:s19], [sflag:$0x2] =	stream.indirect.gather [hbm4b:s6+s17], $0x100, s9, s17, $0xb8;
	[tilespmem:$0x1F9A0] =	vst v63  }
0x27: {  	s0 =	sadd.s32 s7, s1  }
0x28: {  	[tilespmem:s20], [sflag:$0x3] =	stream.linear.gather [hbm4b:s0+s9], $0x500, $0x38;
	[tilespmem:$0x1F9A0] =	vst v63  }
0x29: {  	_ =	swait.ge [sflag:s16], $0x500  }
0x2a: {  	[sflag:s16] =	ssyncset.done $0x0  }
0x2b: {  	[sflag:s16] =	ssyncadd.s32 $0xFFFFFB00  }
0x2c: {  	_ =	swait.ge [sflag:s21], $0x3200  }
0x2d: {  	[sflag:s21] =	ssyncset.done $0x0  }
0x2e: {  	[sflag:s21] =	ssyncadd.s32 $0xFFFFCE00  }
0x2f: {  	_ =	swait.ge [sflag:s22], $0x5000  }
0x30: {  	[sflag:s22] =	ssyncset.done $0x0  }
0x31: {  	s0 =	simm.s32 $0x3320;
	[sflag:s22] =	ssyncadd.s32 $0xFFFFB000  }
0x32: {  	s13 =	simm.s32 $0xE0;
	v1 =	vld [tilespmem:s0+$0xFFFFFF80]  }
0x33: {  	v2 =	vld [tilespmem:s13+$0xFFFFFFC0]  }
0x34: {  	s1 =	simm.s32 $0x0;
	v3 =	vld [tilespmem:s13+$0x40]  }
0x35: {  	v4 =	vld [tilespmem:s1+$0x82A0]  }
0x36: {  	v5 =	vld [tilespmem:s0+$0xFFFFFF90]  }
0x37: {  	v6 =	vld [tilespmem:s13+$0xFFFFFFD0]  }
0x38: {  	v7 =	vld [tilespmem:s0+$0xFFFFFFA0]  }
0x39: {  	v8 =	vld [tilespmem:s13+$0xFFFFFFE0]  }
0x3a: {  	v3 =	vmul.f32 v4, v3;
	v1 =	vmul.f32 v1, v2;
	v2 =	vld [tilespmem:s0+$0xFFFFFFB0]  }
0x3b: {  	v4 =	vld [tilespmem:s13+$0xFFFFFFF0]  }
0x3c: {  	v60 =	vld [tilespmem:s13+$0x0];
	v1 =	vadd.f32 v1, v3;
	v3 =	vmul.f32 v5, v6  }
0x3d: {  	v5 =	vld [tilespmem:s0+$0xFFFFFFC0]  }
0x3e: {  	v61 =	vld [tilespmem:s0+$0xFFFFFFD0];
	v1 =	vadd.f32 v3, v1;
	v3 =	vmul.f32 v7, v8  }
0x3f: {  	v62 =	vld [tilespmem:s13+$0x10]  }
0x40: {  	v2 =	vmul.f32 v2, v4;
	v4 =	vld [tilespmem:s13+$0x20];
	v1 =	vadd.f32 v3, v1  }
0x41: {  	v3 =	vld [tilespmem:s0+$0xFFFFFFE0]  }
0x42: {  	v63 =	vld [tilespmem:s13+$0x30];
	v1 =	vadd.f32 v2, v1;
	v2 =	vmul.f32 v5, v60  }
0x43: {  	v5 =	vld [tilespmem:s0+$0xFFFFFFF0]  }
0x44: {  	v1 =	vadd.f32 v2, v1;
	v2 =	vmul.f32 v61, v62;
	_ =	sdelay $0x1  }
0x45: {  	v1 =	vadd.f32 v2, v1;
	v2 =	vmul.f32 v3, v4;
	_ =	sdelay $0x1  }
0x46: {  	v1 =	vadd.f32 v2, v1;
	v2 =	vmul.f32 v5, v63;
	_ =	sdelay $0x1  }
0x47: {  	v1 =	vadd.f32 v2, v1;
	_ =	sdelay $0x1  }
0x48: {  	(xrf2) =	vadd.scan.msk.f32 $0xffff, v1;
	_ =	sdelay $0x9  }
0x49: {  	v1, _, _ =	vpop (xrf2)  }
0x4a: {  	(v2sf) =	vpush v1, $0xF;
	_ =	sdelay $0xe  }
0x4b: {  	s13 =	spop (v2sf)  }
0x4c: {  	s9 =	smul.f32 $8.838834610e-02, s13;
	_ =	sdelay $0x1  }
0x4d: {  	v1 =	vmov s9  }
0x4e: {  	v1 =	vmul.f32 $1.442695020e+00, v1;
	_ =	sdelay $0x1  }
0x4f: {  	v1 =	vbroadcast v1, $0x0;
	_ =	sdelay $0x1  }
0x50: {  	(erf) = vpow2.f32 v1;
	_ =	sdelay $0x4  }
0x51: {  	v1 =	vld [tilespmem:s0+$0x0];
	_ =	sdelay $0x3  }
0x52: {  	v2 =	vpop (erf)  }
0x53: {  	v1 =	vmul.f32 v2, v1  }
0x54: {  	s29 =	simm.s32 $0x87E0  }
0x55: {  	[tilespmem:s29+$0xFFFFFFC0] =	vst v1  }
0x56: {  	v1 =	vld [tilespmem:s0+$0x10];
	_ =	sdelay $0x4  }
0x57: {  	v1 =	vmul.f32 v2, v1;
	_ =	sdelay $0x1  }
0x58: {  	[tilespmem:s29+$0xFFFFFFD0] =	vst v1  }
0x59: {  	v1 =	vld [tilespmem:s0+$0x20];
	_ =	sdelay $0x4  }
0x5a: {  	v1 =	vmul.f32 v2, v1;
	_ =	sdelay $0x1  }
0x5b: {  	[tilespmem:s29+$0xFFFFFFE0] =	vst v1  }
0x5c: {  	v1 =	vld [tilespmem:s0+$0x30];
	_ =	sdelay $0x4  }
0x5d: {  	v1 =	vmul.f32 v2, v1;
	_ =	sdelay $0x1  }
0x5e: {  	[tilespmem:s29+$0xFFFFFFF0] =	vst v1  }
0x5f: {  	v1 =	vld [tilespmem:s0+$0x40];
	_ =	sdelay $0x4  }
0x60: {  	v1 =	vmul.f32 v2, v1;
	_ =	sdelay $0x1  }
0x61: {  	[tilespmem:s29+$0x0] =	vst v1  }
0x62: {  	v1 =	vld [tilespmem:s0+$0x50];
	_ =	sdelay $0x4  }
0x63: {  	v1 =	vmul.f32 v1, v2;
	_ =	sdelay $0x1  }
0x64: {  	[tilespmem:s29+$0x10] =	vst v1  }
0x65: {  	v1 =	vld [tilespmem:s0+$0x60];
	_ =	sdelay $0x4  }
0x66: {  	v1 =	vmul.f32 v1, v2;
	_ =	sdelay $0x1  }
0x67: {  	[tilespmem:s29+$0x20] =	vst v1  }
0x68: {  	v1 =	vld [tilespmem:s0+$0x70];
	_ =	sdelay $0x4  }
0x69: {  	v1 =	vmul.f32 v1, v2;
	_ =	sdelay $0x1  }
0x6a: {  	[tilespmem:s29+$0x30] =	vst v1  }
0x6b: {  	v1 =	vld [tilespmem:s1+$0x82A0];
	_ =	sdelay $0x3  }
0x6c: {  	v3 =	vmul.f32 v0, v2  }
0x6d: {  	s30 =	simm.s32 $0xAFB0;
	v1 =	vmul.f32 v1, v2  }
0x6e: {  	[tilespmem:s30+$0x0] =	vst v3  }
0x6f: {  	s31 =	simm.s32 $0x3420;
	[tilespmem:s30+$0xFFFFFFF0] =	vst v1  }
0x70: {  	s1 =	simm.s32 $0x180;
	v1 =	vld [tilespmem:s31+$0xFFFFFF80]  }
0x71: {  	v2 =	vld [tilespmem:s1+$0xFFFFFFC0]  }
0x72: {  	s9 =	simm.s32 $0x80;
	s0 =	simm.s32 $0x10;
	v3 =	vld [tilespmem:s1+$0x40]  }
.LBB2_3:
0x73: {  	p0 =	sne.s32 s9, $0x13C0;
	v4 =	vld [tilespmem:s0+$0x82A0]  }
0x74: {  	v5 =	vld [tilespmem:s31+$0xFFFFFF90]  }
0x75: {  	v6 =	vld [tilespmem:s1+$0xFFFFFFD0]  }
0x76: {  	v7 =	vld [tilespmem:s31+$0xFFFFFFA0]  }
0x77: {  	v8 =	vld [tilespmem:s1+$0xFFFFFFE0]  }
0x78: {  	v1 =	vmul.f32 v1, v2;
	v3 =	vmul.f32 v4, v3;
	v2 =	vld [tilespmem:s31+$0xFFFFFFB0]  }
0x79: {  	v4 =	vld [tilespmem:s1+$0xFFFFFFF0]  }
0x7a: {  	v1 =	vadd.f32 v1, v3;
	v3 =	vmul.f32 v5, v6;
	v5 =	vld [tilespmem:s31+$0xFFFFFFC0]  }
0x7b: {  	v6 =	vld [tilespmem:s1+$0x0]  }
0x7c: {  	v1 =	vadd.f32 v3, v1;
	v3 =	vmul.f32 v7, v8;
	v7 =	vld [tilespmem:s31+$0xFFFFFFD0]  }
0x7d: {  	v8 =	vld [tilespmem:s1+$0x10]  }
0x7e: {  	v1 =	vadd.f32 v3, v1;
	v2 =	vmul.f32 v2, v4;
	v3 =	vld [tilespmem:s31+$0xFFFFFFE0]  }
0x7f: {  	v4 =	vld [tilespmem:s1+$0x20]  }
0x80: {  	v1 =	vadd.f32 v2, v1;
	v2 =	vmul.f32 v5, v6;
	v5 =	vld [tilespmem:s31+$0xFFFFFFF0]  }
0x81: {  	v6 =	vld [tilespmem:s1+$0x30]  }
0x82: {  	v1 =	vadd.f32 v2, v1;
	v2 =	vmul.f32 v7, v8;
	_ =	sdelay $0x1  }
0x83: {  	v1 =	vadd.f32 v2, v1;
	v2 =	vmul.f32 v3, v4;
	_ =	sdelay $0x1  }
0x84: {  	v1 =	vadd.f32 v2, v1;
	v2 =	vmul.f32 v5, v6;
	_ =	sdelay $0x1  }
0x85: {  	v1 =	vadd.f32 v2, v1;
	_ =	sdelay $0x1  }
0x86: {  	(xrf2) =	vadd.scan.msk.f32 $0xffff, v1;
	_ =	sdelay $0x9  }
0x87: {  	v1, _, _ =	vpop (xrf2)  }
0x88: {  	(v2sf) =	vpush v1, $0xF;
	_ =	sdelay $0xe  }
0x89: {  	s13 =	spop (v2sf)  }
0x8a: {  	s13 =	smul.f32 $8.838834610e-02, s13;
	_ =	sdelay $0x1  }
0x8b: {  	v1 =	vmov s13  }
0x8c: {  	v1 =	vmul.f32 $1.442695020e+00, v1;
	_ =	sdelay $0x1  }
0x8d: {  	v1 =	vbroadcast v1, $0x0;
	_ =	sdelay $0x1  }
0x8e: {  	(erf) = vpow2.f32 v1;
	_ =	sdelay $0x4  }
0x8f: {  	v1 =	vld [tilespmem:s31+$0x0];
	_ =	sdelay $0x3  }
0x90: {  	v2 =	vpop (erf)  }
0x91: {  	v1 =	vmul.f32 v2, v1;
	v3 =	vmul.f32 v0, v2  }
0x92: {  	s29 =	sadd.s32 $0x80, s29  }
0x93: {  	[tilespmem:s29+$0xFFFFFFC0] =	vst v1  }
0x94: {  	v1 =	vld [tilespmem:s31+$0x10];
	_ =	sdelay $0x4  }
0x95: {  	v1 =	vmul.f32 v2, v1;
	_ =	sdelay $0x1  }
0x96: {  	[tilespmem:s29+$0xFFFFFFD0] =	vst v1  }
0x97: {  	v1 =	vld [tilespmem:s31+$0x20];
	_ =	sdelay $0x4  }
0x98: {  	v1 =	vmul.f32 v2, v1;
	_ =	sdelay $0x1  }
0x99: {  	[tilespmem:s29+$0xFFFFFFE0] =	vst v1  }
0x9a: {  	v1 =	vld [tilespmem:s31+$0x30];
	_ =	sdelay $0x4  }
0x9b: {  	v1 =	vmul.f32 v2, v1;
	_ =	sdelay $0x1  }
0x9c: {  	[tilespmem:s29+$0xFFFFFFF0] =	vst v1  }
0x9d: {  	v1 =	vld [tilespmem:s31+$0x40];
	_ =	sdelay $0x4  }
0x9e: {  	v1 =	vmul.f32 v2, v1;
	_ =	sdelay $0x1  }
0x9f: {  	[tilespmem:s29+$0x0] =	vst v1  }
0xa0: {  	v1 =	vld [tilespmem:s31+$0x50];
	_ =	sdelay $0x4  }
0xa1: {  	v1 =	vmul.f32 v1, v2;
	_ =	sdelay $0x1  }
0xa2: {  	[tilespmem:s29+$0x10] =	vst v1  }
0xa3: {  	v1 =	vld [tilespmem:s31+$0x60];
	_ =	sdelay $0x4  }
0xa4: {  	v1 =	vmul.f32 v1, v2;
	_ =	sdelay $0x1  }
0xa5: {  	[tilespmem:s29+$0x20] =	vst v1  }
0xa6: {  	v1 =	vld [tilespmem:s31+$0x70];
	_ =	sdelay $0x4  }
0xa7: {  	v1 =	vmul.f32 v1, v2;
	_ =	sdelay $0x1  }
0xa8: {  	s30 =	sadd.s32 $0x20, s30;
	[tilespmem:s29+$0x30] =	vst v1  }
0xa9: {  	v1 =	vld [tilespmem:s0+$0x82A0];
	[tilespmem:s30+$0x0] =	vst v3;
	_ =	sdelay $0x4  }
0xaa: {  	v1 =	vmul.f32 v1, v2  }
.Ltmp0:
0xab: {  	(pc) =	sbr.rel @p0 .LBB2_3-.Ltmp0, $4  }
0xac: {  	s31 =	sadd.s32 $0x100, s31;
	[tilespmem:s30+$0xFFFFFFF0] =	vst v1  }
0xad: {  	s1 =	sadd.s32 $0xA0, s1;
	v1 =	vld [tilespmem:s31+$0xFFFFFF80]  }
0xae: {  	v2 =	vld [tilespmem:s1+$0xFFFFFFC0]  }
0xaf: {  	s0 =	sshra.s32 s9, $0x2;
	s9 =	sadd.s32 $0x40, s9;
	v3 =	vld [tilespmem:s1+$0x40]  }
0xb0: {  	v4 =	vld [tilespmem:s0+$0x82A0]  }
0xb1: {  	v5 =	vld [tilespmem:s31+$0xFFFFFF90]  }
0xb2: {  	v6 =	vld [tilespmem:s1+$0xFFFFFFD0]  }
0xb3: {  	v7 =	vld [tilespmem:s31+$0xFFFFFFA0]  }
0xb4: {  	v8 =	vld [tilespmem:s1+$0xFFFFFFE0]  }
0xb5: {  	v56 =	vld [tilespmem:s1+$0xFFFFFFF0];
	v1 =	vmul.f32 v1, v2;
	v3 =	vmul.f32 v4, v3  }
0xb6: {  	v2 =	vld [tilespmem:s31+$0xFFFFFFB0]  }
0xb7: {  	v57 =	vld [tilespmem:s31+$0xFFFFFFC0];
	v1 =	vadd.f32 v1, v3;
	v3 =	vmul.f32 v5, v6  }
0xb8: {  	v58 =	vld [tilespmem:s1+$0x0]  }
0xb9: {  	v59 =	vld [tilespmem:s31+$0xFFFFFFD0];
	v1 =	vadd.f32 v3, v1;
	v3 =	vmul.f32 v7, v8  }
0xba: {  	v60 =	vld [tilespmem:s1+$0x10]  }
0xbb: {  	v61 =	vld [tilespmem:s1+$0x20];
	v2 =	vmul.f32 v2, v56;
	v1 =	vadd.f32 v3, v1  }
0xbc: {  	v3 =	vld [tilespmem:s31+$0xFFFFFFE0]  }
0xbd: {  	v62 =	vld [tilespmem:s31+$0xFFFFFFF0];
	v1 =	vadd.f32 v2, v1;
	v2 =	vmul.f32 v57, v58  }
0xbe: {  	v63 =	vld [tilespmem:s1+$0x30]  }
0xbf: {  	v1 =	vadd.f32 v2, v1;
	v2 =	vmul.f32 v59, v60;
	_ =	sdelay $0x1  }
0xc0: {  	v1 =	vadd.f32 v2, v1;
	v2 =	vmul.f32 v3, v61;
	_ =	sdelay $0x1  }
0xc1: {  	v1 =	vadd.f32 v2, v1;
	v2 =	vmul.f32 v62, v63;
	_ =	sdelay $0x1  }
0xc2: {  	v1 =	vadd.f32 v2, v1;
	_ =	sdelay $0x1  }
0xc3: {  	(xrf2) =	vadd.scan.msk.f32 $0xffff, v1;
	_ =	sdelay $0x9  }
0xc4: {  	v1, _, _ =	vpop (xrf2)  }
0xc5: {  	(v2sf) =	vpush v1, $0xF;
	_ =	sdelay $0xe  }
0xc6: {  	s13 =	spop (v2sf)  }
0xc7: {  	s1 =	smul.f32 $8.838834610e-02, s13;
	_ =	sdelay $0x1  }
0xc8: {  	v1 =	vmov s1  }
0xc9: {  	v1 =	vmul.f32 $1.442695020e+00, v1;
	_ =	sdelay $0x1  }
0xca: {  	v1 =	vbroadcast v1, $0x0;
	_ =	sdelay $0x1  }
0xcb: {  	(erf) = vpow2.f32 v1;
	_ =	sdelay $0x4  }
0xcc: {  	v1 =	vld [tilespmem:s31+$0x0];
	_ =	sdelay $0x3  }
0xcd: {  	v2 =	vpop (erf)  }
0xce: {  	v1 =	vmul.f32 v2, v1  }
0xcf: {  	s29 =	sadd.s32 $0x80, s29  }
0xd0: {  	[tilespmem:s29+$0xFFFFFFC0] =	vst v1  }
0xd1: {  	v1 =	vld [tilespmem:s31+$0x10];
	_ =	sdelay $0x4  }
0xd2: {  	v1 =	vmul.f32 v2, v1;
	_ =	sdelay $0x1  }
0xd3: {  	[tilespmem:s29+$0xFFFFFFD0] =	vst v1  }
0xd4: {  	v1 =	vld [tilespmem:s31+$0x20];
	_ =	sdelay $0x4  }
0xd5: {  	v1 =	vmul.f32 v2, v1;
	_ =	sdelay $0x1  }
0xd6: {  	[tilespmem:s29+$0xFFFFFFE0] =	vst v1  }
0xd7: {  	v1 =	vld [tilespmem:s31+$0x30];
	_ =	sdelay $0x4  }
0xd8: {  	v1 =	vmul.f32 v2, v1;
	_ =	sdelay $0x1  }
0xd9: {  	[tilespmem:s29+$0xFFFFFFF0] =	vst v1  }
0xda: {  	v1 =	vld [tilespmem:s31+$0x40];
	_ =	sdelay $0x4  }
0xdb: {  	v1 =	vmul.f32 v2, v1;
	_ =	sdelay $0x1  }
0xdc: {  	[tilespmem:s29+$0x0] =	vst v1  }
0xdd: {  	v1 =	vld [tilespmem:s31+$0x50];
	_ =	sdelay $0x4  }
0xde: {  	v1 =	vmul.f32 v1, v2;
	_ =	sdelay $0x1  }
0xdf: {  	[tilespmem:s29+$0x10] =	vst v1  }
0xe0: {  	v1 =	vld [tilespmem:s31+$0x60];
	_ =	sdelay $0x4  }
0xe1: {  	v1 =	vmul.f32 v1, v2;
	_ =	sdelay $0x1  }
0xe2: {  	[tilespmem:s29+$0x20] =	vst v1  }
0xe3: {  	v1 =	vld [tilespmem:s31+$0x70];
	_ =	sdelay $0x4  }
0xe4: {  	v1 =	vmul.f32 v1, v2;
	_ =	sdelay $0x1  }
0xe5: {  	[tilespmem:s29+$0x30] =	vst v1  }
0xe6: {  	v1 =	vld [tilespmem:s0+$0x82A0];
	_ =	sdelay $0x3  }
0xe7: {  	v3 =	vmul.f32 v0, v2  }
0xe8: {  	s30 =	sadd.s32 $0x20, s30;
	v1 =	vmul.f32 v1, v2  }
0xe9: {  	[tilespmem:s30+$0x0] =	vst v3  }
0xea: {  	[tilespmem:s30+$0xFFFFFFF0] =	vst v1  }
0xeb: {  	[spmem:s3] =	stream.indirect.scatter.add.f32 [tilespmem:s23], [sflag:$0x3], $0x80, s17, s17, $0xb8;
	[tilespmem:$0x1F9A0] =	vst v63  }
0xec: {  	s26 =	sadd.s32 $0x1, s26;
	_ =	swait.ge [sflag:s16], $0x2800  }
0xed: {  	p0 =	sne.s32 s26, $0x7D;
	s31 =	sshll.u32 s28, $0x2;
	[sflag:s16] =	ssyncset.done $0x0  }
.Ltmp1:
0xee: {  	s0 =	sadd.s32 s10, s31;
	[sflag:s16] =	ssyncadd.s32 $0xFFFFD800;
	(pc) =	sbr.rel @p0 .LBB2_2-.Ltmp1, $4  }
0xef: {  	[hbm4b:s0+s4] =	stream.linear.scatter [tilespmem:s24], [sflag:$0x3], $0xA00, $0x38;
	[tilespmem:$0x1F9A0] =	vst v63  }
0xf0: {  	_ =	swait.ge [sflag:s16], $0xA00  }
0xf1: {  	[sflag:s16] =	ssyncset.done $0x0  }
0xf2: {  	[sflag:s16] =	ssyncadd.s32 $0xFFFFF600  }
0xf3: {  	s25 =	sadd.s32 $0x1, s25  }
0xf4: {  	[bflag:$0x0] =	sbarrier.arrive $0xFFFF;
	p0 =	sne.s32 s25, s14  }
.Ltmp2:
0xf5: {  	s0 =	rddreg [dreg:$0x5];
	(pc) =	sbr.rel @p0 .LBB2_1-.Ltmp2, $4  }
0xf6: {  	[hbm:s0], [sflag:s11] =	dma.local [spmem:s15], $0x2800  }
0xf7: {  	_ =	swait.ge [sflag:s16], $0x2800  }
0xf8: {  	[sflag:s16] =	ssyncset.done $0x0  }
0xf9: {  	[sflag:s16] =	ssyncadd.s32 $0xFFFFD800  }
0xfa: {  	_ =	sfence.sel $0x180000  }
0xfb: {  	[bflag:$0x0] =	sbarrier.arrive $0xFFFF  }
0xfc: {  	_ =	strace $0x90000053  }
0xfd: {  	s0 =	stileid.u32;
	[bflag:$0x2] =	sbarrier.arrive $0xFFFF  }
0xfe: {  	p0 =	sne.s32 s0, $0x0;
	s0 =	rddreg [dreg:$0x3]  }
0xff: {  	s0 =	sadd.s32 @!p0 $0x100000, s0  }
0x100: {  	[sflag:s0] =	ssyncadd.tile.s32 @!p0 $0x1;
	_ =	shalt  }
.Lfunc_end2:
_tile_overlayer_lowered:
.L_overlay_start_2:
0x101: {  	(tag) =	ssettag $0x2  }
0x102: {  	s0 =	rddreg [dreg:$0x0];
	s2 =	stileid.u32  }
0x103: {  	s1 =	rddreg [dreg:$0x1];
	p0 =	sne.s32 s2, $0x0  }
0x104: {  	s3 =	rddreg [dreg:$0x2];
	[bflag:$0x3] =	sbarrier.arrive $0xFFFF;
	s2 =	simm.s32 @!p0 $0x1C03  }
0x105: {  	[timem:s3], [sflag:s2] =	dma.local @!p0 [hbm:s0], s1  }
0x106: {  	s0 =	simm.s32 @!p0 $0x3  }
0x107: {  	_ =	swait.ge @!p0 [sflag:s0], s1  }
0x108: {  	s1 =	ssub.s32 @!p0 $0x0, s1;
	[sflag:s0] =	ssyncset.done @!p0 $0x0  }
0x109: {  	[sflag:s0] =	ssyncadd.s32 @!p0 s1  }
0x10a: {  	[bflag:$0x3] =	sbarrier.arrive $0xFFFF  }
0x10b: {  	_ =	shalt  }

// kernel: kernel.32.cloned.1.call-start
scs
__scs_entry_jumppad:
0x0: {  	(pc) =	sbr.rel $0x88, $3  }
0x1: {  	(tag) =	ssettag $0x0;
	lr =	simm.s32 $0x1  }
0x2: {  	[smem:$0x3F8E] =	sst lr;
	_ =	strace $0xD0000000  }
0x3: {  	_ = 	snop  }
0x4: {  	_ = 	snop  }
0x5: {  	_ = 	snop  }
0x6: {  	_ = 	snop  }
0x7: {  	_ = 	snop  }
__scs_overlays_trampoline_lowered:
0x8: {  	[smem:$0x3F9D] =	sst s0  }
0x9: {  	[smem:$0x3F9E] =	sst s1  }
0xa: {  	[smem:$0x3F9F] =	sst s2  }
0xb: {  	[smem:$0x3FA0] =	sst s3  }
0xc: {  	[smem:$0x3FA1] =	sst s4  }
0xd: {  	[smem:$0x3FA2] =	sst s5  }
0xe: {  	[smem:$0x3FA3] =	sst s6  }
0xf: {  	[smem:$0x3FA4] =	sst s7  }
0x10: {  	[smem:$0x3FA5] =	sst s8  }
0x11: {  	[smem:$0x3FA6] =	sst s9;
	s0 =	simm.s32 @!p0 $0x0  }
0x12: {  	s1 =	sld [smem:$0x3F8C];
	s0 =	simm.s32 @p0 $0x1  }
0x13: {  	[smem:$0x3FA7] =	sst s0;
	s0 =	simm.s32 @!p1 $0x0  }
0x14: {  	s2 =	sld [smem:$0x3F8B];
	s0 =	simm.s32 @p1 $0x1  }
0x15: {  	[smem:$0x3FA8] =	sst s0;
	s0 =	simm.s32 @!p2 $0x0  }
0x16: {  	s3 =	sld [smem:$0x3FDB];
	s0 =	simm.s32 @p2 $0x1  }
0x17: {  	s4 =	simm.s32 $0x1BF5;
	[smem:$0x3FAA] =	sst s0  }
0x18: {  	s0 =	sld [smem:$0x3F8D];
	_ =	swait.ge [sflag:s4], $0x0  }
0x19: {  	s7 =	sld [smem:$0x3F8E]  }
0x1a: {  	s8 =	sadd.s32 $0xFFFFE003, lr  }
0x1b: {  	s9 =	sadd.s32 $0xFFFFFEF7, lr;
	s5 =	simm.s32 $0xFFFFFFFF;
	p2 =	slt.u32 s8, $0xFFFFF086  }
0x1c: {  	p1 =	slt.u32 s9, $0xF7A;
	s5 =	simm.s32 @!p2 $0x0  }
0x1d: {  	s5 =	simm.s32 @p1 $0x1;
	p0 =	seq.s32 s7, s2  }
0x1e: {  	s7 =	smul.u32 @!p0 $0xF7A, s2;
	p2 =	seq.s32 @!p0 s5, $0x0  }
0x1f: {  	s9 =	smul.u32 $0xF7A, s1;
	s8 =	simm.s32 @!p0 $0x1BF5;
	p2 =	por !p2, p0  }
0x20: {  	[sflag:s8] =	ssyncset.s32 @!p0 $0xFFFFF086;
	s6 =	sadd.s32 @!p0 s3, s7;
	s7 =	simm.s32 @!p0 $0x108  }
0x21: {  	s3 =	sadd.s32 s3, s9;
	s6 =	sadd.s32 @!p0 $0x88, s6;
	s7 =	simm.s32 @p2 $0x1082  }
0x22: {  	[simem:s7], [sflag:s8] =	dma.local @!p0 [hbm:s6], $0xF7A  }
0x23: {  	s9 =	sor.u32 $0xD0000000, s2;
	s6 =	simm.s32 $0x108;
	_ =	swait.ge @!p0 [sflag:s8], $0x0  }
0x24: {  	s3 =	sadd.s32 $0x88, s3;
	s6 =	simm.s32 @!p1 $0x1082;
	[sflag:s4] =	ssyncset.s32 $0xFFFFF086  }
0x25: {  	[simem:s6], [sflag:s4] =	dma.local [hbm:s3], $0xF7A  }
0x26: {  	[smem:$0x3F8E] =	sst s1;
	(tag) =	ssettag s2;
	_ =	strace s9  }
0x27: {  	s1 =	sld [smem:$0x3F9E]  }
0x28: {  	s2 =	sld [smem:$0x3F9F]  }
0x29: {  	s4 =	sld [smem:$0x3FA1]  }
0x2a: {  	p0 =	seq.s32 s5, $0x0;
	s5 =	sld [smem:$0x3FA2]  }
0x2b: {  	s6 =	sld [smem:$0x3FA3]  }
0x2c: {  	s7 =	sld [smem:$0x3FA4]  }
0x2d: {  	s3 =	simm.s32 $0x108;
	s8 =	sld [smem:$0x3FA5]  }
0x2e: {  	s3 =	simm.s32 @!p0 $0x1082;
	s9 =	sld [smem:$0x3FA6]  }
0x2f: {  	lr =	sadd.s32 s0, s3;
	s0 =	sld [smem:$0x3F9D]  }
0x30: {  	s3 =	sld [smem:$0x3FA0]  }
0x31: {  	[smem:$0x3FA9] =	sst s10  }
0x32: {  	s10 =	sld [smem:$0x3FA7];
	_ =	sdelay $0x3  }
0x33: {  	p0 =	seq.s32 s10, $0x1;
	s10 =	sld [smem:$0x3FA9];
	_ =	sdelay $0x3  }
0x34: {  	[smem:$0x3FA9] =	sst s10  }
0x35: {  	s10 =	sld [smem:$0x3FA8];
	_ =	sdelay $0x3  }
0x36: {  	p1 =	seq.s32 s10, $0x1;
	s10 =	sld [smem:$0x3FA9];
	_ =	sdelay $0x3  }
0x37: {  	[smem:$0x3FA9] =	sst s10  }
0x38: {  	s10 =	sld [smem:$0x3FAA]  }
0x39: {  	_ = 	snop;
	(pc) =	sbr.ind lr, $3  }
0x3a: {  	_ = 	snop  }
0x3b: {  	_ = 	snop  }
0x3c: {  	p2 =	seq.s32 s10, $0x1;
	s10 =	sld [smem:$0x3FA9]  }
0x3d: {  	_ =	shalt  }
0x3e: {  	_ =	shalt  }
0x3f: {  	_ =	shalt  }
0x40: {  	_ =	shalt  }
0x41: {  	_ =	shalt  }
0x42: {  	_ =	shalt  }
0x43: {  	_ =	shalt  }
0x44: {  	_ =	shalt  }
0x45: {  	_ =	shalt  }
0x46: {  	_ =	shalt  }
0x47: {  	_ =	shalt  }
0x48: {  	_ =	shalt  }
0x49: {  	_ =	shalt  }
0x4a: {  	_ =	shalt  }
0x4b: {  	_ =	shalt  }
0x4c: {  	_ =	shalt  }
0x4d: {  	_ =	shalt  }
0x4e: {  	_ =	shalt  }
0x4f: {  	_ =	shalt  }
0x50: {  	_ =	shalt  }
0x51: {  	_ =	shalt  }
0x52: {  	_ =	shalt  }
0x53: {  	_ =	shalt  }
0x54: {  	_ =	shalt  }
0x55: {  	_ =	shalt  }
0x56: {  	_ =	shalt  }
0x57: {  	_ =	shalt  }
0x58: {  	_ =	shalt  }
0x59: {  	_ =	shalt  }
0x5a: {  	_ =	shalt  }
0x5b: {  	_ =	shalt  }
0x5c: {  	_ =	shalt  }
0x5d: {  	_ =	shalt  }
0x5e: {  	_ =	shalt  }
0x5f: {  	_ =	shalt  }
0x60: {  	_ =	shalt  }
0x61: {  	_ =	shalt  }
0x62: {  	_ =	shalt  }
0x63: {  	_ =	shalt  }
0x64: {  	_ =	shalt  }
0x65: {  	_ =	shalt  }
0x66: {  	_ =	shalt  }
0x67: {  	_ =	shalt  }
0x68: {  	_ =	shalt  }
0x69: {  	_ =	shalt  }
0x6a: {  	_ =	shalt  }
0x6b: {  	_ =	shalt  }
0x6c: {  	_ =	shalt  }
0x6d: {  	_ =	shalt  }
0x6e: {  	_ =	shalt  }
0x6f: {  	_ =	shalt  }
0x70: {  	_ =	shalt  }
0x71: {  	_ =	shalt  }
0x72: {  	_ =	shalt  }
0x73: {  	_ =	shalt  }
0x74: {  	_ =	shalt  }
0x75: {  	_ =	shalt  }
0x76: {  	_ =	shalt  }
0x77: {  	_ =	shalt  }
0x78: {  	_ =	shalt  }
0x79: {  	_ =	shalt  }
0x7a: {  	_ =	shalt  }
0x7b: {  	_ =	shalt  }
0x7c: {  	_ =	shalt  }
0x7d: {  	_ =	shalt  }
0x7e: {  	_ =	shalt  }
0x7f: {  	_ =	shalt  }
0x80: {  	_ =	shalt  }
0x81: {  	_ =	shalt  }
0x82: {  	_ =	shalt  }
0x83: {  	_ =	shalt  }
0x84: {  	_ =	shalt  }
0x85: {  	_ =	shalt  }
0x86: {  	_ =	shalt  }
0x87: {  	_ =	shalt  }
.Lfunc_end0:
.L_simem_size_0:
called_computation.5_lowered:
.L_overlay_start_0:
0x88: {  	s2 =	sld [smem:$0x3FD9]  }
0x89: {  	s3 =	sld [smem:$0x3FFE];
	_ =	sdelay $0x1  }
0x8a: {  	s1 =	srdreg.scid  }
0x8b: {  	s0 =	sand.u32 $0x1, s1  }
0x8c: {  	s17 =	sshll.u32 s0, $0xA;
	s2 =	sadd.s32 s3, s2  }
0x8d: {  	s2 =	sadd.s32 s2, s17  }
0x8e: {  	[smem:$0x3FB5] =	sst s2  }
0x8f: {  	_ = 	snop  }
0x90: {  	s2 =	sld [smem:$0x3FD0];
	(tm) =	ssettm $0x1  }
0x91: {  	s18 =	sld [smem:$0x3FFB];
	_ =	sdelay $0x3  }
0x92: {  	_ =	strace s18  }
0x93: {  	s3 =	sld [smem:$0x3FFC];
	_ =	sdelay $0x3  }
0x94: {  	_ =	strace s3  }
0x95: {  	s3 =	sld [smem:$0x3FFD];
	_ =	sdelay $0x3  }
0x96: {  	_ =	strace s3  }
0x97: {  	_ =	strace $0x8FFFFFFF  }
0x98: {  	s19 =	sld [smem:$0x3FDB];
	_ =	sdelay $0x1  }
0x99: {  	s4 =	simm.s32 $_scs_section_size  }
0x9a: {  	s5 =	simm.s32 $_size__tile_overlayer_lowered;
	s6 =	simm.s32 $_tile_overlayer_lowered  }
0x9b: {  	s22 =	simm.s32 $0x1BFF;
	s21 =	sshll.u32 s6, $0x1;
	s3 =	sadd.s32 s4, s19  }
0x9c: {  	s7 =	simm.s32 $0x0;
	s20 =	sshll.u32 s5, $0x1;
	s5 =	sadd.s32 s21, s3  }
0x9d: {  	[timem:s7], [sflag:s22] =	dma.local [hbm:s5], s20  }
0x9e: {  	_ =	swait.ge [sflag:s22], s20  }
0x9f: {  	s4 =	ssub.s32 $0x0, s20;
	[sflag:s22] =	ssyncset.done $0x0  }
0xa0: {  	[sflag:s22] =	ssyncadd.s32 s4;
	_ =	sdelay $0x1  }
0xa1: {  	s23 =	simm.s32 $0x1B8B  }
0xa2: {  	_ =	swait.ge [sflag:s23], $0x1  }
0xa3: {  	[sflag:s23] =	ssyncset.done $0x0  }
0xa4: {  	s25 =	simm.s32 $0x1B8E;
	s24 =	sld [smem:$0x3FFE];
	[sflag:s23] =	ssyncadd.s32 $0xFFFFFFFF  }
0xa5: {  	s26 =	simm.s32 $execute0_lowered;
	[smem:$0x3FD2] =	sst s25  }
0xa6: {  	s5 =	sshll.u32 s26, $0x1;
	_ =	strace $0x80000055;
	[dreg:$0x1] =	wrdreg $0xFFFFFFFF  }
0xa7: {  	s28 =	simm.s32 $_size_execute0_lowered;
	s3 =	sadd.s32 s3, s5;
	[dreg:$0x0] =	wrdreg $0x0  }
0xa8: {  	s5 =	sshll.u32 s28, $0x1;
	[dreg:$0x2] =	wrdreg s3  }
0xa9: {  	[dreg:$0x3] =	wrdreg s5  }
0xaa: {  	[dreg:$0x4] =	wrdreg $0xC0  }
0xab: {  	_ =	task [dreg:s7], $0x5FFFF  }
0xac: {  	[dreg:$0x1] =	wrdreg $0xFFFFFFFF  }
0xad: {  	[dreg:$0x0] =	wrdreg $0x60  }
0xae: {  	[dreg:$0x2] =	wrdreg s24  }
0xaf: {  	[dreg:$0x3] =	wrdreg s2  }
0xb0: {  	[dreg:$0x4] =	wrdreg $0xA500  }
0xb1: {  	[dreg:$0x5] =	wrdreg $0x9  }
0xb2: {  	_ =	task.clear_ibuf [dreg:s7], $0x6FFFF;
	_ =	strace $0x90000055  }
0xb3: {  	s29 =	simm.s32 $0x9;
	_ =	strace $0x80000057  }
0xb4: {  	_ =	swait.ge [sflag:s29], $0x1  }
0xb5: {  	[sflag:s29] =	ssyncadd.s32 $0xFFFFFFFF  }
0xb6: {  	_ =	strace $0x90000057  }
0xb7: {  	_ =	sfence  }
0xb8: {  	s30 =	sld [smem:$0x0];
	_ =	sdelay $0x2  }
0xb9: {  	s31 =	sshll.u32 s1, $0xD;
	s1 =	sshrl.u32 s1, $0x2  }
0xba: {  	s3 =	sand.u32 $0x4000, s31;
	s1 =	sadd.s32 s1, s30  }
0xbb: {  	s0 =	sor.u32 s3, s0;
	s1 =	sshll.u32 s1, $0x11  }
0xbc: {  	s0 =	sor.u32 s1, s0  }
0xbd: {  	s0 =	sadd.s32 $0x8F2B, s0  }
0xbe: {  	[sflag:s0] =	ssyncadd.remote.s32 $0x1  }
0xbf: {  	_ =	sfence.sel $0xFFFF  }
0xc0: {  	[dreg:$0x0] =	wrdreg $0xFFFFFFFF;
	(pc) =	sbr.abs _section_cstart, $3  }
0xc1: {  	[dreg:$0x1] =	wrdreg $0xFFFFFFFF  }
0xc2: {  	_ =	task.clear_ibuf [dreg:s7], $0x2FFFF;
	_ =	strace $0x9FFFFFFF  }
0xc3: {  	(tm) =	ssettm $0x7FFFFFFF  }
tec
execute0_lowered:
.L_overlay_start_1:
0x0: {  	(tag) =	ssettag $0x1  }
0x1: {  	s5 =	rddreg [dreg:$0x0]  }
0x2: {  	s9 =	rddreg [dreg:$0x1];
	s1 =	stileid.u32  }
0x3: {  	s0 =	srdreg.scid;
	s7 =	smul.u32 $0x5000, s1  }
0x4: {  	s2 =	rddreg [dreg:$0x2];
	s3 =	simm.s32 $0x0;
	s26 =	smul.u32 $0x2710, s1  }
0x5: {  	s6 =	sand.u32 $0x1, s0;
	s0 =	rddreg [dreg:$0x3];
	s14 =	smul.u32 $0x9C40, s1  }
0x6: {  	[smem:$0x7FF] =	sst s3;
	s29 =	sshll.u32 s1, $0x6;
	s4 =	smul.u32 $0x9C400, s6  }
0x7: {  	s8 =	smul.u32 $0x50000, s6;
	_ =	strace $0x80000056;
	s11 =	ssub.s32 $0x2, s6  }
0x8: {  	s13 =	smul.u32 $0x27100, s6;
	s12 =	sshrl.u32 s11, $0x1;
	s28 =	sadd.s32 s7, s2  }
0x9: {  	s10 =	sadd.s32 s4, s5;
	s4 =	sadd.s32 $0x1BC00, s5;
	s8 =	sadd.s32 s7, s8  }
0xa: {  	s25 =	ssub.s32 s11, s12;
	s11 =	sadd.s32 s26, s13;
	s12 =	simm.s32 $0x50  }
0xb: {  	s13 =	simm.s32 $0x0;
	s8 =	sshrl.u32 s8, $0x3;
	s7 =	smax.u32 s25, $0x1  }
0xc: {  	s30 =	sadd.s32 s14, s10;
	s31 =	sshrl.u32 s11, $0x3;
	s10 =	sshrl.u32 s28, $0x3  }
0xd: {  	s11 =	simm.s32 $0x1;
	s24 =	sadd.s32 s8, s5;
	s5 =	sor.u32 $0x1C01, s29  }
0xe: {  	s8 =	sadd.s32 $0x100400, s30;
	s9 =	sadd.s32 s31, s9;
	s6 =	sadd.s32 $0x1C600, s24  }
.LBB2_1:
0xf: {  	[spmem:s10], [sflag:s5] =	dma.local [hbm:s4], $0xA00  }
0x10: {  	_ =	swait.ge [sflag:s11], $0xA00  }
0x11: {  	[sflag:s11] =	ssyncset.done $0x0  }
0x12: {  	[sflag:s11] =	ssyncadd.s32 $0xFFFFF600  }
0x13: {  	s14 =	sadd.s32 $0x0, s9;
	[bflag:$0x0] =	sbarrier.arrive $0xFFFF  }
0x14: {  	[tilespmem:s3], [sflag:$0x1] =	stream.linear.gather [hbm4b:s14+s3], $0x50, $0x38;
	[tilespmem:$0x5A50] =	vst v63  }
0x15: {  	_ =	swait.ge [sflag:s11], $0x50  }
0x16: {  	[sflag:s11] =	ssyncset.done $0x0  }
0x17: {  	[sflag:s11] =	ssyncadd.s32 $0xFFFFFFB0  }
0x18: {  	[tilespmem:s12], [sflag:$0x1] =	stream.linear.gather [hbm4b:s8+s3], $0xA00, $0x38;
	[tilespmem:$0x5A50] =	vst v63  }
0x19: {  	_ =	swait.ge [sflag:s11], $0xA00  }
0x1a: {  	[sflag:s11] =	ssyncset.done $0x0  }
0x1b: {  	[sflag:s11] =	ssyncadd.s32 $0xFFFFF600  }
0x1c: {  	[spmem:s2] =	stream.indirect.scatter.add.f32 [tilespmem:s12], [sflag:$0x1], $0x20, s3, s12, $0xb8;
	[tilespmem:$0x5A50] =	vst v63  }
0x1d: {  	s15 =	simm.s32 $0xA;
	_ =	swait.ge [sflag:s11], $0xA00  }
0x1e: {  	s16 =	simm.s32 $0x14;
	s14 =	sadd.s32 $0x140, s8;
	[sflag:s11] =	ssyncset.done $0x0  }
.LBB2_2:
0x1f: {  	s17 =	sadd.s32 s15, s9  }
0x20: {  	[sflag:s11] =	ssyncadd.s32 $0xFFFFF600;
	s15 =	smov.u32 s16;
	s18 =	sadd.s32 $0xA, s16  }
0x21: {  	[tilespmem:s3], [sflag:$0x1] =	stream.linear.gather [hbm4b:s17+s3], $0x50, $0x38;
	[tilespmem:$0x5A50] =	vst v63  }
0x22: {  	p0 =	sne.s32 s16, $0x4D8;
	_ =	swait.ge [sflag:s11], $0x50  }
0x23: {  	[sflag:s11] =	ssyncset.done $0x0  }
0x24: {  	[sflag:s11] =	ssyncadd.s32 $0xFFFFFFB0  }
0x25: {  	[tilespmem:s12], [sflag:$0x1] =	stream.linear.gather [hbm4b:s14+s3], $0xA00, $0x38;
	[tilespmem:$0x5A50] =	vst v63  }
0x26: {  	_ =	swait.ge [sflag:s11], $0xA00  }
.Ltmp0:
0x27: {  	[sflag:s11] =	ssyncset.done $0x0;
	(pc) =	sbr.rel @p0 .LBB2_2-.Ltmp0, $4  }
0x28: {  	[sflag:s11] =	ssyncadd.s32 $0xFFFFF600  }
0x29: {  	[spmem:s2] =	stream.indirect.scatter.add.f32 [tilespmem:s12], [sflag:$0x1], $0x20, s3, s12, $0xb8;
	[tilespmem:$0x5A50] =	vst v63  }
0x2a: {  	_ =	swait.ge [sflag:s11], $0xA00  }
0x2b: {  	s16 =	smov.u32 s18;
	s14 =	sadd.s32 $0x140, s14;
	[sflag:s11] =	ssyncset.done $0x0  }
0x2c: {  	s15 =	sadd.s32 s15, s9;
	[sflag:s11] =	ssyncadd.s32 $0xFFFFF600  }
0x2d: {  	[tilespmem:s3], [sflag:$0x1] =	stream.linear.gather [hbm4b:s15+s3], $0x50, $0x38;
	[tilespmem:$0x5A50] =	vst v63  }
0x2e: {  	_ =	swait.ge [sflag:s11], $0x50  }
0x2f: {  	[sflag:s11] =	ssyncset.done $0x0  }
0x30: {  	[sflag:s11] =	ssyncadd.s32 $0xFFFFFFB0  }
0x31: {  	[tilespmem:s12], [sflag:$0x1] =	stream.linear.gather [hbm4b:s14+s3], $0xA00, $0x38;
	[tilespmem:$0x5A50] =	vst v63  }
0x32: {  	_ =	swait.ge [sflag:s11], $0xA00  }
0x33: {  	[sflag:s11] =	ssyncset.done $0x0  }
0x34: {  	[sflag:s11] =	ssyncadd.s32 $0xFFFFF600  }
0x35: {  	[spmem:s2] =	stream.indirect.scatter.add.f32 [tilespmem:s12], [sflag:$0x1], $0x20, s3, s12, $0xb8;
	[tilespmem:$0x5A50] =	vst v63  }
0x36: {  	_ =	swait.ge [sflag:s11], $0xA00  }
0x37: {  	s13 =	sadd.s32 $0x1, s13;
	[sflag:s11] =	ssyncset.done $0x0  }
0x38: {  	p0 =	sne.s32 s13, s7;
	[sflag:s11] =	ssyncadd.s32 $0xFFFFF600  }
.Ltmp1:
0x39: {  	[bflag:$0x0] =	sbarrier.arrive $0xFFFF;
	(pc) =	sbr.rel @p0 .LBB2_1-.Ltmp1, $4  }
0x3a: {  	[hbm:s6], [sflag:s5] =	dma.local [spmem:s10], $0xA00  }
0x3b: {  	_ =	swait.ge [sflag:s11], $0xA00  }
0x3c: {  	[sflag:s11] =	ssyncset.done $0x0  }
0x3d: {  	[sflag:s11] =	ssyncadd.s32 $0xFFFFF600  }
0x3e: {  	_ =	sfence.sel $0x180000  }
0x3f: {  	[bflag:$0x0] =	sbarrier.arrive $0xFFFF  }
0x40: {  	p0 =	sne.s32 s1, $0x0;
	_ =	strace $0x90000056  }
0x41: {  	s0 =	sadd.s32 @!p0 $0x100000, s0;
	[bflag:$0x2] =	sbarrier.arrive $0xFFFF  }
0x42: {  	[sflag:s0] =	ssyncadd.tile.s32 @!p0 $0x1;
	_ =	shalt  }
.Lfunc_end2:
_tile_overlayer_lowered:
.L_overlay_start_2:
0x43: {  	(tag) =	ssettag $0x2  }
0x44: {  	s0 =	rddreg [dreg:$0x0];
	s2 =	stileid.u32  }
0x45: {  	s1 =	rddreg [dreg:$0x1];
	p0 =	sne.s32 s2, $0x0  }
0x46: {  	s3 =	rddreg [dreg:$0x2];
	[bflag:$0x3] =	sbarrier.arrive $0xFFFF;
	s2 =	simm.s32 @!p0 $0x1C01  }
0x47: {  	[timem:s3], [sflag:s2] =	dma.local @!p0 [hbm:s0], s1  }
0x48: {  	s0 =	simm.s32 @!p0 $0x1  }
0x49: {  	_ =	swait.ge @!p0 [sflag:s0], s1  }
0x4a: {  	s1 =	ssub.s32 @!p0 $0x0, s1;
	[sflag:s0] =	ssyncset.done @!p0 $0x0  }
0x4b: {  	[sflag:s0] =	ssyncadd.s32 @!p0 s1  }
0x4c: {  	[bflag:$0x3] =	sbarrier.arrive $0xFFFF  }
0x4d: {  	_ =	shalt  }

</sc_bundles>
